<compile_context>
chip_gen: v7x
topology: tpu7x:2x2x1
jax: 0.10.2.dev20260603
libtpu: 0.0.44.dev20260713+nightly
codegen_flags: <defaults>
</compile_context>

<pallas_src>
import functools

import jax
import jax.numpy as jnp
from jax import lax
from jax.experimental import pallas as pl
from jax.experimental.pallas import tpu as pltpu
from jax.experimental.pallas import tpu_sc as plsc

N, D, K = 8192, 256, 1024
ITERS = 5
BM = 1024
NBLK = N // BM
NW = 32
RPW = N // NW
QTR = RPW * D // 4
QCH = QTR // 128
ACC = K * D + K


def _rowsq_body(x_ref, out_ref):
    x = x_ref[...]
    out_ref[...] = jnp.sum(x * x, axis=1, keepdims=True)


def _rowsq(x):
    rows = x.shape[0]
    return pl.pallas_call(
        _rowsq_body,
        grid=(rows // BM,),
        in_specs=[pl.BlockSpec((BM, D), lambda i: (i, 0))],
        out_specs=pl.BlockSpec((BM, 1), lambda i: (i, 0)),
        out_shape=jax.ShapeDtypeStruct((rows, 1), jnp.float32),
    )(x)


def _fused_common(x_ref, x2_ref, s0_ref, s1_ref, n0_ref, n1_ref, c_ref,
                  cnew_ref, c2_scr):
    i = pl.program_id(0)

    @pl.when(i == 0)
    def _():
        sums = s0_ref[...] + s1_ref[...]
        counts = (n0_ref[0, :] + n1_ref[0, :])[:, None]
        new_c = sums / jnp.maximum(counts, 1.0)
        new_c = jnp.where(counts > 0, new_c, c_ref[...])
        cnew_ref[...] = new_c
        c2_scr[...] = jnp.sum(new_c * new_c, axis=1)[None, :]

    x = x_ref[...]
    c = cnew_ref[...]
    d2 = x2_ref[...] - 2.0 * jnp.dot(x, c.T) + c2_scr[...]
    return jnp.argmin(d2, axis=1).astype(jnp.int32)


def _fused_body(x_ref, x2_ref, s0_ref, s1_ref, n0_ref, n1_ref, c_ref,
                cnew_ref, idx_ref, cidx_ref, c2_scr):
    lbl = _fused_common(x_ref, x2_ref, s0_ref, s1_ref, n0_ref, n1_ref,
                        c_ref, cnew_ref, c2_scr)
    idx_ref[...] = lbl[:, None] * D + jax.lax.broadcasted_iota(
        jnp.int32, (BM, D), 1)
    cidx_ref[0, 0, :] = K * D + lbl


def _fused_final_body(x_ref, x2_ref, s0_ref, s1_ref, n0_ref, n1_ref, c_ref,
                      cnew_ref, labels_ref, c2_scr):
    lbl = _fused_common(x_ref, x2_ref, s0_ref, s1_ref, n0_ref, n1_ref,
                        c_ref, cnew_ref, c2_scr)
    labels_ref[0, 0, :] = lbl


_FUSED_IN_SPECS = [
    pl.BlockSpec((BM, D), lambda i: (i, 0)),
    pl.BlockSpec((BM, 1), lambda i: (i, 0)),
    pl.BlockSpec((K, D), lambda i: (0, 0)),
    pl.BlockSpec((K, D), lambda i: (0, 0)),
    pl.BlockSpec((1, K), lambda i: (0, 0)),
    pl.BlockSpec((1, K), lambda i: (0, 0)),
    pl.BlockSpec((K, D), lambda i: (0, 0)),
]


def _fused(x, x2, s0, s1, n0, n1, c):
    return pl.pallas_call(
        _fused_body,
        grid=(NBLK,),
        in_specs=_FUSED_IN_SPECS,
        out_specs=[
            pl.BlockSpec((K, D), lambda i: (0, 0)),
            pl.BlockSpec((BM, D), lambda i: (i, 0)),
            pl.BlockSpec((1, 1, BM), lambda i: (i, 0, 0)),
        ],
        out_shape=[
            jax.ShapeDtypeStruct((K, D), jnp.float32),
            jax.ShapeDtypeStruct((N, D), jnp.int32),
            jax.ShapeDtypeStruct((NBLK, 1, BM), jnp.int32),
        ],
        scratch_shapes=[pltpu.VMEM((1, K), jnp.float32)],
    )(x, x2, s0, s1, n0, n1, c)


def _fused_final(x, x2, s0, s1, n0, n1, c):
    return pl.pallas_call(
        _fused_final_body,
        grid=(NBLK,),
        in_specs=_FUSED_IN_SPECS,
        out_specs=[
            pl.BlockSpec((K, D), lambda i: (0, 0)),
            pl.BlockSpec((1, 1, BM), lambda i: (i, 0, 0)),
        ],
        out_shape=[
            jax.ShapeDtypeStruct((K, D), jnp.float32),
            jax.ShapeDtypeStruct((NBLK, 1, BM), jnp.int32),
        ],
        scratch_shapes=[pltpu.VMEM((1, K), jnp.float32)],
    )(x, x2, s0, s1, n0, n1, c)


def _segsum_sc_body(x_hbm, idx_hbm, cidx_hbm, zeros_hbm, ones_hbm,
                    s0_hbm, n0_hbm, s1_hbm, n1_hbm,
                    x_v0, x_v1, idx_v0, idx_v1, cidx_v, ones_v, acc_s,
                    sem_stage, sem_scat):
    x_v = (x_v0, x_v1)
    idx_v = (idx_v0, idx_v1)
    ci = lax.axis_index("c")
    si = lax.axis_index("s")
    w = si * 2 + ci
    base = w * RPW * D

    def _stage(q, buf):
        pltpu.async_copy(x_hbm.at[pl.ds(base + q * QTR, QTR)],
                         x_v[buf], sem_stage)
        pltpu.async_copy(idx_hbm.at[pl.ds(base + q * QTR, QTR)],
                         idx_v[buf], sem_stage)

    pltpu.async_copy(zeros_hbm.at[pl.ds(si * 16384, 16384)],
                     acc_s.at[pl.ds(si * 16384, 16384)], sem_stage)
    _stage(0, 0)
    pltpu.sync_copy(cidx_hbm.at[pl.ds(w * 2, 2)], cidx_v)
    pltpu.sync_copy(ones_hbm, ones_v)

    @pl.when(si < 8)
    def _():
        pltpu.sync_copy(zeros_hbm.at[pl.ds(si * 128, 128)],
                        acc_s.at[pl.ds(K * D + si * 128, 128)])

    pltpu.make_async_copy(x_hbm.at[pl.ds(0, 16384)],
                          acc_s.at[pl.ds(0, 16384)], sem_stage).wait()
    pltpu.make_async_copy(x_hbm.at[pl.ds(0, QTR)], x_v[0],
                          sem_stage).wait()
    pltpu.make_async_copy(idx_hbm.at[pl.ds(0, QTR)], idx_v[0],
                          sem_stage).wait()
    plsc.subcore_barrier()

    for q in range(4):
        buf = q % 2
        if q < 3:
            _stage(q + 1, 1 - buf)
        pltpu.async_copy(x_v[buf], acc_s.at[idx_v[buf]], sem_scat,
                         add=True)
        pltpu.make_async_copy(x_hbm.at[pl.ds(0, QTR)], x_v[buf],
                              sem_scat).wait()
        if q < 3:
            pltpu.make_async_copy(x_hbm.at[pl.ds(0, QTR)], x_v[1 - buf],
                                  sem_stage).wait()
            pltpu.make_async_copy(idx_hbm.at[pl.ds(0, QTR)],
                                  idx_v[1 - buf], sem_stage).wait()

    pltpu.async_copy(ones_v, acc_s.at[cidx_v.at[0]], sem_scat, add=True)
    pltpu.async_copy(ones_v, acc_s.at[cidx_v.at[1]], sem_scat, add=True)
    pltpu.make_async_copy(x_hbm.at[pl.ds(0, 128)], ones_v, sem_scat).wait()
    pltpu.make_async_copy(x_hbm.at[pl.ds(0, 128)], ones_v, sem_scat).wait()
    plsc.subcore_barrier()

    def _copy_out(s_hbm, n_hbm):
        pltpu.sync_copy(acc_s.at[pl.ds(si * 16384, 16384)],
                        s_hbm.at[pl.ds(si * 16384, 16384)])

        @pl.when(si < 8)
        def _():
            pltpu.sync_copy(acc_s.at[pl.ds(K * D + si * 128, 128)],
                            n_hbm.at[pl.ds(si * 128, 128)])

    @pl.when(ci == 0)
    def _():
        _copy_out(s0_hbm, n0_hbm)

    @pl.when(ci == 1)
    def _():
        _copy_out(s1_hbm, n1_hbm)


_segsum_sc = functools.partial(
    pl.kernel,
    out_type=[jax.ShapeDtypeStruct((K * D,), jnp.float32),
              jax.ShapeDtypeStruct((K,), jnp.float32),
              jax.ShapeDtypeStruct((K * D,), jnp.float32),
              jax.ShapeDtypeStruct((K,), jnp.float32)],
    mesh=plsc.VectorSubcoreMesh(core_axis_name="c", subcore_axis_name="s"),
    scratch_types=[
        pltpu.VMEM((QTR,), jnp.float32),
        pltpu.VMEM((QTR,), jnp.float32),
        pltpu.VMEM((QTR,), jnp.int32),
        pltpu.VMEM((QTR,), jnp.int32),
        pltpu.VMEM((2, 128), jnp.int32),
        pltpu.VMEM((128,), jnp.float32),
        pltpu.VMEM_SHARED((ACC,), jnp.float32),
        pltpu.SemaphoreType.DMA,
        pltpu.SemaphoreType.DMA,
    ],
)(_segsum_sc_body)


def kernel(x):
    x = x.reshape(x.shape[0], -1)
    x1d = x.reshape(-1)
    zeros = jnp.zeros((K * D,), jnp.float32)
    ones = jnp.ones((128,), jnp.float32)
    x2 = _rowsq(x)
    c = x[:K]
    s0 = s1 = zeros.reshape(K, D)
    n0 = n1 = jnp.zeros((1, K), jnp.float32)
    for _ in range(ITERS):
        c, idx, cidx = _fused(x, x2, s0, s1, n0, n1, c)
        p0s, p0n, p1s, p1n = _segsum_sc(
            x1d, idx.reshape(N * D), cidx.reshape(NW * 2, 128),
            zeros, ones)
        s0, s1 = p0s.reshape(K, D), p1s.reshape(K, D)
        n0, n1 = p0n.reshape(1, K), p1n.reshape(1, K)
    _, labels = _fused_final(x, x2, s0, s1, n0, n1, c)
    return labels.reshape(N)

# --- scband reference (transcript-rebuilt; emitter-appended) ---
"""Pipeline reference for scband-kmeans-model-31671088841242 (READ-ONLY COPY).

The authoritative reference and input builder live on the scoring server;
editing this copy changes nothing except your own understanding.
"""

import jax, jax.numpy as jnp
import numpy as np

NUM_CLASSES = 1024
N_ITERS = 5


def _pairwise_sqdist(x, c):
    # ||x - c||^2 = ||x||^2 - 2 x c^T + ||c||^2
    x2 = jnp.sum(x * x, axis=1, keepdims=True)
    c2 = jnp.sum(c * c, axis=1)[None, :]
    return x2 - 2.0 * (x @ c.T) + c2


def _kmeans_fit_predict(x, n_clusters, n_iters):
    # init centroids with the first n_clusters points (deterministic init)
    centroids = x[:n_clusters]
    for _ in range(n_iters):
        d2 = _pairwise_sqdist(x, centroids)
        labels = jnp.argmin(d2, axis=1)
        # scatter-add style per-cluster sums and counts (SparseCore-friendly)
        sums = jax.ops.segment_sum(x, labels, num_segments=n_clusters)
        counts = jax.ops.segment_sum(jnp.ones((x.shape[0],), dtype=x.dtype), labels, num_segments=n_clusters)
        new_centroids = sums / jnp.maximum(counts, 1.0)[:, None]
        centroids = jnp.where(counts[:, None] > 0, new_centroids, centroids)
    d2 = _pairwise_sqdist(x, centroids)
    labels = jnp.argmin(d2, axis=1)
    return labels


def setup_inputs(seed: int = 0) -> dict:
    key = jax.random.key(seed)
    x = jax.random.normal(key, (8192, 256), dtype=jnp.float32)
    return {"x": x}


def reference(x):
    # forward: flatten then kmeans.fit_predict -> cluster labels
    x = x.reshape(x.shape[0], -1)
    labels = _kmeans_fit_predict(x, NUM_CLASSES, N_ITERS)
    return labels

if __name__ == "__main__":
    import jax
    _d = setup_inputs()
    print(jax.jit(kernel)(*tuple(_d.values())))

</pallas_src>

<mosaic_0001>
#map = affine_map<(d0, d1) -> (0)>
#map1 = affine_map<(d0, d1) -> (0, 0)>
module attributes {stable_mosaic.version = 14 : i64} {
  func.func @_segsum_sc_body(%arg0: i32, %arg1: i32, %arg2: memref<2097152xf32, #tpu.memory_space<hbm>>, %arg3: memref<2097152xi32, #tpu.memory_space<hbm>>, %arg4: memref<64x128xi32, #tpu.memory_space<hbm>>, %arg5: memref<262144xf32, #tpu.memory_space<hbm>>, %arg6: memref<128xf32, #tpu.memory_space<hbm>>, %arg7: memref<262144xf32, #tpu.memory_space<hbm>>, %arg8: memref<1024xf32, #tpu.memory_space<hbm>>, %arg9: memref<262144xf32, #tpu.memory_space<hbm>>, %arg10: memref<1024xf32, #tpu.memory_space<hbm>>, %arg11: memref<16384xf32, #tpu.memory_space<vmem>>, %arg12: memref<16384xf32, #tpu.memory_space<vmem>>, %arg13: memref<16384xi32, #tpu.memory_space<vmem>>, %arg14: memref<16384xi32, #tpu.memory_space<vmem>>, %arg15: memref<2x128xi32, #tpu.memory_space<vmem>>, %arg16: memref<128xf32, #tpu.memory_space<vmem>>, %arg17: memref<263168xf32, #tpu.memory_space<vmem_shared>>, %arg18: memref<!tpu.dma_semaphore, #tpu.memory_space<semaphore_mem>>, %arg19: memref<!tpu.dma_semaphore, #tpu.memory_space<semaphore_mem>>) attributes {dimension_semantics = [#tpu.dimension_semantics<core_parallel>, #tpu.dimension_semantics<subcore_parallel>], iteration_bounds = array<i64: 2, 16>, scalar_prefetch = 0 : i64, scratch_operands = 9 : i64, tpu.core_type = #tpu.core_type<sc_vector_subcore>, window_params = [{transform_indices = #map}, {transform_indices = #map}, {transform_indices = #map1}, {transform_indices = #map}, {transform_indices = #map}, {transform_indices = #map}, {transform_indices = #map}, {transform_indices = #map}, {transform_indices = #map}]} {
    %mul3A = arith.constant 2 : i32
    %mul3A_0 = arith.muli %arg1, %mul3A : i32
    %add3A = arith.addi %mul3A_0, %arg0 : i32
    %mul3A_1 = arith.constant 256 : i32
    %mul3A_2 = arith.muli %add3A, %mul3A_1 : i32
    %mul3A_3 = arith.constant 256 : i32
    %mul3A_4 = arith.muli %mul3A_2, %mul3A_3 : i32
    %mul3A_5 = arith.constant 16384 : i32
    %mul3A_6 = arith.muli %arg1, %mul3A_5 : i32
    %mul3A_7 = arith.constant 16384 : i32
    %mul3A_8 = arith.muli %arg1, %mul3A_7 : i32
    %dma_start3A = tpu.memref_slice %arg17[%mul3A_8] : memref<263168xf32, #tpu.memory_space<vmem_shared>> -> memref<16384xf32, #tpu.memory_space<vmem_shared>>
    %dma_start3A_9 = tpu.memref_slice %arg5[%mul3A_6] : memref<262144xf32, #tpu.memory_space<hbm>> -> memref<16384xf32, #tpu.memory_space<hbm>>
    tpu.enqueue_dma source(%dma_start3A_9 : memref<16384xf32, #tpu.memory_space<hbm>>) target(%dma_start3A : memref<16384xf32, #tpu.memory_space<vmem_shared>>) target_semaphore(%arg18 : memref<!tpu.dma_semaphore, #tpu.memory_space<semaphore_mem>>)
    %add3A_10 = arith.constant 0 : i32
    %add3A_11 = arith.addi %mul3A_4, %add3A_10 : i32
    %dma_start3A_12 = tpu.memref_slice %arg2[%add3A_11] : memref<2097152xf32, #tpu.memory_space<hbm>> -> memref<16384xf32, #tpu.memory_space<hbm>>
    %dma_start3A_13 = tpu.memref_slice %arg2[%add3A_11] : memref<2097152xf32, #tpu.memory_space<hbm>> -> memref<16384xf32, #tpu.memory_space<hbm>>
    tpu.enqueue_dma source(%dma_start3A_13 : memref<16384xf32, #tpu.memory_space<hbm>>) target(%arg11 : memref<16384xf32, #tpu.memory_space<vmem>>) target_semaphore(%arg18 : memref<!tpu.dma_semaphore, #tpu.memory_space<semaphore_mem>>)
    %add3A_14 = arith.constant 0 : i32
    %add3A_15 = arith.addi %mul3A_4, %add3A_14 : i32
    %dma_start3A_16 = tpu.memref_slice %arg3[%add3A_15] : memref<2097152xi32, #tpu.memory_space<hbm>> -> memref<16384xi32, #tpu.memory_space<hbm>>
    %dma_start3A_17 = tpu.memref_slice %arg3[%add3A_15] : memref<2097152xi32, #tpu.memory_space<hbm>> -> memref<16384xi32, #tpu.memory_space<hbm>>
    tpu.enqueue_dma source(%dma_start3A_17 : memref<16384xi32, #tpu.memory_space<hbm>>) target(%arg13 : memref<16384xi32, #tpu.memory_space<vmem>>) target_semaphore(%arg18 : memref<!tpu.dma_semaphore, #tpu.memory_space<semaphore_mem>>)
    %mul3A_18 = arith.constant 2 : i32
    %mul3A_19 = arith.muli %add3A, %mul3A_18 : i32
    "tpu.region"() ({
      %run_scoped3A = tpu.sem_alloc : memref<!tpu.dma_semaphore, #tpu.memory_space<semaphore_mem>>
      %dma_start3A_135 = arith.constant 0 : i32
      %dma_start3A_136 = tpu.memref_slice %arg4[%mul3A_19, %dma_start3A_135] : memref<64x128xi32, #tpu.memory_space<hbm>> -> memref<2x128xi32, #tpu.memory_space<hbm>>
      %dma_start3A_137 = arith.constant 0 : i32
      %dma_start3A_138 = tpu.memref_slice %arg4[%mul3A_19, %dma_start3A_137] : memref<64x128xi32, #tpu.memory_space<hbm>> -> memref<2x128xi32, #tpu.memory_space<hbm>>
      tpu.enqueue_dma source(%dma_start3A_138 : memref<2x128xi32, #tpu.memory_space<hbm>>) target(%arg15 : memref<2x128xi32, #tpu.memory_space<vmem>>) target_semaphore(%run_scoped3A : memref<!tpu.dma_semaphore, #tpu.memory_space<semaphore_mem>>)
      %dma_wait3A_139 = arith.constant 0 : i32
      %dma_wait3A_140 = tpu.memref_slice %arg4[%mul3A_19, %dma_wait3A_139] : memref<64x128xi32, #tpu.memory_space<hbm>> -> memref<2x128xi32, #tpu.memory_space<hbm>>
      %dma_wait3A_141 = arith.constant 0 : i32
      %dma_wait3A_142 = tpu.memref_slice %arg4[%mul3A_19, %dma_wait3A_141] : memref<64x128xi32, #tpu.memory_space<hbm>> -> memref<2x128xi32, #tpu.memory_space<hbm>>
      tpu.wait_dma2 semaphore(%run_scoped3A : memref<!tpu.dma_semaphore, #tpu.memory_space<semaphore_mem>>) src(%dma_wait3A_142 : memref<2x128xi32, #tpu.memory_space<hbm>>) dst(%arg15 : memref<2x128xi32, #tpu.memory_space<vmem>>)
      tpu.yield
    }) : () -> ()
    "tpu.region"() ({
      %run_scoped3A = tpu.sem_alloc : memref<!tpu.dma_semaphore, #tpu.memory_space<semaphore_mem>>
      tpu.enqueue_dma source(%arg6 : memref<128xf32, #tpu.memory_space<hbm>>) target(%arg16 : memref<128xf32, #tpu.memory_space<vmem>>) target_semaphore(%run_scoped3A : memref<!tpu.dma_semaphore, #tpu.memory_space<semaphore_mem>>)
      tpu.wait_dma2 semaphore(%run_scoped3A : memref<!tpu.dma_semaphore, #tpu.memory_space<semaphore_mem>>) src(%arg6 : memref<128xf32, #tpu.memory_space<hbm>>) dst(%arg16 : memref<128xf32, #tpu.memory_space<vmem>>)
      tpu.yield
    }) : () -> ()
    %lt3A = arith.constant 8 : i32
    %lt3A_20 = arith.cmpi slt, %arg1, %lt3A : i32
    %convert_element_type3A = arith.extui %lt3A_20 : i1 to i32
    %cond3A = arith.constant 0 : i32
    %cond3A_21 = arith.cmpi ne, %convert_element_type3A, %cond3A : i32
    scf.if %cond3A_21 {
      %mul3A_135 = arith.constant 128 : i32
      %mul3A_136 = arith.muli %arg1, %mul3A_135 : i32
      %mul3A_137 = arith.constant 128 : i32
      %mul3A_138 = arith.muli %arg1, %mul3A_137 : i32
      %add3A_139 = arith.constant 262144 : i32
      %add3A_140 = arith.addi %add3A_139, %mul3A_138 : i32
      "tpu.region"() ({
        %run_scoped3A = tpu.sem_alloc : memref<!tpu.dma_semaphore, #tpu.memory_space<semaphore_mem>>
        %dma_start3A_141 = tpu.memref_slice %arg17[%add3A_140] : memref<263168xf32, #tpu.memory_space<vmem_shared>> -> memref<128xf32, #tpu.memory_space<vmem_shared>>
        %dma_start3A_142 = tpu.memref_slice %arg5[%mul3A_136] : memref<262144xf32, #tpu.memory_space<hbm>> -> memref<128xf32, #tpu.memory_space<hbm>>
        tpu.enqueue_dma source(%dma_start3A_142 : memref<128xf32, #tpu.memory_space<hbm>>) target(%dma_start3A_141 : memref<128xf32, #tpu.memory_space<vmem_shared>>) target_semaphore(%run_scoped3A : memref<!tpu.dma_semaphore, #tpu.memory_space<semaphore_mem>>)
        %dma_wait3A_143 = tpu.memref_slice %arg17[%add3A_140] : memref<263168xf32, #tpu.memory_space<vmem_shared>> -> memref<128xf32, #tpu.memory_space<vmem_shared>>
        %dma_wait3A_144 = tpu.memref_slice %arg5[%mul3A_136] : memref<262144xf32, #tpu.memory_space<hbm>> -> memref<128xf32, #tpu.memory_space<hbm>>
        tpu.wait_dma2 semaphore(%run_scoped3A : memref<!tpu.dma_semaphore, #tpu.memory_space<semaphore_mem>>) src(%dma_wait3A_144 : memref<128xf32, #tpu.memory_space<hbm>>) dst(%dma_wait3A_143 : memref<128xf32, #tpu.memory_space<vmem_shared>>)
        tpu.yield
      }) : () -> ()
    } else {
    }
    %dma_wait3A = arith.constant 0 : i32
    %dma_wait3A_22 = tpu.memref_slice %arg17[%dma_wait3A] : memref<263168xf32, #tpu.memory_space<vmem_shared>> -> memref<16384xf32, #tpu.memory_space<vmem_shared>>
    %dma_wait3A_23 = arith.constant 0 : i32
    %dma_wait3A_24 = tpu.memref_slice %arg2[%dma_wait3A_23] : memref<2097152xf32, #tpu.memory_space<hbm>> -> memref<16384xf32, #tpu.memory_space<hbm>>
    tpu.wait_dma2 semaphore(%arg18 : memref<!tpu.dma_semaphore, #tpu.memory_space<semaphore_mem>>) src(%dma_wait3A_24 : memref<16384xf32, #tpu.memory_space<hbm>>) dst(%dma_wait3A_22 : memref<16384xf32, #tpu.memory_space<vmem_shared>>)
    %dma_wait3A_25 = arith.constant 0 : i32
    %dma_wait3A_26 = tpu.memref_slice %arg2[%dma_wait3A_25] : memref<2097152xf32, #tpu.memory_space<hbm>> -> memref<16384xf32, #tpu.memory_space<hbm>>
    %dma_wait3A_27 = arith.constant 0 : i32
    %dma_wait3A_28 = tpu.memref_slice %arg2[%dma_wait3A_27] : memref<2097152xf32, #tpu.memory_space<hbm>> -> memref<16384xf32, #tpu.memory_space<hbm>>
    tpu.wait_dma2 semaphore(%arg18 : memref<!tpu.dma_semaphore, #tpu.memory_space<semaphore_mem>>) src(%dma_wait3A_28 : memref<16384xf32, #tpu.memory_space<hbm>>) dst(%arg11 : memref<16384xf32, #tpu.memory_space<vmem>>)
    %dma_wait3A_29 = arith.constant 0 : i32
    %dma_wait3A_30 = tpu.memref_slice %arg3[%dma_wait3A_29] : memref<2097152xi32, #tpu.memory_space<hbm>> -> memref<16384xi32, #tpu.memory_space<hbm>>
    %dma_wait3A_31 = arith.constant 0 : i32
    %dma_wait3A_32 = tpu.memref_slice %arg3[%dma_wait3A_31] : memref<2097152xi32, #tpu.memory_space<hbm>> -> memref<16384xi32, #tpu.memory_space<hbm>>
    tpu.wait_dma2 semaphore(%arg18 : memref<!tpu.dma_semaphore, #tpu.memory_space<semaphore_mem>>) src(%dma_wait3A_32 : memref<16384xi32, #tpu.memory_space<hbm>>) dst(%arg13 : memref<16384xi32, #tpu.memory_space<vmem>>)
    %barrier3A = arith.constant 0 : index
    tpu.barrier barrier_id(%barrier3A)
    %add3A_33 = arith.constant 16384 : i32
    %add3A_34 = arith.addi %mul3A_4, %add3A_33 : i32
    %dma_start3A_35 = tpu.memref_slice %arg2[%add3A_34] : memref<2097152xf32, #tpu.memory_space<hbm>> -> memref<16384xf32, #tpu.memory_space<hbm>>
    %dma_start3A_36 = tpu.memref_slice %arg2[%add3A_34] : memref<2097152xf32, #tpu.memory_space<hbm>> -> memref<16384xf32, #tpu.memory_space<hbm>>
    tpu.enqueue_dma source(%dma_start3A_36 : memref<16384xf32, #tpu.memory_space<hbm>>) target(%arg12 : memref<16384xf32, #tpu.memory_space<vmem>>) target_semaphore(%arg18 : memref<!tpu.dma_semaphore, #tpu.memory_space<semaphore_mem>>)
    %add3A_37 = arith.constant 16384 : i32
    %add3A_38 = arith.addi %mul3A_4, %add3A_37 : i32
    %dma_start3A_39 = tpu.memref_slice %arg3[%add3A_38] : memref<2097152xi32, #tpu.memory_space<hbm>> -> memref<16384xi32, #tpu.memory_space<hbm>>
    %dma_start3A_40 = tpu.memref_slice %arg3[%add3A_38] : memref<2097152xi32, #tpu.memory_space<hbm>> -> memref<16384xi32, #tpu.memory_space<hbm>>
    tpu.enqueue_dma source(%dma_start3A_40 : memref<16384xi32, #tpu.memory_space<hbm>>) target(%arg14 : memref<16384xi32, #tpu.memory_space<vmem>>) target_semaphore(%arg18 : memref<!tpu.dma_semaphore, #tpu.memory_space<semaphore_mem>>)
    %dma_start3A_41 = arith.constant 0 : i32
    %dma_start3A_42 = tpu.memref_slice %arg17[%dma_start3A_41] : memref<263168xf32, #tpu.memory_space<vmem_shared>> -> memref<263168xf32, #tpu.memory_space<vmem_shared>>
    tpu.enqueue_indirect_dma source(%arg11 : memref<16384xf32, #tpu.memory_space<vmem>>) target(%dma_start3A_42 : memref<263168xf32, #tpu.memory_space<vmem_shared>>) offsets(%arg13 : memref<16384xi32, #tpu.memory_space<vmem>>) semaphore(%arg19 : memref<!tpu.dma_semaphore, #tpu.memory_space<semaphore_mem>>) {add = true}
    %dma_wait3A_43 = arith.constant 0 : i32
    %dma_wait3A_44 = tpu.memref_slice %arg2[%dma_wait3A_43] : memref<2097152xf32, #tpu.memory_space<hbm>> -> memref<16384xf32, #tpu.memory_space<hbm>>
    %dma_wait3A_45 = arith.constant 0 : i32
    %dma_wait3A_46 = tpu.memref_slice %arg2[%dma_wait3A_45] : memref<2097152xf32, #tpu.memory_space<hbm>> -> memref<16384xf32, #tpu.memory_space<hbm>>
    tpu.wait_dma2 semaphore(%arg19 : memref<!tpu.dma_semaphore, #tpu.memory_space<semaphore_mem>>) src(%dma_wait3A_46 : memref<16384xf32, #tpu.memory_space<hbm>>) dst(%arg11 : memref<16384xf32, #tpu.memory_space<vmem>>)
    %dma_wait3A_47 = arith.constant 0 : i32
    %dma_wait3A_48 = tpu.memref_slice %arg2[%dma_wait3A_47] : memref<2097152xf32, #tpu.memory_space<hbm>> -> memref<16384xf32, #tpu.memory_space<hbm>>
    %dma_wait3A_49 = arith.constant 0 : i32
    %dma_wait3A_50 = tpu.memref_slice %arg2[%dma_wait3A_49] : memref<2097152xf32, #tpu.memory_space<hbm>> -> memref<16384xf32, #tpu.memory_space<hbm>>
    tpu.wait_dma2 semaphore(%arg18 : memref<!tpu.dma_semaphore, #tpu.memory_space<semaphore_mem>>) src(%dma_wait3A_50 : memref<16384xf32, #tpu.memory_space<hbm>>) dst(%arg12 : memref<16384xf32, #tpu.memory_space<vmem>>)
    %dma_wait3A_51 = arith.constant 0 : i32
    %dma_wait3A_52 = tpu.memref_slice %arg3[%dma_wait3A_51] : memref<2097152xi32, #tpu.memory_space<hbm>> -> memref<16384xi32, #tpu.memory_space<hbm>>
    %dma_wait3A_53 = arith.constant 0 : i32
    %dma_wait3A_54 = tpu.memref_slice %arg3[%dma_wait3A_53] : memref<2097152xi32, #tpu.memory_space<hbm>> -> memref<16384xi32, #tpu.memory_space<hbm>>
    tpu.wait_dma2 semaphore(%arg18 : memref<!tpu.dma_semaphore, #tpu.memory_space<semaphore_mem>>) src(%dma_wait3A_54 : memref<16384xi32, #tpu.memory_space<hbm>>) dst(%arg14 : memref<16384xi32, #tpu.memory_space<vmem>>)
    %add3A_55 = arith.constant 32768 : i32
    %add3A_56 = arith.addi %mul3A_4, %add3A_55 : i32
    %dma_start3A_57 = tpu.memref_slice %arg2[%add3A_56] : memref<2097152xf32, #tpu.memory_space<hbm>> -> memref<16384xf32, #tpu.memory_space<hbm>>
    %dma_start3A_58 = tpu.memref_slice %arg2[%add3A_56] : memref<2097152xf32, #tpu.memory_space<hbm>> -> memref<16384xf32, #tpu.memory_space<hbm>>
    tpu.enqueue_dma source(%dma_start3A_58 : memref<16384xf32, #tpu.memory_space<hbm>>) target(%arg11 : memref<16384xf32, #tpu.memory_space<vmem>>) target_semaphore(%arg18 : memref<!tpu.dma_semaphore, #tpu.memory_space<semaphore_mem>>)
    %add3A_59 = arith.constant 32768 : i32
    %add3A_60 = arith.addi %mul3A_4, %add3A_59 : i32
    %dma_start3A_61 = tpu.memref_slice %arg3[%add3A_60] : memref<2097152xi32, #tpu.memory_space<hbm>> -> memref<16384xi32, #tpu.memory_space<hbm>>
    %dma_start3A_62 = tpu.memref_slice %arg3[%add3A_60] : memref<2097152xi32, #tpu.memory_space<hbm>> -> memref<16384xi32, #tpu.memory_space<hbm>>
    tpu.enqueue_dma source(%dma_start3A_62 : memref<16384xi32, #tpu.memory_space<hbm>>) target(%arg13 : memref<16384xi32, #tpu.memory_space<vmem>>) target_semaphore(%arg18 : memref<!tpu.dma_semaphore, #tpu.memory_space<semaphore_mem>>)
    %dma_start3A_63 = arith.constant 0 : i32
    %dma_start3A_64 = tpu.memref_slice %arg17[%dma_start3A_63] : memref<263168xf32, #tpu.memory_space<vmem_shared>> -> memref<263168xf32, #tpu.memory_space<vmem_shared>>
    tpu.enqueue_indirect_dma source(%arg12 : memref<16384xf32, #tpu.memory_space<vmem>>) target(%dma_start3A_64 : memref<263168xf32, #tpu.memory_space<vmem_shared>>) offsets(%arg14 : memref<16384xi32, #tpu.memory_space<vmem>>) semaphore(%arg19 : memref<!tpu.dma_semaphore, #tpu.memory_space<semaphore_mem>>) {add = true}
    %dma_wait3A_65 = arith.constant 0 : i32
    %dma_wait3A_66 = tpu.memref_slice %arg2[%dma_wait3A_65] : memref<2097152xf32, #tpu.memory_space<hbm>> -> memref<16384xf32, #tpu.memory_space<hbm>>
    %dma_wait3A_67 = arith.constant 0 : i32
    %dma_wait3A_68 = tpu.memref_slice %arg2[%dma_wait3A_67] : memref<2097152xf32, #tpu.memory_space<hbm>> -> memref<16384xf32, #tpu.memory_space<hbm>>
    tpu.wait_dma2 semaphore(%arg19 : memref<!tpu.dma_semaphore, #tpu.memory_space<semaphore_mem>>) src(%dma_wait3A_68 : memref<16384xf32, #tpu.memory_space<hbm>>) dst(%arg12 : memref<16384xf32, #tpu.memory_space<vmem>>)
    %dma_wait3A_69 = arith.constant 0 : i32
    %dma_wait3A_70 = tpu.memref_slice %arg2[%dma_wait3A_69] : memref<2097152xf32, #tpu.memory_space<hbm>> -> memref<16384xf32, #tpu.memory_space<hbm>>
    %dma_wait3A_71 = arith.constant 0 : i32
    %dma_wait3A_72 = tpu.memref_slice %arg2[%dma_wait3A_71] : memref<2097152xf32, #tpu.memory_space<hbm>> -> memref<16384xf32, #tpu.memory_space<hbm>>
    tpu.wait_dma2 semaphore(%arg18 : memref<!tpu.dma_semaphore, #tpu.memory_space<semaphore_mem>>) src(%dma_wait3A_72 : memref<16384xf32, #tpu.memory_space<hbm>>) dst(%arg11 : memref<16384xf32, #tpu.memory_space<vmem>>)
    %dma_wait3A_73 = arith.constant 0 : i32
    %dma_wait3A_74 = tpu.memref_slice %arg3[%dma_wait3A_73] : memref<2097152xi32, #tpu.memory_space<hbm>> -> memref<16384xi32, #tpu.memory_space<hbm>>
    %dma_wait3A_75 = arith.constant 0 : i32
    %dma_wait3A_76 = tpu.memref_slice %arg3[%dma_wait3A_75] : memref<2097152xi32, #tpu.memory_space<hbm>> -> memref<16384xi32, #tpu.memory_space<hbm>>
    tpu.wait_dma2 semaphore(%arg18 : memref<!tpu.dma_semaphore, #tpu.memory_space<semaphore_mem>>) src(%dma_wait3A_76 : memref<16384xi32, #tpu.memory_space<hbm>>) dst(%arg13 : memref<16384xi32, #tpu.memory_space<vmem>>)
    %add3A_77 = arith.constant 49152 : i32
    %add3A_78 = arith.addi %mul3A_4, %add3A_77 : i32
    %dma_start3A_79 = tpu.memref_slice %arg2[%add3A_78] : memref<2097152xf32, #tpu.memory_space<hbm>> -> memref<16384xf32, #tpu.memory_space<hbm>>
    %dma_start3A_80 = tpu.memref_slice %arg2[%add3A_78] : memref<2097152xf32, #tpu.memory_space<hbm>> -> memref<16384xf32, #tpu.memory_space<hbm>>
    tpu.enqueue_dma source(%dma_start3A_80 : memref<16384xf32, #tpu.memory_space<hbm>>) target(%arg12 : memref<16384xf32, #tpu.memory_space<vmem>>) target_semaphore(%arg18 : memref<!tpu.dma_semaphore, #tpu.memory_space<semaphore_mem>>)
    %add3A_81 = arith.constant 49152 : i32
    %add3A_82 = arith.addi %mul3A_4, %add3A_81 : i32
    %dma_start3A_83 = tpu.memref_slice %arg3[%add3A_82] : memref<2097152xi32, #tpu.memory_space<hbm>> -> memref<16384xi32, #tpu.memory_space<hbm>>
    %dma_start3A_84 = tpu.memref_slice %arg3[%add3A_82] : memref<2097152xi32, #tpu.memory_space<hbm>> -> memref<16384xi32, #tpu.memory_space<hbm>>
    tpu.enqueue_dma source(%dma_start3A_84 : memref<16384xi32, #tpu.memory_space<hbm>>) target(%arg14 : memref<16384xi32, #tpu.memory_space<vmem>>) target_semaphore(%arg18 : memref<!tpu.dma_semaphore, #tpu.memory_space<semaphore_mem>>)
    %dma_start3A_85 = arith.constant 0 : i32
    %dma_start3A_86 = tpu.memref_slice %arg17[%dma_start3A_85] : memref<263168xf32, #tpu.memory_space<vmem_shared>> -> memref<263168xf32, #tpu.memory_space<vmem_shared>>
    tpu.enqueue_indirect_dma source(%arg11 : memref<16384xf32, #tpu.memory_space<vmem>>) target(%dma_start3A_86 : memref<263168xf32, #tpu.memory_space<vmem_shared>>) offsets(%arg13 : memref<16384xi32, #tpu.memory_space<vmem>>) semaphore(%arg19 : memref<!tpu.dma_semaphore, #tpu.memory_space<semaphore_mem>>) {add = true}
    %dma_wait3A_87 = arith.constant 0 : i32
    %dma_wait3A_88 = tpu.memref_slice %arg2[%dma_wait3A_87] : memref<2097152xf32, #tpu.memory_space<hbm>> -> memref<16384xf32, #tpu.memory_space<hbm>>
    %dma_wait3A_89 = arith.constant 0 : i32
    %dma_wait3A_90 = tpu.memref_slice %arg2[%dma_wait3A_89] : memref<2097152xf32, #tpu.memory_space<hbm>> -> memref<16384xf32, #tpu.memory_space<hbm>>
    tpu.wait_dma2 semaphore(%arg19 : memref<!tpu.dma_semaphore, #tpu.memory_space<semaphore_mem>>) src(%dma_wait3A_90 : memref<16384xf32, #tpu.memory_space<hbm>>) dst(%arg11 : memref<16384xf32, #tpu.memory_space<vmem>>)
    %dma_wait3A_91 = arith.constant 0 : i32
    %dma_wait3A_92 = tpu.memref_slice %arg2[%dma_wait3A_91] : memref<2097152xf32, #tpu.memory_space<hbm>> -> memref<16384xf32, #tpu.memory_space<hbm>>
    %dma_wait3A_93 = arith.constant 0 : i32
    %dma_wait3A_94 = tpu.memref_slice %arg2[%dma_wait3A_93] : memref<2097152xf32, #tpu.memory_space<hbm>> -> memref<16384xf32, #tpu.memory_space<hbm>>
    tpu.wait_dma2 semaphore(%arg18 : memref<!tpu.dma_semaphore, #tpu.memory_space<semaphore_mem>>) src(%dma_wait3A_94 : memref<16384xf32, #tpu.memory_space<hbm>>) dst(%arg12 : memref<16384xf32, #tpu.memory_space<vmem>>)
    %dma_wait3A_95 = arith.constant 0 : i32
    %dma_wait3A_96 = tpu.memref_slice %arg3[%dma_wait3A_95] : memref<2097152xi32, #tpu.memory_space<hbm>> -> memref<16384xi32, #tpu.memory_space<hbm>>
    %dma_wait3A_97 = arith.constant 0 : i32
    %dma_wait3A_98 = tpu.memref_slice %arg3[%dma_wait3A_97] : memref<2097152xi32, #tpu.memory_space<hbm>> -> memref<16384xi32, #tpu.memory_space<hbm>>
    tpu.wait_dma2 semaphore(%arg18 : memref<!tpu.dma_semaphore, #tpu.memory_space<semaphore_mem>>) src(%dma_wait3A_98 : memref<16384xi32, #tpu.memory_space<hbm>>) dst(%arg14 : memref<16384xi32, #tpu.memory_space<vmem>>)
    %dma_start3A_99 = arith.constant 0 : i32
    %dma_start3A_100 = tpu.memref_slice %arg17[%dma_start3A_99] : memref<263168xf32, #tpu.memory_space<vmem_shared>> -> memref<263168xf32, #tpu.memory_space<vmem_shared>>
    tpu.enqueue_indirect_dma source(%arg12 : memref<16384xf32, #tpu.memory_space<vmem>>) target(%dma_start3A_100 : memref<263168xf32, #tpu.memory_space<vmem_shared>>) offsets(%arg14 : memref<16384xi32, #tpu.memory_space<vmem>>) semaphore(%arg19 : memref<!tpu.dma_semaphore, #tpu.memory_space<semaphore_mem>>) {add = true}
    %dma_wait3A_101 = arith.constant 0 : i32
    %dma_wait3A_102 = tpu.memref_slice %arg2[%dma_wait3A_101] : memref<2097152xf32, #tpu.memory_space<hbm>> -> memref<16384xf32, #tpu.memory_space<hbm>>
    %dma_wait3A_103 = arith.constant 0 : i32
    %dma_wait3A_104 = tpu.memref_slice %arg2[%dma_wait3A_103] : memref<2097152xf32, #tpu.memory_space<hbm>> -> memref<16384xf32, #tpu.memory_space<hbm>>
    tpu.wait_dma2 semaphore(%arg19 : memref<!tpu.dma_semaphore, #tpu.memory_space<semaphore_mem>>) src(%dma_wait3A_104 : memref<16384xf32, #tpu.memory_space<hbm>>) dst(%arg12 : memref<16384xf32, #tpu.memory_space<vmem>>)
    %dma_start3A_105 = arith.constant 0 : i32
    %dma_start3A_106 = arith.constant 0 : i32
    %dma_start3A_107 = tpu.memref_slice %arg15[%dma_start3A_105, %dma_start3A_106] : memref<2x128xi32, #tpu.memory_space<vmem>> -> memref<1x128xi32, #tpu.memory_space<vmem>>
    %dma_start3A_108 = tpu.memref_squeeze %dma_start3A_107 : memref<1x128xi32, #tpu.memory_space<vmem>> -> memref<128xi32, #tpu.memory_space<vmem>>
    %dma_start3A_109 = arith.constant 0 : i32
    %dma_start3A_110 = tpu.memref_slice %arg17[%dma_start3A_109] : memref<263168xf32, #tpu.memory_space<vmem_shared>> -> memref<263168xf32, #tpu.memory_space<vmem_shared>>
    tpu.enqueue_indirect_dma source(%arg16 : memref<128xf32, #tpu.memory_space<vmem>>) target(%dma_start3A_110 : memref<263168xf32, #tpu.memory_space<vmem_shared>>) offsets(%dma_start3A_108 : memref<128xi32, #tpu.memory_space<vmem>>) semaphore(%arg19 : memref<!tpu.dma_semaphore, #tpu.memory_space<semaphore_mem>>) {add = true}
    %dma_start3A_111 = arith.constant 1 : i32
    %dma_start3A_112 = arith.constant 0 : i32
    %dma_start3A_113 = tpu.memref_slice %arg15[%dma_start3A_111, %dma_start3A_112] : memref<2x128xi32, #tpu.memory_space<vmem>> -> memref<1x128xi32, #tpu.memory_space<vmem>>
    %dma_start3A_114 = tpu.memref_squeeze %dma_start3A_113 : memref<1x128xi32, #tpu.memory_space<vmem>> -> memref<128xi32, #tpu.memory_space<vmem>>
    %dma_start3A_115 = arith.constant 0 : i32
    %dma_start3A_116 = tpu.memref_slice %arg17[%dma_start3A_115] : memref<263168xf32, #tpu.memory_space<vmem_shared>> -> memref<263168xf32, #tpu.memory_space<vmem_shared>>
    tpu.enqueue_indirect_dma source(%arg16 : memref<128xf32, #tpu.memory_space<vmem>>) target(%dma_start3A_116 : memref<263168xf32, #tpu.memory_space<vmem_shared>>) offsets(%dma_start3A_114 : memref<128xi32, #tpu.memory_space<vmem>>) semaphore(%arg19 : memref<!tpu.dma_semaphore, #tpu.memory_space<semaphore_mem>>) {add = true}
    %dma_wait3A_117 = arith.constant 0 : i32
    %dma_wait3A_118 = tpu.memref_slice %arg2[%dma_wait3A_117] : memref<2097152xf32, #tpu.memory_space<hbm>> -> memref<128xf32, #tpu.memory_space<hbm>>
    %dma_wait3A_119 = arith.constant 0 : i32
    %dma_wait3A_120 = tpu.memref_slice %arg2[%dma_wait3A_119] : memref<2097152xf32, #tpu.memory_space<hbm>> -> memref<128xf32, #tpu.memory_space<hbm>>
    tpu.wait_dma2 semaphore(%arg19 : memref<!tpu.dma_semaphore, #tpu.memory_space<semaphore_mem>>) src(%dma_wait3A_120 : memref<128xf32, #tpu.memory_space<hbm>>) dst(%arg16 : memref<128xf32, #tpu.memory_space<vmem>>)
    %dma_wait3A_121 = arith.constant 0 : i32
    %dma_wait3A_122 = tpu.memref_slice %arg2[%dma_wait3A_121] : memref<2097152xf32, #tpu.memory_space<hbm>> -> memref<128xf32, #tpu.memory_space<hbm>>
    %dma_wait3A_123 = arith.constant 0 : i32
    %dma_wait3A_124 = tpu.memref_slice %arg2[%dma_wait3A_123] : memref<2097152xf32, #tpu.memory_space<hbm>> -> memref<128xf32, #tpu.memory_space<hbm>>
    tpu.wait_dma2 semaphore(%arg19 : memref<!tpu.dma_semaphore, #tpu.memory_space<semaphore_mem>>) src(%dma_wait3A_124 : memref<128xf32, #tpu.memory_space<hbm>>) dst(%arg16 : memref<128xf32, #tpu.memory_space<vmem>>)
    %barrier3A_125 = arith.constant 0 : index
    tpu.barrier barrier_id(%barrier3A_125)
    %eq3A = arith.constant 0 : i32
    %eq3A_126 = arith.cmpi eq, %arg0, %eq3A : i32
    %convert_element_type3A_127 = arith.extui %eq3A_126 : i1 to i32
    %cond3A_128 = arith.constant 0 : i32
    %cond3A_129 = arith.cmpi ne, %convert_element_type3A_127, %cond3A_128 : i32
    scf.if %cond3A_129 {
      %mul3A_135 = arith.constant 16384 : i32
      %mul3A_136 = arith.muli %arg1, %mul3A_135 : i32
      %mul3A_137 = arith.constant 16384 : i32
      %mul3A_138 = arith.muli %arg1, %mul3A_137 : i32
      "tpu.region"() ({
        %run_scoped3A = tpu.sem_alloc : memref<!tpu.dma_semaphore, #tpu.memory_space<semaphore_mem>>
        %dma_start3A_144 = tpu.memref_slice %arg7[%mul3A_138] : memref<262144xf32, #tpu.memory_space<hbm>> -> memref<16384xf32, #tpu.memory_space<hbm>>
        %dma_start3A_145 = tpu.memref_slice %arg17[%mul3A_136] : memref<263168xf32, #tpu.memory_space<vmem_shared>> -> memref<16384xf32, #tpu.memory_space<vmem_shared>>
        tpu.enqueue_dma source(%dma_start3A_145 : memref<16384xf32, #tpu.memory_space<vmem_shared>>) target(%dma_start3A_144 : memref<16384xf32, #tpu.memory_space<hbm>>) target_semaphore(%run_scoped3A : memref<!tpu.dma_semaphore, #tpu.memory_space<semaphore_mem>>)
        %dma_wait3A_146 = tpu.memref_slice %arg7[%mul3A_138] : memref<262144xf32, #tpu.memory_space<hbm>> -> memref<16384xf32, #tpu.memory_space<hbm>>
        %dma_wait3A_147 = tpu.memref_slice %arg17[%mul3A_136] : memref<263168xf32, #tpu.memory_space<vmem_shared>> -> memref<16384xf32, #tpu.memory_space<vmem_shared>>
        tpu.wait_dma2 semaphore(%run_scoped3A : memref<!tpu.dma_semaphore, #tpu.memory_space<semaphore_mem>>) src(%dma_wait3A_147 : memref<16384xf32, #tpu.memory_space<vmem_shared>>) dst(%dma_wait3A_146 : memref<16384xf32, #tpu.memory_space<hbm>>)
        tpu.yield
      }) : () -> ()
      %lt3A_139 = arith.constant 8 : i32
      %lt3A_140 = arith.cmpi slt, %arg1, %lt3A_139 : i32
      %convert_element_type3A_141 = arith.extui %lt3A_140 : i1 to i32
      %cond3A_142 = arith.constant 0 : i32
      %cond3A_143 = arith.cmpi ne, %convert_element_type3A_141, %cond3A_142 : i32
      scf.if %cond3A_143 {
        %mul3A_144 = arith.constant 128 : i32
        %mul3A_145 = arith.muli %arg1, %mul3A_144 : i32
        %add3A_146 = arith.constant 262144 : i32
        %add3A_147 = arith.addi %add3A_146, %mul3A_145 : i32
        %mul3A_148 = arith.constant 128 : i32
        %mul3A_149 = arith.muli %arg1, %mul3A_148 : i32
        "tpu.region"() ({
          %run_scoped3A = tpu.sem_alloc : memref<!tpu.dma_semaphore, #tpu.memory_space<semaphore_mem>>
          %dma_start3A_150 = tpu.memref_slice %arg8[%mul3A_149] : memref<1024xf32, #tpu.memory_space<hbm>> -> memref<128xf32, #tpu.memory_space<hbm>>
          %dma_start3A_151 = tpu.memref_slice %arg17[%add3A_147] : memref<263168xf32, #tpu.memory_space<vmem_shared>> -> memref<128xf32, #tpu.memory_space<vmem_shared>>
          tpu.enqueue_dma source(%dma_start3A_151 : memref<128xf32, #tpu.memory_space<vmem_shared>>) target(%dma_start3A_150 : memref<128xf32, #tpu.memory_space<hbm>>) target_semaphore(%run_scoped3A : memref<!tpu.dma_semaphore, #tpu.memory_space<semaphore_mem>>)
          %dma_wait3A_152 = tpu.memref_slice %arg8[%mul3A_149] : memref<1024xf32, #tpu.memory_space<hbm>> -> memref<128xf32, #tpu.memory_space<hbm>>
          %dma_wait3A_153 = tpu.memref_slice %arg17[%add3A_147] : memref<263168xf32, #tpu.memory_space<vmem_shared>> -> memref<128xf32, #tpu.memory_space<vmem_shared>>
          tpu.wait_dma2 semaphore(%run_scoped3A : memref<!tpu.dma_semaphore, #tpu.memory_space<semaphore_mem>>) src(%dma_wait3A_153 : memref<128xf32, #tpu.memory_space<vmem_shared>>) dst(%dma_wait3A_152 : memref<128xf32, #tpu.memory_space<hbm>>)
          tpu.yield
        }) : () -> ()
      } else {
      }
    } else {
    }
    %eq3A_130 = arith.constant 1 : i32
    %eq3A_131 = arith.cmpi eq, %arg0, %eq3A_130 : i32
    %convert_element_type3A_132 = arith.extui %eq3A_131 : i1 to i32
    %cond3A_133 = arith.constant 0 : i32
    %cond3A_134 = arith.cmpi ne, %convert_element_type3A_132, %cond3A_133 : i32
    scf.if %cond3A_134 {
      %mul3A_135 = arith.constant 16384 : i32
      %mul3A_136 = arith.muli %arg1, %mul3A_135 : i32
      %mul3A_137 = arith.constant 16384 : i32
      %mul3A_138 = arith.muli %arg1, %mul3A_137 : i32
      "tpu.region"() ({
        %run_scoped3A = tpu.sem_alloc : memref<!tpu.dma_semaphore, #tpu.memory_space<semaphore_mem>>
        %dma_start3A_144 = tpu.memref_slice %arg9[%mul3A_138] : memref<262144xf32, #tpu.memory_space<hbm>> -> memref<16384xf32, #tpu.memory_space<hbm>>
        %dma_start3A_145 = tpu.memref_slice %arg17[%mul3A_136] : memref<263168xf32, #tpu.memory_space<vmem_shared>> -> memref<16384xf32, #tpu.memory_space<vmem_shared>>
        tpu.enqueue_dma source(%dma_start3A_145 : memref<16384xf32, #tpu.memory_space<vmem_shared>>) target(%dma_start3A_144 : memref<16384xf32, #tpu.memory_space<hbm>>) target_semaphore(%run_scoped3A : memref<!tpu.dma_semaphore, #tpu.memory_space<semaphore_mem>>)
        %dma_wait3A_146 = tpu.memref_slice %arg9[%mul3A_138] : memref<262144xf32, #tpu.memory_space<hbm>> -> memref<16384xf32, #tpu.memory_space<hbm>>
        %dma_wait3A_147 = tpu.memref_slice %arg17[%mul3A_136] : memref<263168xf32, #tpu.memory_space<vmem_shared>> -> memref<16384xf32, #tpu.memory_space<vmem_shared>>
        tpu.wait_dma2 semaphore(%run_scoped3A : memref<!tpu.dma_semaphore, #tpu.memory_space<semaphore_mem>>) src(%dma_wait3A_147 : memref<16384xf32, #tpu.memory_space<vmem_shared>>) dst(%dma_wait3A_146 : memref<16384xf32, #tpu.memory_space<hbm>>)
        tpu.yield
      }) : () -> ()
      %lt3A_139 = arith.constant 8 : i32
      %lt3A_140 = arith.cmpi slt, %arg1, %lt3A_139 : i32
      %convert_element_type3A_141 = arith.extui %lt3A_140 : i1 to i32
      %cond3A_142 = arith.constant 0 : i32
      %cond3A_143 = arith.cmpi ne, %convert_element_type3A_141, %cond3A_142 : i32
      scf.if %cond3A_143 {
        %mul3A_144 = arith.constant 128 : i32
        %mul3A_145 = arith.muli %arg1, %mul3A_144 : i32
        %add3A_146 = arith.constant 262144 : i32
        %add3A_147 = arith.addi %add3A_146, %mul3A_145 : i32
        %mul3A_148 = arith.constant 128 : i32
        %mul3A_149 = arith.muli %arg1, %mul3A_148 : i32
        "tpu.region"() ({
          %run_scoped3A = tpu.sem_alloc : memref<!tpu.dma_semaphore, #tpu.memory_space<semaphore_mem>>
          %dma_start3A_150 = tpu.memref_slice %arg10[%mul3A_149] : memref<1024xf32, #tpu.memory_space<hbm>> -> memref<128xf32, #tpu.memory_space<hbm>>
          %dma_start3A_151 = tpu.memref_slice %arg17[%add3A_147] : memref<263168xf32, #tpu.memory_space<vmem_shared>> -> memref<128xf32, #tpu.memory_space<vmem_shared>>
          tpu.enqueue_dma source(%dma_start3A_151 : memref<128xf32, #tpu.memory_space<vmem_shared>>) target(%dma_start3A_150 : memref<128xf32, #tpu.memory_space<hbm>>) target_semaphore(%run_scoped3A : memref<!tpu.dma_semaphore, #tpu.memory_space<semaphore_mem>>)
          %dma_wait3A_152 = tpu.memref_slice %arg10[%mul3A_149] : memref<1024xf32, #tpu.memory_space<hbm>> -> memref<128xf32, #tpu.memory_space<hbm>>
          %dma_wait3A_153 = tpu.memref_slice %arg17[%add3A_147] : memref<263168xf32, #tpu.memory_space<vmem_shared>> -> memref<128xf32, #tpu.memory_space<vmem_shared>>
          tpu.wait_dma2 semaphore(%run_scoped3A : memref<!tpu.dma_semaphore, #tpu.memory_space<semaphore_mem>>) src(%dma_wait3A_153 : memref<128xf32, #tpu.memory_space<vmem_shared>>) dst(%dma_wait3A_152 : memref<128xf32, #tpu.memory_space<hbm>>)
          tpu.yield
        }) : () -> ()
      } else {
      }
    } else {
    }
    return
  }
}

#map = affine_map<(d0, d1) -> (0)>
#map1 = affine_map<(d0, d1) -> (0, 0)>
module attributes {stable_mosaic.version = 14 : i64} {
  func.func @_segsum_sc_body(%arg0: i32, %arg1: i32, %arg2: memref<2097152xf32, #tpu.memory_space<hbm>>, %arg3: memref<2097152xi32, #tpu.memory_space<hbm>>, %arg4: memref<64x128xi32, #tpu.memory_space<hbm>>, %arg5: memref<262144xf32, #tpu.memory_space<hbm>>, %arg6: memref<128xf32, #tpu.memory_space<hbm>>, %arg7: memref<262144xf32, #tpu.memory_space<hbm>>, %arg8: memref<1024xf32, #tpu.memory_space<hbm>>, %arg9: memref<262144xf32, #tpu.memory_space<hbm>>, %arg10: memref<1024xf32, #tpu.memory_space<hbm>>, %arg11: memref<16384xf32, #tpu.memory_space<vmem>>, %arg12: memref<16384xf32, #tpu.memory_space<vmem>>, %arg13: memref<16384xi32, #tpu.memory_space<vmem>>, %arg14: memref<16384xi32, #tpu.memory_space<vmem>>, %arg15: memref<2x128xi32, #tpu.memory_space<vmem>>, %arg16: memref<128xf32, #tpu.memory_space<vmem>>, %arg17: memref<263168xf32, #tpu.memory_space<vmem_shared>>, %arg18: memref<!tpu.dma_semaphore, #tpu.memory_space<semaphore_mem>>, %arg19: memref<!tpu.dma_semaphore, #tpu.memory_space<semaphore_mem>>) attributes {dimension_semantics = [#tpu.dimension_semantics<core_parallel>, #tpu.dimension_semantics<subcore_parallel>], iteration_bounds = array<i64: 2, 16>, scalar_prefetch = 0 : i64, scratch_operands = 9 : i64, tpu.core_type = #tpu.core_type<sc_vector_subcore>, window_params = [{transform_indices = #map}, {transform_indices = #map}, {transform_indices = #map1}, {transform_indices = #map}, {transform_indices = #map}, {transform_indices = #map}, {transform_indices = #map}, {transform_indices = #map}, {transform_indices = #map}]} {
    %mul3A = arith.constant 2 : i32
    %mul3A_0 = arith.muli %arg1, %mul3A : i32
    %add3A = arith.addi %mul3A_0, %arg0 : i32
    %mul3A_1 = arith.constant 256 : i32
    %mul3A_2 = arith.muli %add3A, %mul3A_1 : i32
    %mul3A_3 = arith.constant 256 : i32
    %mul3A_4 = arith.muli %mul3A_2, %mul3A_3 : i32
    %mul3A_5 = arith.constant 16384 : i32
    %mul3A_6 = arith.muli %arg1, %mul3A_5 : i32
    %mul3A_7 = arith.constant 16384 : i32
    %mul3A_8 = arith.muli %arg1, %mul3A_7 : i32
    %dma_start3A = tpu.memref_slice %arg17[%mul3A_8] : memref<263168xf32, #tpu.memory_space<vmem_shared>> -> memref<16384xf32, #tpu.memory_space<vmem_shared>>
    %dma_start3A_9 = tpu.memref_slice %arg5[%mul3A_6] : memref<262144xf32, #tpu.memory_space<hbm>> -> memref<16384xf32, #tpu.memory_space<hbm>>
    tpu.enqueue_dma source(%dma_start3A_9 : memref<16384xf32, #tpu.memory_space<hbm>>) target(%dma_start3A : memref<16384xf32, #tpu.memory_space<vmem_shared>>) target_semaphore(%arg18 : memref<!tpu.dma_semaphore, #tpu.memory_space<semaphore_mem>>)
    %add3A_10 = arith.constant 0 : i32
    %add3A_11 = arith.addi %mul3A_4, %add3A_10 : i32
    %dma_start3A_12 = tpu.memref_slice %arg2[%add3A_11] : memref<2097152xf32, #tpu.memory_space<hbm>> -> memref<16384xf32, #tpu.memory_space<hbm>>
    %dma_start3A_13 = tpu.memref_slice %arg2[%add3A_11] : memref<2097152xf32, #tpu.memory_space<hbm>> -> memref<16384xf32, #tpu.memory_space<hbm>>
    tpu.enqueue_dma source(%dma_start3A_13 : memref<16384xf32, #tpu.memory_space<hbm>>) target(%arg11 : memref<16384xf32, #tpu.memory_space<vmem>>) target_semaphore(%arg18 : memref<!tpu.dma_semaphore, #tpu.memory_space<semaphore_mem>>)
    %add3A_14 = arith.constant 0 : i32
    %add3A_15 = arith.addi %mul3A_4, %add3A_14 : i32
    %dma_start3A_16 = tpu.memref_slice %arg3[%add3A_15] : memref<2097152xi32, #tpu.memory_space<hbm>> -> memref<16384xi32, #tpu.memory_space<hbm>>
    %dma_start3A_17 = tpu.memref_slice %arg3[%add3A_15] : memref<2097152xi32, #tpu.memory_space<hbm>> -> memref<16384xi32, #tpu.memory_space<hbm>>
    tpu.enqueue_dma source(%dma_start3A_17 : memref<16384xi32, #tpu.memory_space<hbm>>) target(%arg13 : memref<16384xi32, #tpu.memory_space<vmem>>) target_semaphore(%arg18 : memref<!tpu.dma_semaphore, #tpu.memory_space<semaphore_mem>>)
    %mul3A_18 = arith.constant 2 : i32
    %mul3A_19 = arith.muli %add3A, %mul3A_18 : i32
    "tpu.region"() ({
      %run_scoped3A = tpu.sem_alloc : memref<!tpu.dma_semaphore, #tpu.memory_space<semaphore_mem>>
      %dma_start3A_135 = arith.constant 0 : i32
      %dma_start3A_136 = tpu.memref_slice %arg4[%mul3A_19, %dma_start3A_135] : memref<64x128xi32, #tpu.memory_space<hbm>> -> memref<2x128xi32, #tpu.memory_space<hbm>>
      %dma_start3A_137 = arith.constant 0 : i32
      %dma_start3A_138 = tpu.memref_slice %arg4[%mul3A_19, %dma_start3A_137] : memref<64x128xi32, #tpu.memory_space<hbm>> -> memref<2x128xi32, #tpu.memory_space<hbm>>
      tpu.enqueue_dma source(%dma_start3A_138 : memref<2x128xi32, #tpu.memory_space<hbm>>) target(%arg15 : memref<2x128xi32, #tpu.memory_space<vmem>>) target_semaphore(%run_scoped3A : memref<!tpu.dma_semaphore, #tpu.memory_space<semaphore_mem>>)
      %dma_wait3A_139 = arith.constant 0 : i32
      %dma_wait3A_140 = tpu.memref_slice %arg4[%mul3A_19, %dma_wait3A_139] : memref<64x128xi32, #tpu.memory_space<hbm>> -> memref<2x128xi32, #tpu.memory_space<hbm>>
      %dma_wait3A_141 = arith.constant 0 : i32
      %dma_wait3A_142 = tpu.memref_slice %arg4[%mul3A_19, %dma_wait3A_141] : memref<64x128xi32, #tpu.memory_space<hbm>> -> memref<2x128xi32, #tpu.memory_space<hbm>>
      tpu.wait_dma2 semaphore(%run_scoped3A : memref<!tpu.dma_semaphore, #tpu.memory_space<semaphore_mem>>) src(%dma_wait3A_142 : memref<2x128xi32, #tpu.memory_space<hbm>>) dst(%arg15 : memref<2x128xi32, #tpu.memory_space<vmem>>)
      tpu.yield
    }) : () -> ()
    "tpu.region"() ({
      %run_scoped3A = tpu.sem_alloc : memref<!tpu.dma_semaphore, #tpu.memory_space<semaphore_mem>>
      tpu.enqueue_dma source(%arg6 : memref<128xf32, #tpu.memory_space<hbm>>) target(%arg16 : memref<128xf32, #tpu.memory_space<vmem>>) target_semaphore(%run_scoped3A : memref<!tpu.dma_semaphore, #tpu.memory_space<semaphore_mem>>)
      tpu.wait_dma2 semaphore(%run_scoped3A : memref<!tpu.dma_semaphore, #tpu.memory_space<semaphore_mem>>) src(%arg6 : memref<128xf32, #tpu.memory_space<hbm>>) dst(%arg16 : memref<128xf32, #tpu.memory_space<vmem>>)
      tpu.yield
    }) : () -> ()
    %lt3A = arith.constant 8 : i32
    %lt3A_20 = arith.cmpi slt, %arg1, %lt3A : i32
    %convert_element_type3A = arith.extui %lt3A_20 : i1 to i32
    %cond3A = arith.constant 0 : i32
    %cond3A_21 = arith.cmpi ne, %convert_element_type3A, %cond3A : i32
    scf.if %cond3A_21 {
      %mul3A_135 = arith.constant 128 : i32
      %mul3A_136 = arith.muli %arg1, %mul3A_135 : i32
      %mul3A_137 = arith.constant 128 : i32
      %mul3A_138 = arith.muli %arg1, %mul3A_137 : i32
      %add3A_139 = arith.constant 262144 : i32
      %add3A_140 = arith.addi %add3A_139, %mul3A_138 : i32
      "tpu.region"() ({
        %run_scoped3A = tpu.sem_alloc : memref<!tpu.dma_semaphore, #tpu.memory_space<semaphore_mem>>
        %dma_start3A_141 = tpu.memref_slice %arg17[%add3A_140] : memref<263168xf32, #tpu.memory_space<vmem_shared>> -> memref<128xf32, #tpu.memory_space<vmem_shared>>
        %dma_start3A_142 = tpu.memref_slice %arg5[%mul3A_136] : memref<262144xf32, #tpu.memory_space<hbm>> -> memref<128xf32, #tpu.memory_space<hbm>>
        tpu.enqueue_dma source(%dma_start3A_142 : memref<128xf32, #tpu.memory_space<hbm>>) target(%dma_start3A_141 : memref<128xf32, #tpu.memory_space<vmem_shared>>) target_semaphore(%run_scoped3A : memref<!tpu.dma_semaphore, #tpu.memory_space<semaphore_mem>>)
        %dma_wait3A_143 = tpu.memref_slice %arg17[%add3A_140] : memref<263168xf32, #tpu.memory_space<vmem_shared>> -> memref<128xf32, #tpu.memory_space<vmem_shared>>
        %dma_wait3A_144 = tpu.memref_slice %arg5[%mul3A_136] : memref<262144xf32, #tpu.memory_space<hbm>> -> memref<128xf32, #tpu.memory_space<hbm>>
        tpu.wait_dma2 semaphore(%run_scoped3A : memref<!tpu.dma_semaphore, #tpu.memory_space<semaphore_mem>>) src(%dma_wait3A_144 : memref<128xf32, #tpu.memory_space<hbm>>) dst(%dma_wait3A_143 : memref<128xf32, #tpu.memory_space<vmem_shared>>)
        tpu.yield
      }) : () -> ()
    } else {
    }
    %dma_wait3A = arith.constant 0 : i32
    %dma_wait3A_22 = tpu.memref_slice %arg17[%dma_wait3A] : memref<263168xf32, #tpu.memory_space<vmem_shared>> -> memref<16384xf32, #tpu.memory_space<vmem_shared>>
    %dma_wait3A_23 = arith.constant 0 : i32
    %dma_wait3A_24 = tpu.memref_slice %arg2[%dma_wait3A_23] : memref<2097152xf32, #tpu.memory_space<hbm>> -> memref<16384xf32, #tpu.memory_space<hbm>>
    tpu.wait_dma2 semaphore(%arg18 : memref<!tpu.dma_semaphore, #tpu.memory_space<semaphore_mem>>) src(%dma_wait3A_24 : memref<16384xf32, #tpu.memory_space<hbm>>) dst(%dma_wait3A_22 : memref<16384xf32, #tpu.memory_space<vmem_shared>>)
    %dma_wait3A_25 = arith.constant 0 : i32
    %dma_wait3A_26 = tpu.memref_slice %arg2[%dma_wait3A_25] : memref<2097152xf32, #tpu.memory_space<hbm>> -> memref<16384xf32, #tpu.memory_space<hbm>>
    %dma_wait3A_27 = arith.constant 0 : i32
    %dma_wait3A_28 = tpu.memref_slice %arg2[%dma_wait3A_27] : memref<2097152xf32, #tpu.memory_space<hbm>> -> memref<16384xf32, #tpu.memory_space<hbm>>
    tpu.wait_dma2 semaphore(%arg18 : memref<!tpu.dma_semaphore, #tpu.memory_space<semaphore_mem>>) src(%dma_wait3A_28 : memref<16384xf32, #tpu.memory_space<hbm>>) dst(%arg11 : memref<16384xf32, #tpu.memory_space<vmem>>)
    %dma_wait3A_29 = arith.constant 0 : i32
    %dma_wait3A_30 = tpu.memref_slice %arg3[%dma_wait3A_29] : memref<2097152xi32, #tpu.memory_space<hbm>> -> memref<16384xi32, #tpu.memory_space<hbm>>
    %dma_wait3A_31 = arith.constant 0 : i32
    %dma_wait3A_32 = tpu.memref_slice %arg3[%dma_wait3A_31] : memref<2097152xi32, #tpu.memory_space<hbm>> -> memref<16384xi32, #tpu.memory_space<hbm>>
    tpu.wait_dma2 semaphore(%arg18 : memref<!tpu.dma_semaphore, #tpu.memory_space<semaphore_mem>>) src(%dma_wait3A_32 : memref<16384xi32, #tpu.memory_space<hbm>>) dst(%arg13 : memref<16384xi32, #tpu.memory_space<vmem>>)
    %barrier3A = arith.constant 0 : index
    tpu.barrier barrier_id(%barrier3A)
    %add3A_33 = arith.constant 16384 : i32
    %add3A_34 = arith.addi %mul3A_4, %add3A_33 : i32
    %dma_start3A_35 = tpu.memref_slice %arg2[%add3A_34] : memref<2097152xf32, #tpu.memory_space<hbm>> -> memref<16384xf32, #tpu.memory_space<hbm>>
    %dma_start3A_36 = tpu.memref_slice %arg2[%add3A_34] : memref<2097152xf32, #tpu.memory_space<hbm>> -> memref<16384xf32, #tpu.memory_space<hbm>>
    tpu.enqueue_dma source(%dma_start3A_36 : memref<16384xf32, #tpu.memory_space<hbm>>) target(%arg12 : memref<16384xf32, #tpu.memory_space<vmem>>) target_semaphore(%arg18 : memref<!tpu.dma_semaphore, #tpu.memory_space<semaphore_mem>>)
    %add3A_37 = arith.constant 16384 : i32
    %add3A_38 = arith.addi %mul3A_4, %add3A_37 : i32
    %dma_start3A_39 = tpu.memref_slice %arg3[%add3A_38] : memref<2097152xi32, #tpu.memory_space<hbm>> -> memref<16384xi32, #tpu.memory_space<hbm>>
    %dma_start3A_40 = tpu.memref_slice %arg3[%add3A_38] : memref<2097152xi32, #tpu.memory_space<hbm>> -> memref<16384xi32, #tpu.memory_space<hbm>>
    tpu.enqueue_dma source(%dma_start3A_40 : memref<16384xi32, #tpu.memory_space<hbm>>) target(%arg14 : memref<16384xi32, #tpu.memory_space<vmem>>) target_semaphore(%arg18 : memref<!tpu.dma_semaphore, #tpu.memory_space<semaphore_mem>>)
    %dma_start3A_41 = arith.constant 0 : i32
    %dma_start3A_42 = tpu.memref_slice %arg17[%dma_start3A_41] : memref<263168xf32, #tpu.memory_space<vmem_shared>> -> memref<263168xf32, #tpu.memory_space<vmem_shared>>
    tpu.enqueue_indirect_dma source(%arg11 : memref<16384xf32, #tpu.memory_space<vmem>>) target(%dma_start3A_42 : memref<263168xf32, #tpu.memory_space<vmem_shared>>) offsets(%arg13 : memref<16384xi32, #tpu.memory_space<vmem>>) semaphore(%arg19 : memref<!tpu.dma_semaphore, #tpu.memory_space<semaphore_mem>>) {add = true}
    %dma_wait3A_43 = arith.constant 0 : i32
    %dma_wait3A_44 = tpu.memref_slice %arg2[%dma_wait3A_43] : memref<2097152xf32, #tpu.memory_space<hbm>> -> memref<16384xf32, #tpu.memory_space<hbm>>
    %dma_wait3A_45 = arith.constant 0 : i32
    %dma_wait3A_46 = tpu.memref_slice %arg2[%dma_wait3A_45] : memref<2097152xf32, #tpu.memory_space<hbm>> -> memref<16384xf32, #tpu.memory_space<hbm>>
    tpu.wait_dma2 semaphore(%arg19 : memref<!tpu.dma_semaphore, #tpu.memory_space<semaphore_mem>>) src(%dma_wait3A_46 : memref<16384xf32, #tpu.memory_space<hbm>>) dst(%arg11 : memref<16384xf32, #tpu.memory_space<vmem>>)
    %dma_wait3A_47 = arith.constant 0 : i32
    %dma_wait3A_48 = tpu.memref_slice %arg2[%dma_wait3A_47] : memref<2097152xf32, #tpu.memory_space<hbm>> -> memref<16384xf32, #tpu.memory_space<hbm>>
    %dma_wait3A_49 = arith.constant 0 : i32
    %dma_wait3A_50 = tpu.memref_slice %arg2[%dma_wait3A_49] : memref<2097152xf32, #tpu.memory_space<hbm>> -> memref<16384xf32, #tpu.memory_space<hbm>>
    tpu.wait_dma2 semaphore(%arg18 : memref<!tpu.dma_semaphore, #tpu.memory_space<semaphore_mem>>) src(%dma_wait3A_50 : memref<16384xf32, #tpu.memory_space<hbm>>) dst(%arg12 : memref<16384xf32, #tpu.memory_space<vmem>>)
    %dma_wait3A_51 = arith.constant 0 : i32
    %dma_wait3A_52 = tpu.memref_slice %arg3[%dma_wait3A_51] : memref<2097152xi32, #tpu.memory_space<hbm>> -> memref<16384xi32, #tpu.memory_space<hbm>>
    %dma_wait3A_53 = arith.constant 0 : i32
    %dma_wait3A_54 = tpu.memref_slice %arg3[%dma_wait3A_53] : memref<2097152xi32, #tpu.memory_space<hbm>> -> memref<16384xi32, #tpu.memory_space<hbm>>
    tpu.wait_dma2 semaphore(%arg18 : memref<!tpu.dma_semaphore, #tpu.memory_space<semaphore_mem>>) src(%dma_wait3A_54 : memref<16384xi32, #tpu.memory_space<hbm>>) dst(%arg14 : memref<16384xi32, #tpu.memory_space<vmem>>)
    %add3A_55 = arith.constant 32768 : i32
    %add3A_56 = arith.addi %mul3A_4, %add3A_55 : i32
    %dma_start3A_57 = tpu.memref_slice %arg2[%add3A_56] : memref<2097152xf32, #tpu.memory_space<hbm>> -> memref<16384xf32, #tpu.memory_space<hbm>>
    %dma_start3A_58 = tpu.memref_slice %arg2[%add3A_56] : memref<2097152xf32, #tpu.memory_space<hbm>> -> memref<16384xf32, #tpu.memory_space<hbm>>
    tpu.enqueue_dma source(%dma_start3A_58 : memref<16384xf32, #tpu.memory_space<hbm>>) target(%arg11 : memref<16384xf32, #tpu.memory_space<vmem>>) target_semaphore(%arg18 : memref<!tpu.dma_semaphore, #tpu.memory_space<semaphore_mem>>)
    %add3A_59 = arith.constant 32768 : i32
    %add3A_60 = arith.addi %mul3A_4, %add3A_59 : i32
    %dma_start3A_61 = tpu.memref_slice %arg3[%add3A_60] : memref<2097152xi32, #tpu.memory_space<hbm>> -> memref<16384xi32, #tpu.memory_space<hbm>>
    %dma_start3A_62 = tpu.memref_slice %arg3[%add3A_60] : memref<2097152xi32, #tpu.memory_space<hbm>> -> memref<16384xi32, #tpu.memory_space<hbm>>
    tpu.enqueue_dma source(%dma_start3A_62 : memref<16384xi32, #tpu.memory_space<hbm>>) target(%arg13 : memref<16384xi32, #tpu.memory_space<vmem>>) target_semaphore(%arg18 : memref<!tpu.dma_semaphore, #tpu.memory_space<semaphore_mem>>)
    %dma_start3A_63 = arith.constant 0 : i32
    %dma_start3A_64 = tpu.memref_slice %arg17[%dma_start3A_63] : memref<263168xf32, #tpu.memory_space<vmem_shared>> -> memref<263168xf32, #tpu.memory_space<vmem_shared>>
    tpu.enqueue_indirect_dma source(%arg12 : memref<16384xf32, #tpu.memory_space<vmem>>) target(%dma_start3A_64 : memref<263168xf32, #tpu.memory_space<vmem_shared>>) offsets(%arg14 : memref<16384xi32, #tpu.memory_space<vmem>>) semaphore(%arg19 : memref<!tpu.dma_semaphore, #tpu.memory_space<semaphore_mem>>) {add = true}
    %dma_wait3A_65 = arith.constant 0 : i32
    %dma_wait3A_66 = tpu.memref_slice %arg2[%dma_wait3A_65] : memref<2097152xf32, #tpu.memory_space<hbm>> -> memref<16384xf32, #tpu.memory_space<hbm>>
    %dma_wait3A_67 = arith.constant 0 : i32
    %dma_wait3A_68 = tpu.memref_slice %arg2[%dma_wait3A_67] : memref<2097152xf32, #tpu.memory_space<hbm>> -> memref<16384xf32, #tpu.memory_space<hbm>>
    tpu.wait_dma2 semaphore(%arg19 : memref<!tpu.dma_semaphore, #tpu.memory_space<semaphore_mem>>) src(%dma_wait3A_68 : memref<16384xf32, #tpu.memory_space<hbm>>) dst(%arg12 : memref<16384xf32, #tpu.memory_space<vmem>>)
    %dma_wait3A_69 = arith.constant 0 : i32
    %dma_wait3A_70 = tpu.memref_slice %arg2[%dma_wait3A_69] : memref<2097152xf32, #tpu.memory_space<hbm>> -> memref<16384xf32, #tpu.memory_space<hbm>>
    %dma_wait3A_71 = arith.constant 0 : i32
    %dma_wait3A_72 = tpu.memref_slice %arg2[%dma_wait3A_71] : memref<2097152xf32, #tpu.memory_space<hbm>> -> memref<16384xf32, #tpu.memory_space<hbm>>
    tpu.wait_dma2 semaphore(%arg18 : memref<!tpu.dma_semaphore, #tpu.memory_space<semaphore_mem>>) src(%dma_wait3A_72 : memref<16384xf32, #tpu.memory_space<hbm>>) dst(%arg11 : memref<16384xf32, #tpu.memory_space<vmem>>)
    %dma_wait3A_73 = arith.constant 0 : i32
    %dma_wait3A_74 = tpu.memref_slice %arg3[%dma_wait3A_73] : memref<2097152xi32, #tpu.memory_space<hbm>> -> memref<16384xi32, #tpu.memory_space<hbm>>
    %dma_wait3A_75 = arith.constant 0 : i32
    %dma_wait3A_76 = tpu.memref_slice %arg3[%dma_wait3A_75] : memref<2097152xi32, #tpu.memory_space<hbm>> -> memref<16384xi32, #tpu.memory_space<hbm>>
    tpu.wait_dma2 semaphore(%arg18 : memref<!tpu.dma_semaphore, #tpu.memory_space<semaphore_mem>>) src(%dma_wait3A_76 : memref<16384xi32, #tpu.memory_space<hbm>>) dst(%arg13 : memref<16384xi32, #tpu.memory_space<vmem>>)
    %add3A_77 = arith.constant 49152 : i32
    %add3A_78 = arith.addi %mul3A_4, %add3A_77 : i32
    %dma_start3A_79 = tpu.memref_slice %arg2[%add3A_78] : memref<2097152xf32, #tpu.memory_space<hbm>> -> memref<16384xf32, #tpu.memory_space<hbm>>
    %dma_start3A_80 = tpu.memref_slice %arg2[%add3A_78] : memref<2097152xf32, #tpu.memory_space<hbm>> -> memref<16384xf32, #tpu.memory_space<hbm>>
    tpu.enqueue_dma source(%dma_start3A_80 : memref<16384xf32, #tpu.memory_space<hbm>>) target(%arg12 : memref<16384xf32, #tpu.memory_space<vmem>>) target_semaphore(%arg18 : memref<!tpu.dma_semaphore, #tpu.memory_space<semaphore_mem>>)
    %add3A_81 = arith.constant 49152 : i32
    %add3A_82 = arith.addi %mul3A_4, %add3A_81 : i32
    %dma_start3A_83 = tpu.memref_slice %arg3[%add3A_82] : memref<2097152xi32, #tpu.memory_space<hbm>> -> memref<16384xi32, #tpu.memory_space<hbm>>
    %dma_start3A_84 = tpu.memref_slice %arg3[%add3A_82] : memref<2097152xi32, #tpu.memory_space<hbm>> -> memref<16384xi32, #tpu.memory_space<hbm>>
    tpu.enqueue_dma source(%dma_start3A_84 : memref<16384xi32, #tpu.memory_space<hbm>>) target(%arg14 : memref<16384xi32, #tpu.memory_space<vmem>>) target_semaphore(%arg18 : memref<!tpu.dma_semaphore, #tpu.memory_space<semaphore_mem>>)
    %dma_start3A_85 = arith.constant 0 : i32
    %dma_start3A_86 = tpu.memref_slice %arg17[%dma_start3A_85] : memref<263168xf32, #tpu.memory_space<vmem_shared>> -> memref<263168xf32, #tpu.memory_space<vmem_shared>>
    tpu.enqueue_indirect_dma source(%arg11 : memref<16384xf32, #tpu.memory_space<vmem>>) target(%dma_start3A_86 : memref<263168xf32, #tpu.memory_space<vmem_shared>>) offsets(%arg13 : memref<16384xi32, #tpu.memory_space<vmem>>) semaphore(%arg19 : memref<!tpu.dma_semaphore, #tpu.memory_space<semaphore_mem>>) {add = true}
    %dma_wait3A_87 = arith.constant 0 : i32
    %dma_wait3A_88 = tpu.memref_slice %arg2[%dma_wait3A_87] : memref<2097152xf32, #tpu.memory_space<hbm>> -> memref<16384xf32, #tpu.memory_space<hbm>>
    %dma_wait3A_89 = arith.constant 0 : i32
    %dma_wait3A_90 = tpu.memref_slice %arg2[%dma_wait3A_89] : memref<2097152xf32, #tpu.memory_space<hbm>> -> memref<16384xf32, #tpu.memory_space<hbm>>
    tpu.wait_dma2 semaphore(%arg19 : memref<!tpu.dma_semaphore, #tpu.memory_space<semaphore_mem>>) src(%dma_wait3A_90 : memref<16384xf32, #tpu.memory_space<hbm>>) dst(%arg11 : memref<16384xf32, #tpu.memory_space<vmem>>)
    %dma_wait3A_91 = arith.constant 0 : i32
    %dma_wait3A_92 = tpu.memref_slice %arg2[%dma_wait3A_91] : memref<2097152xf32, #tpu.memory_space<hbm>> -> memref<16384xf32, #tpu.memory_space<hbm>>
    %dma_wait3A_93 = arith.constant 0 : i32
    %dma_wait3A_94 = tpu.memref_slice %arg2[%dma_wait3A_93] : memref<2097152xf32, #tpu.memory_space<hbm>> -> memref<16384xf32, #tpu.memory_space<hbm>>
    tpu.wait_dma2 semaphore(%arg18 : memref<!tpu.dma_semaphore, #tpu.memory_space<semaphore_mem>>) src(%dma_wait3A_94 : memref<16384xf32, #tpu.memory_space<hbm>>) dst(%arg12 : memref<16384xf32, #tpu.memory_space<vmem>>)
    %dma_wait3A_95 = arith.constant 0 : i32
    %dma_wait3A_96 = tpu.memref_slice %arg3[%dma_wait3A_95] : memref<2097152xi32, #tpu.memory_space<hbm>> -> memref<16384xi32, #tpu.memory_space<hbm>>
    %dma_wait3A_97 = arith.constant 0 : i32
    %dma_wait3A_98 = tpu.memref_slice %arg3[%dma_wait3A_97] : memref<2097152xi32, #tpu.memory_space<hbm>> -> memref<16384xi32, #tpu.memory_space<hbm>>
    tpu.wait_dma2 semaphore(%arg18 : memref<!tpu.dma_semaphore, #tpu.memory_space<semaphore_mem>>) src(%dma_wait3A_98 : memref<16384xi32, #tpu.memory_space<hbm>>) dst(%arg14 : memref<16384xi32, #tpu.memory_space<vmem>>)
    %dma_start3A_99 = arith.constant 0 : i32
    %dma_start3A_100 = tpu.memref_slice %arg17[%dma_start3A_99] : memref<263168xf32, #tpu.memory_space<vmem_shared>> -> memref<263168xf32, #tpu.memory_space<vmem_shared>>
    tpu.enqueue_indirect_dma source(%arg12 : memref<16384xf32, #tpu.memory_space<vmem>>) target(%dma_start3A_100 : memref<263168xf32, #tpu.memory_space<vmem_shared>>) offsets(%arg14 : memref<16384xi32, #tpu.memory_space<vmem>>) semaphore(%arg19 : memref<!tpu.dma_semaphore, #tpu.memory_space<semaphore_mem>>) {add = true}
    %dma_wait3A_101 = arith.constant 0 : i32
    %dma_wait3A_102 = tpu.memref_slice %arg2[%dma_wait3A_101] : memref<2097152xf32, #tpu.memory_space<hbm>> -> memref<16384xf32, #tpu.memory_space<hbm>>
    %dma_wait3A_103 = arith.constant 0 : i32
    %dma_wait3A_104 = tpu.memref_slice %arg2[%dma_wait3A_103] : memref<2097152xf32, #tpu.memory_space<hbm>> -> memref<16384xf32, #tpu.memory_space<hbm>>
    tpu.wait_dma2 semaphore(%arg19 : memref<!tpu.dma_semaphore, #tpu.memory_space<semaphore_mem>>) src(%dma_wait3A_104 : memref<16384xf32, #tpu.memory_space<hbm>>) dst(%arg12 : memref<16384xf32, #tpu.memory_space<vmem>>)
    %dma_start3A_105 = arith.constant 0 : i32
    %dma_start3A_106 = arith.constant 0 : i32
    %dma_start3A_107 = tpu.memref_slice %arg15[%dma_start3A_105, %dma_start3A_106] : memref<2x128xi32, #tpu.memory_space<vmem>> -> memref<1x128xi32, #tpu.memory_space<vmem>>
    %dma_start3A_108 = tpu.memref_squeeze %dma_start3A_107 : memref<1x128xi32, #tpu.memory_space<vmem>> -> memref<128xi32, #tpu.memory_space<vmem>>
    %dma_start3A_109 = arith.constant 0 : i32
    %dma_start3A_110 = tpu.memref_slice %arg17[%dma_start3A_109] : memref<263168xf32, #tpu.memory_space<vmem_shared>> -> memref<263168xf32, #tpu.memory_space<vmem_shared>>
    tpu.enqueue_indirect_dma source(%arg16 : memref<128xf32, #tpu.memory_space<vmem>>) target(%dma_start3A_110 : memref<263168xf32, #tpu.memory_space<vmem_shared>>) offsets(%dma_start3A_108 : memref<128xi32, #tpu.memory_space<vmem>>) semaphore(%arg19 : memref<!tpu.dma_semaphore, #tpu.memory_space<semaphore_mem>>) {add = true}
    %dma_start3A_111 = arith.constant 1 : i32
    %dma_start3A_112 = arith.constant 0 : i32
    %dma_start3A_113 = tpu.memref_slice %arg15[%dma_start3A_111, %dma_start3A_112] : memref<2x128xi32, #tpu.memory_space<vmem>> -> memref<1x128xi32, #tpu.memory_space<vmem>>
    %dma_start3A_114 = tpu.memref_squeeze %dma_start3A_113 : memref<1x128xi32, #tpu.memory_space<vmem>> -> memref<128xi32, #tpu.memory_space<vmem>>
    %dma_start3A_115 = arith.constant 0 : i32
    %dma_start3A_116 = tpu.memref_slice %arg17[%dma_start3A_115] : memref<263168xf32, #tpu.memory_space<vmem_shared>> -> memref<263168xf32, #tpu.memory_space<vmem_shared>>
    tpu.enqueue_indirect_dma source(%arg16 : memref<128xf32, #tpu.memory_space<vmem>>) target(%dma_start3A_116 : memref<263168xf32, #tpu.memory_space<vmem_shared>>) offsets(%dma_start3A_114 : memref<128xi32, #tpu.memory_space<vmem>>) semaphore(%arg19 : memref<!tpu.dma_semaphore, #tpu.memory_space<semaphore_mem>>) {add = true}
    %dma_wait3A_117 = arith.constant 0 : i32
    %dma_wait3A_118 = tpu.memref_slice %arg2[%dma_wait3A_117] : memref<2097152xf32, #tpu.memory_space<hbm>> -> memref<128xf32, #tpu.memory_space<hbm>>
    %dma_wait3A_119 = arith.constant 0 : i32
    %dma_wait3A_120 = tpu.memref_slice %arg2[%dma_wait3A_119] : memref<2097152xf32, #tpu.memory_space<hbm>> -> memref<128xf32, #tpu.memory_space<hbm>>
    tpu.wait_dma2 semaphore(%arg19 : memref<!tpu.dma_semaphore, #tpu.memory_space<semaphore_mem>>) src(%dma_wait3A_120 : memref<128xf32, #tpu.memory_space<hbm>>) dst(%arg16 : memref<128xf32, #tpu.memory_space<vmem>>)
    %dma_wait3A_121 = arith.constant 0 : i32
    %dma_wait3A_122 = tpu.memref_slice %arg2[%dma_wait3A_121] : memref<2097152xf32, #tpu.memory_space<hbm>> -> memref<128xf32, #tpu.memory_space<hbm>>
    %dma_wait3A_123 = arith.constant 0 : i32
    %dma_wait3A_124 = tpu.memref_slice %arg2[%dma_wait3A_123] : memref<2097152xf32, #tpu.memory_space<hbm>> -> memref<128xf32, #tpu.memory_space<hbm>>
    tpu.wait_dma2 semaphore(%arg19 : memref<!tpu.dma_semaphore, #tpu.memory_space<semaphore_mem>>) src(%dma_wait3A_124 : memref<128xf32, #tpu.memory_space<hbm>>) dst(%arg16 : memref<128xf32, #tpu.memory_space<vmem>>)
    %barrier3A_125 = arith.constant 0 : index
    tpu.barrier barrier_id(%barrier3A_125)
    %eq3A = arith.constant 0 : i32
    %eq3A_126 = arith.cmpi eq, %arg0, %eq3A : i32
    %convert_element_type3A_127 = arith.extui %eq3A_126 : i1 to i32
    %cond3A_128 = arith.constant 0 : i32
    %cond3A_129 = arith.cmpi ne, %convert_element_type3A_127, %cond3A_128 : i32
    scf.if %cond3A_129 {
      %mul3A_135 = arith.constant 16384 : i32
      %mul3A_136 = arith.muli %arg1, %mul3A_135 : i32
      %mul3A_137 = arith.constant 16384 : i32
      %mul3A_138 = arith.muli %arg1, %mul3A_137 : i32
      "tpu.region"() ({
        %run_scoped3A = tpu.sem_alloc : memref<!tpu.dma_semaphore, #tpu.memory_space<semaphore_mem>>
        %dma_start3A_144 = tpu.memref_slice %arg7[%mul3A_138] : memref<262144xf32, #tpu.memory_space<hbm>> -> memref<16384xf32, #tpu.memory_space<hbm>>
        %dma_start3A_145 = tpu.memref_slice %arg17[%mul3A_136] : memref<263168xf32, #tpu.memory_space<vmem_shared>> -> memref<16384xf32, #tpu.memory_space<vmem_shared>>
        tpu.enqueue_dma source(%dma_start3A_145 : memref<16384xf32, #tpu.memory_space<vmem_shared>>) target(%dma_start3A_144 : memref<16384xf32, #tpu.memory_space<hbm>>) target_semaphore(%run_scoped3A : memref<!tpu.dma_semaphore, #tpu.memory_space<semaphore_mem>>)
        %dma_wait3A_146 = tpu.memref_slice %arg7[%mul3A_138] : memref<262144xf32, #tpu.memory_space<hbm>> -> memref<16384xf32, #tpu.memory_space<hbm>>
        %dma_wait3A_147 = tpu.memref_slice %arg17[%mul3A_136] : memref<263168xf32, #tpu.memory_space<vmem_shared>> -> memref<16384xf32, #tpu.memory_space<vmem_shared>>
        tpu.wait_dma2 semaphore(%run_scoped3A : memref<!tpu.dma_semaphore, #tpu.memory_space<semaphore_mem>>) src(%dma_wait3A_147 : memref<16384xf32, #tpu.memory_space<vmem_shared>>) dst(%dma_wait3A_146 : memref<16384xf32, #tpu.memory_space<hbm>>)
        tpu.yield
      }) : () -> ()
      %lt3A_139 = arith.constant 8 : i32
      %lt3A_140 = arith.cmpi slt, %arg1, %lt3A_139 : i32
      %convert_element_type3A_141 = arith.extui %lt3A_140 : i1 to i32
      %cond3A_142 = arith.constant 0 : i32
      %cond3A_143 = arith.cmpi ne, %convert_element_type3A_141, %cond3A_142 : i32
      scf.if %cond3A_143 {
        %mul3A_144 = arith.constant 128 : i32
        %mul3A_145 = arith.muli %arg1, %mul3A_144 : i32
        %add3A_146 = arith.constant 262144 : i32
        %add3A_147 = arith.addi %add3A_146, %mul3A_145 : i32
        %mul3A_148 = arith.constant 128 : i32
        %mul3A_149 = arith.muli %arg1, %mul3A_148 : i32
        "tpu.region"() ({
          %run_scoped3A = tpu.sem_alloc : memref<!tpu.dma_semaphore, #tpu.memory_space<semaphore_mem>>
          %dma_start3A_150 = tpu.memref_slice %arg8[%mul3A_149] : memref<1024xf32, #tpu.memory_space<hbm>> -> memref<128xf32, #tpu.memory_space<hbm>>
          %dma_start3A_151 = tpu.memref_slice %arg17[%add3A_147] : memref<263168xf32, #tpu.memory_space<vmem_shared>> -> memref<128xf32, #tpu.memory_space<vmem_shared>>
          tpu.enqueue_dma source(%dma_start3A_151 : memref<128xf32, #tpu.memory_space<vmem_shared>>) target(%dma_start3A_150 : memref<128xf32, #tpu.memory_space<hbm>>) target_semaphore(%run_scoped3A : memref<!tpu.dma_semaphore, #tpu.memory_space<semaphore_mem>>)
          %dma_wait3A_152 = tpu.memref_slice %arg8[%mul3A_149] : memref<1024xf32, #tpu.memory_space<hbm>> -> memref<128xf32, #tpu.memory_space<hbm>>
          %dma_wait3A_153 = tpu.memref_slice %arg17[%add3A_147] : memref<263168xf32, #tpu.memory_space<vmem_shared>> -> memref<128xf32, #tpu.memory_space<vmem_shared>>
          tpu.wait_dma2 semaphore(%run_scoped3A : memref<!tpu.dma_semaphore, #tpu.memory_space<semaphore_mem>>) src(%dma_wait3A_153 : memref<128xf32, #tpu.memory_space<vmem_shared>>) dst(%dma_wait3A_152 : memref<128xf32, #tpu.memory_space<hbm>>)
          tpu.yield
        }) : () -> ()
      } else {
      }
    } else {
    }
    %eq3A_130 = arith.constant 1 : i32
    %eq3A_131 = arith.cmpi eq, %arg0, %eq3A_130 : i32
    %convert_element_type3A_132 = arith.extui %eq3A_131 : i1 to i32
    %cond3A_133 = arith.constant 0 : i32
    %cond3A_134 = arith.cmpi ne, %convert_element_type3A_132, %cond3A_133 : i32
    scf.if %cond3A_134 {
      %mul3A_135 = arith.constant 16384 : i32
      %mul3A_136 = arith.muli %arg1, %mul3A_135 : i32
      %mul3A_137 = arith.constant 16384 : i32
      %mul3A_138 = arith.muli %arg1, %mul3A_137 : i32
      "tpu.region"() ({
        %run_scoped3A = tpu.sem_alloc : memref<!tpu.dma_semaphore, #tpu.memory_space<semaphore_mem>>
        %dma_start3A_144 = tpu.memref_slice %arg9[%mul3A_138] : memref<262144xf32, #tpu.memory_space<hbm>> -> memref<16384xf32, #tpu.memory_space<hbm>>
        %dma_start3A_145 = tpu.memref_slice %arg17[%mul3A_136] : memref<263168xf32, #tpu.memory_space<vmem_shared>> -> memref<16384xf32, #tpu.memory_space<vmem_shared>>
        tpu.enqueue_dma source(%dma_start3A_145 : memref<16384xf32, #tpu.memory_space<vmem_shared>>) target(%dma_start3A_144 : memref<16384xf32, #tpu.memory_space<hbm>>) target_semaphore(%run_scoped3A : memref<!tpu.dma_semaphore, #tpu.memory_space<semaphore_mem>>)
        %dma_wait3A_146 = tpu.memref_slice %arg9[%mul3A_138] : memref<262144xf32, #tpu.memory_space<hbm>> -> memref<16384xf32, #tpu.memory_space<hbm>>
        %dma_wait3A_147 = tpu.memref_slice %arg17[%mul3A_136] : memref<263168xf32, #tpu.memory_space<vmem_shared>> -> memref<16384xf32, #tpu.memory_space<vmem_shared>>
        tpu.wait_dma2 semaphore(%run_scoped3A : memref<!tpu.dma_semaphore, #tpu.memory_space<semaphore_mem>>) src(%dma_wait3A_147 : memref<16384xf32, #tpu.memory_space<vmem_shared>>) dst(%dma_wait3A_146 : memref<16384xf32, #tpu.memory_space<hbm>>)
        tpu.yield
      }) : () -> ()
      %lt3A_139 = arith.constant 8 : i32
      %lt3A_140 = arith.cmpi slt, %arg1, %lt3A_139 : i32
      %convert_element_type3A_141 = arith.extui %lt3A_140 : i1 to i32
      %cond3A_142 = arith.constant 0 : i32
      %cond3A_143 = arith.cmpi ne, %convert_element_type3A_141, %cond3A_142 : i32
      scf.if %cond3A_143 {
        %mul3A_144 = arith.constant 128 : i32
        %mul3A_145 = arith.muli %arg1, %mul3A_144 : i32
        %add3A_146 = arith.constant 262144 : i32
        %add3A_147 = arith.addi %add3A_146, %mul3A_145 : i32
        %mul3A_148 = arith.constant 128 : i32
        %mul3A_149 = arith.muli %arg1, %mul3A_148 : i32
        "tpu.region"() ({
          %run_scoped3A = tpu.sem_alloc : memref<!tpu.dma_semaphore, #tpu.memory_space<semaphore_mem>>
          %dma_start3A_150 = tpu.memref_slice %arg10[%mul3A_149] : memref<1024xf32, #tpu.memory_space<hbm>> -> memref<128xf32, #tpu.memory_space<hbm>>
          %dma_start3A_151 = tpu.memref_slice %arg17[%add3A_147] : memref<263168xf32, #tpu.memory_space<vmem_shared>> -> memref<128xf32, #tpu.memory_space<vmem_shared>>
          tpu.enqueue_dma source(%dma_start3A_151 : memref<128xf32, #tpu.memory_space<vmem_shared>>) target(%dma_start3A_150 : memref<128xf32, #tpu.memory_space<hbm>>) target_semaphore(%run_scoped3A : memref<!tpu.dma_semaphore, #tpu.memory_space<semaphore_mem>>)
          %dma_wait3A_152 = tpu.memref_slice %arg10[%mul3A_149] : memref<1024xf32, #tpu.memory_space<hbm>> -> memref<128xf32, #tpu.memory_space<hbm>>
          %dma_wait3A_153 = tpu.memref_slice %arg17[%add3A_147] : memref<263168xf32, #tpu.memory_space<vmem_shared>> -> memref<128xf32, #tpu.memory_space<vmem_shared>>
          tpu.wait_dma2 semaphore(%run_scoped3A : memref<!tpu.dma_semaphore, #tpu.memory_space<semaphore_mem>>) src(%dma_wait3A_153 : memref<128xf32, #tpu.memory_space<vmem_shared>>) dst(%dma_wait3A_152 : memref<128xf32, #tpu.memory_space<hbm>>)
          tpu.yield
        }) : () -> ()
      } else {
      }
    } else {
    }
    return
  }
}

#map = affine_map<(d0, d1) -> (0)>
#map1 = affine_map<(d0, d1) -> (0, 0)>
module attributes {stable_mosaic.version = 14 : i64} {
  func.func @_segsum_sc_body(%arg0: i32, %arg1: i32, %arg2: memref<2097152xf32, #tpu.memory_space<hbm>>, %arg3: memref<2097152xi32, #tpu.memory_space<hbm>>, %arg4: memref<64x128xi32, #tpu.memory_space<hbm>>, %arg5: memref<262144xf32, #tpu.memory_space<hbm>>, %arg6: memref<128xf32, #tpu.memory_space<hbm>>, %arg7: memref<262144xf32, #tpu.memory_space<hbm>>, %arg8: memref<1024xf32, #tpu.memory_space<hbm>>, %arg9: memref<262144xf32, #tpu.memory_space<hbm>>, %arg10: memref<1024xf32, #tpu.memory_space<hbm>>, %arg11: memref<16384xf32, #tpu.memory_space<vmem>>, %arg12: memref<16384xf32, #tpu.memory_space<vmem>>, %arg13: memref<16384xi32, #tpu.memory_space<vmem>>, %arg14: memref<16384xi32, #tpu.memory_space<vmem>>, %arg15: memref<2x128xi32, #tpu.memory_space<vmem>>, %arg16: memref<128xf32, #tpu.memory_space<vmem>>, %arg17: memref<263168xf32, #tpu.memory_space<vmem_shared>>, %arg18: memref<!tpu.dma_semaphore, #tpu.memory_space<semaphore_mem>>, %arg19: memref<!tpu.dma_semaphore, #tpu.memory_space<semaphore_mem>>) attributes {dimension_semantics = [#tpu.dimension_semantics<core_parallel>, #tpu.dimension_semantics<subcore_parallel>], iteration_bounds = array<i64: 2, 16>, scalar_prefetch = 0 : i64, scratch_operands = 9 : i64, tpu.core_type = #tpu.core_type<sc_vector_subcore>, window_params = [{transform_indices = #map}, {transform_indices = #map}, {transform_indices = #map1}, {transform_indices = #map}, {transform_indices = #map}, {transform_indices = #map}, {transform_indices = #map}, {transform_indices = #map}, {transform_indices = #map}]} {
    %mul3A = arith.constant 2 : i32
    %mul3A_0 = arith.muli %arg1, %mul3A : i32
    %add3A = arith.addi %mul3A_0, %arg0 : i32
    %mul3A_1 = arith.constant 256 : i32
    %mul3A_2 = arith.muli %add3A, %mul3A_1 : i32
    %mul3A_3 = arith.constant 256 : i32
    %mul3A_4 = arith.muli %mul3A_2, %mul3A_3 : i32
    %mul3A_5 = arith.constant 16384 : i32
    %mul3A_6 = arith.muli %arg1, %mul3A_5 : i32
    %mul3A_7 = arith.constant 16384 : i32
    %mul3A_8 = arith.muli %arg1, %mul3A_7 : i32
    %dma_start3A = tpu.memref_slice %arg17[%mul3A_8] : memref<263168xf32, #tpu.memory_space<vmem_shared>> -> memref<16384xf32, #tpu.memory_space<vmem_shared>>
    %dma_start3A_9 = tpu.memref_slice %arg5[%mul3A_6] : memref<262144xf32, #tpu.memory_space<hbm>> -> memref<16384xf32, #tpu.memory_space<hbm>>
    tpu.enqueue_dma source(%dma_start3A_9 : memref<16384xf32, #tpu.memory_space<hbm>>) target(%dma_start3A : memref<16384xf32, #tpu.memory_space<vmem_shared>>) target_semaphore(%arg18 : memref<!tpu.dma_semaphore, #tpu.memory_space<semaphore_mem>>)
    %add3A_10 = arith.constant 0 : i32
    %add3A_11 = arith.addi %mul3A_4, %add3A_10 : i32
    %dma_start3A_12 = tpu.memref_slice %arg2[%add3A_11] : memref<2097152xf32, #tpu.memory_space<hbm>> -> memref<16384xf32, #tpu.memory_space<hbm>>
    %dma_start3A_13 = tpu.memref_slice %arg2[%add3A_11] : memref<2097152xf32, #tpu.memory_space<hbm>> -> memref<16384xf32, #tpu.memory_space<hbm>>
    tpu.enqueue_dma source(%dma_start3A_13 : memref<16384xf32, #tpu.memory_space<hbm>>) target(%arg11 : memref<16384xf32, #tpu.memory_space<vmem>>) target_semaphore(%arg18 : memref<!tpu.dma_semaphore, #tpu.memory_space<semaphore_mem>>)
    %add3A_14 = arith.constant 0 : i32
    %add3A_15 = arith.addi %mul3A_4, %add3A_14 : i32
    %dma_start3A_16 = tpu.memref_slice %arg3[%add3A_15] : memref<2097152xi32, #tpu.memory_space<hbm>> -> memref<16384xi32, #tpu.memory_space<hbm>>
    %dma_start3A_17 = tpu.memref_slice %arg3[%add3A_15] : memref<2097152xi32, #tpu.memory_space<hbm>> -> memref<16384xi32, #tpu.memory_space<hbm>>
    tpu.enqueue_dma source(%dma_start3A_17 : memref<16384xi32, #tpu.memory_space<hbm>>) target(%arg13 : memref<16384xi32, #tpu.memory_space<vmem>>) target_semaphore(%arg18 : memref<!tpu.dma_semaphore, #tpu.memory_space<semaphore_mem>>)
    %mul3A_18 = arith.constant 2 : i32
    %mul3A_19 = arith.muli %add3A, %mul3A_18 : i32
    "tpu.region"() ({
      %run_scoped3A = tpu.sem_alloc : memref<!tpu.dma_semaphore, #tpu.memory_space<semaphore_mem>>
      %dma_start3A_135 = arith.constant 0 : i32
      %dma_start3A_136 = tpu.memref_slice %arg4[%mul3A_19, %dma_start3A_135] : memref<64x128xi32, #tpu.memory_space<hbm>> -> memref<2x128xi32, #tpu.memory_space<hbm>>
      %dma_start3A_137 = arith.constant 0 : i32
      %dma_start3A_138 = tpu.memref_slice %arg4[%mul3A_19, %dma_start3A_137] : memref<64x128xi32, #tpu.memory_space<hbm>> -> memref<2x128xi32, #tpu.memory_space<hbm>>
      tpu.enqueue_dma source(%dma_start3A_138 : memref<2x128xi32, #tpu.memory_space<hbm>>) target(%arg15 : memref<2x128xi32, #tpu.memory_space<vmem>>) target_semaphore(%run_scoped3A : memref<!tpu.dma_semaphore, #tpu.memory_space<semaphore_mem>>)
      %dma_wait3A_139 = arith.constant 0 : i32
      %dma_wait3A_140 = tpu.memref_slice %arg4[%mul3A_19, %dma_wait3A_139] : memref<64x128xi32, #tpu.memory_space<hbm>> -> memref<2x128xi32, #tpu.memory_space<hbm>>
      %dma_wait3A_141 = arith.constant 0 : i32
      %dma_wait3A_142 = tpu.memref_slice %arg4[%mul3A_19, %dma_wait3A_141] : memref<64x128xi32, #tpu.memory_space<hbm>> -> memref<2x128xi32, #tpu.memory_space<hbm>>
      tpu.wait_dma2 semaphore(%run_scoped3A : memref<!tpu.dma_semaphore, #tpu.memory_space<semaphore_mem>>) src(%dma_wait3A_142 : memref<2x128xi32, #tpu.memory_space<hbm>>) dst(%arg15 : memref<2x128xi32, #tpu.memory_space<vmem>>)
      tpu.yield
    }) : () -> ()
    "tpu.region"() ({
      %run_scoped3A = tpu.sem_alloc : memref<!tpu.dma_semaphore, #tpu.memory_space<semaphore_mem>>
      tpu.enqueue_dma source(%arg6 : memref<128xf32, #tpu.memory_space<hbm>>) target(%arg16 : memref<128xf32, #tpu.memory_space<vmem>>) target_semaphore(%run_scoped3A : memref<!tpu.dma_semaphore, #tpu.memory_space<semaphore_mem>>)
      tpu.wait_dma2 semaphore(%run_scoped3A : memref<!tpu.dma_semaphore, #tpu.memory_space<semaphore_mem>>) src(%arg6 : memref<128xf32, #tpu.memory_space<hbm>>) dst(%arg16 : memref<128xf32, #tpu.memory_space<vmem>>)
      tpu.yield
    }) : () -> ()
    %lt3A = arith.constant 8 : i32
    %lt3A_20 = arith.cmpi slt, %arg1, %lt3A : i32
    %convert_element_type3A = arith.extui %lt3A_20 : i1 to i32
    %cond3A = arith.constant 0 : i32
    %cond3A_21 = arith.cmpi ne, %convert_element_type3A, %cond3A : i32
    scf.if %cond3A_21 {
      %mul3A_135 = arith.constant 128 : i32
      %mul3A_136 = arith.muli %arg1, %mul3A_135 : i32
      %mul3A_137 = arith.constant 128 : i32
      %mul3A_138 = arith.muli %arg1, %mul3A_137 : i32
      %add3A_139 = arith.constant 262144 : i32
      %add3A_140 = arith.addi %add3A_139, %mul3A_138 : i32
      "tpu.region"() ({
        %run_scoped3A = tpu.sem_alloc : memref<!tpu.dma_semaphore, #tpu.memory_space<semaphore_mem>>
        %dma_start3A_141 = tpu.memref_slice %arg17[%add3A_140] : memref<263168xf32, #tpu.memory_space<vmem_shared>> -> memref<128xf32, #tpu.memory_space<vmem_shared>>
        %dma_start3A_142 = tpu.memref_slice %arg5[%mul3A_136] : memref<262144xf32, #tpu.memory_space<hbm>> -> memref<128xf32, #tpu.memory_space<hbm>>
        tpu.enqueue_dma source(%dma_start3A_142 : memref<128xf32, #tpu.memory_space<hbm>>) target(%dma_start3A_141 : memref<128xf32, #tpu.memory_space<vmem_shared>>) target_semaphore(%run_scoped3A : memref<!tpu.dma_semaphore, #tpu.memory_space<semaphore_mem>>)
        %dma_wait3A_143 = tpu.memref_slice %arg17[%add3A_140] : memref<263168xf32, #tpu.memory_space<vmem_shared>> -> memref<128xf32, #tpu.memory_space<vmem_shared>>
        %dma_wait3A_144 = tpu.memref_slice %arg5[%mul3A_136] : memref<262144xf32, #tpu.memory_space<hbm>> -> memref<128xf32, #tpu.memory_space<hbm>>
        tpu.wait_dma2 semaphore(%run_scoped3A : memref<!tpu.dma_semaphore, #tpu.memory_space<semaphore_mem>>) src(%dma_wait3A_144 : memref<128xf32, #tpu.memory_space<hbm>>) dst(%dma_wait3A_143 : memref<128xf32, #tpu.memory_space<vmem_shared>>)
        tpu.yield
      }) : () -> ()
    } else {
    }
    %dma_wait3A = arith.constant 0 : i32
    %dma_wait3A_22 = tpu.memref_slice %arg17[%dma_wait3A] : memref<263168xf32, #tpu.memory_space<vmem_shared>> -> memref<16384xf32, #tpu.memory_space<vmem_shared>>
    %dma_wait3A_23 = arith.constant 0 : i32
    %dma_wait3A_24 = tpu.memref_slice %arg2[%dma_wait3A_23] : memref<2097152xf32, #tpu.memory_space<hbm>> -> memref<16384xf32, #tpu.memory_space<hbm>>
    tpu.wait_dma2 semaphore(%arg18 : memref<!tpu.dma_semaphore, #tpu.memory_space<semaphore_mem>>) src(%dma_wait3A_24 : memref<16384xf32, #tpu.memory_space<hbm>>) dst(%dma_wait3A_22 : memref<16384xf32, #tpu.memory_space<vmem_shared>>)
    %dma_wait3A_25 = arith.constant 0 : i32
    %dma_wait3A_26 = tpu.memref_slice %arg2[%dma_wait3A_25] : memref<2097152xf32, #tpu.memory_space<hbm>> -> memref<16384xf32, #tpu.memory_space<hbm>>
    %dma_wait3A_27 = arith.constant 0 : i32
    %dma_wait3A_28 = tpu.memref_slice %arg2[%dma_wait3A_27] : memref<2097152xf32, #tpu.memory_space<hbm>> -> memref<16384xf32, #tpu.memory_space<hbm>>
    tpu.wait_dma2 semaphore(%arg18 : memref<!tpu.dma_semaphore, #tpu.memory_space<semaphore_mem>>) src(%dma_wait3A_28 : memref<16384xf32, #tpu.memory_space<hbm>>) dst(%arg11 : memref<16384xf32, #tpu.memory_space<vmem>>)
    %dma_wait3A_29 = arith.constant 0 : i32
    %dma_wait3A_30 = tpu.memref_slice %arg3[%dma_wait3A_29] : memref<2097152xi32, #tpu.memory_space<hbm>> -> memref<16384xi32, #tpu.memory_space<hbm>>
    %dma_wait3A_31 = arith.constant 0 : i32
    %dma_wait3A_32 = tpu.memref_slice %arg3[%dma_wait3A_31] : memref<2097152xi32, #tpu.memory_space<hbm>> -> memref<16384xi32, #tpu.memory_space<hbm>>
    tpu.wait_dma2 semaphore(%arg18 : memref<!tpu.dma_semaphore, #tpu.memory_space<semaphore_mem>>) src(%dma_wait3A_32 : memref<16384xi32, #tpu.memory_space<hbm>>) dst(%arg13 : memref<16384xi32, #tpu.memory_space<vmem>>)
    %barrier3A = arith.constant 0 : index
    tpu.barrier barrier_id(%barrier3A)
    %add3A_33 = arith.constant 16384 : i32
    %add3A_34 = arith.addi %mul3A_4, %add3A_33 : i32
    %dma_start3A_35 = tpu.memref_slice %arg2[%add3A_34] : memref<2097152xf32, #tpu.memory_space<hbm>> -> memref<16384xf32, #tpu.memory_space<hbm>>
    %dma_start3A_36 = tpu.memref_slice %arg2[%add3A_34] : memref<2097152xf32, #tpu.memory_space<hbm>> -> memref<16384xf32, #tpu.memory_space<hbm>>
    tpu.enqueue_dma source(%dma_start3A_36 : memref<16384xf32, #tpu.memory_space<hbm>>) target(%arg12 : memref<16384xf32, #tpu.memory_space<vmem>>) target_semaphore(%arg18 : memref<!tpu.dma_semaphore, #tpu.memory_space<semaphore_mem>>)
    %add3A_37 = arith.constant 16384 : i32
    %add3A_38 = arith.addi %mul3A_4, %add3A_37 : i32
    %dma_start3A_39 = tpu.memref_slice %arg3[%add3A_38] : memref<2097152xi32, #tpu.memory_space<hbm>> -> memref<16384xi32, #tpu.memory_space<hbm>>
    %dma_start3A_40 = tpu.memref_slice %arg3[%add3A_38] : memref<2097152xi32, #tpu.memory_space<hbm>> -> memref<16384xi32, #tpu.memory_space<hbm>>
    tpu.enqueue_dma source(%dma_start3A_40 : memref<16384xi32, #tpu.memory_space<hbm>>) target(%arg14 : memref<16384xi32, #tpu.memory_space<vmem>>) target_semaphore(%arg18 : memref<!tpu.dma_semaphore, #tpu.memory_space<semaphore_mem>>)
    %dma_start3A_41 = arith.constant 0 : i32
    %dma_start3A_42 = tpu.memref_slice %arg17[%dma_start3A_41] : memref<263168xf32, #tpu.memory_space<vmem_shared>> -> memref<263168xf32, #tpu.memory_space<vmem_shared>>
    tpu.enqueue_indirect_dma source(%arg11 : memref<16384xf32, #tpu.memory_space<vmem>>) target(%dma_start3A_42 : memref<263168xf32, #tpu.memory_space<vmem_shared>>) offsets(%arg13 : memref<16384xi32, #tpu.memory_space<vmem>>) semaphore(%arg19 : memref<!tpu.dma_semaphore, #tpu.memory_space<semaphore_mem>>) {add = true}
    %dma_wait3A_43 = arith.constant 0 : i32
    %dma_wait3A_44 = tpu.memref_slice %arg2[%dma_wait3A_43] : memref<2097152xf32, #tpu.memory_space<hbm>> -> memref<16384xf32, #tpu.memory_space<hbm>>
    %dma_wait3A_45 = arith.constant 0 : i32
    %dma_wait3A_46 = tpu.memref_slice %arg2[%dma_wait3A_45] : memref<2097152xf32, #tpu.memory_space<hbm>> -> memref<16384xf32, #tpu.memory_space<hbm>>
    tpu.wait_dma2 semaphore(%arg19 : memref<!tpu.dma_semaphore, #tpu.memory_space<semaphore_mem>>) src(%dma_wait3A_46 : memref<16384xf32, #tpu.memory_space<hbm>>) dst(%arg11 : memref<16384xf32, #tpu.memory_space<vmem>>)
    %dma_wait3A_47 = arith.constant 0 : i32
    %dma_wait3A_48 = tpu.memref_slice %arg2[%dma_wait3A_47] : memref<2097152xf32, #tpu.memory_space<hbm>> -> memref<16384xf32, #tpu.memory_space<hbm>>
    %dma_wait3A_49 = arith.constant 0 : i32
    %dma_wait3A_50 = tpu.memref_slice %arg2[%dma_wait3A_49] : memref<2097152xf32, #tpu.memory_space<hbm>> -> memref<16384xf32, #tpu.memory_space<hbm>>
    tpu.wait_dma2 semaphore(%arg18 : memref<!tpu.dma_semaphore, #tpu.memory_space<semaphore_mem>>) src(%dma_wait3A_50 : memref<16384xf32, #tpu.memory_space<hbm>>) dst(%arg12 : memref<16384xf32, #tpu.memory_space<vmem>>)
    %dma_wait3A_51 = arith.constant 0 : i32
    %dma_wait3A_52 = tpu.memref_slice %arg3[%dma_wait3A_51] : memref<2097152xi32, #tpu.memory_space<hbm>> -> memref<16384xi32, #tpu.memory_space<hbm>>
    %dma_wait3A_53 = arith.constant 0 : i32
    %dma_wait3A_54 = tpu.memref_slice %arg3[%dma_wait3A_53] : memref<2097152xi32, #tpu.memory_space<hbm>> -> memref<16384xi32, #tpu.memory_space<hbm>>
    tpu.wait_dma2 semaphore(%arg18 : memref<!tpu.dma_semaphore, #tpu.memory_space<semaphore_mem>>) src(%dma_wait3A_54 : memref<16384xi32, #tpu.memory_space<hbm>>) dst(%arg14 : memref<16384xi32, #tpu.memory_space<vmem>>)
    %add3A_55 = arith.constant 32768 : i32
    %add3A_56 = arith.addi %mul3A_4, %add3A_55 : i32
    %dma_start3A_57 = tpu.memref_slice %arg2[%add3A_56] : memref<2097152xf32, #tpu.memory_space<hbm>> -> memref<16384xf32, #tpu.memory_space<hbm>>
    %dma_start3A_58 = tpu.memref_slice %arg2[%add3A_56] : memref<2097152xf32, #tpu.memory_space<hbm>> -> memref<16384xf32, #tpu.memory_space<hbm>>
    tpu.enqueue_dma source(%dma_start3A_58 : memref<16384xf32, #tpu.memory_space<hbm>>) target(%arg11 : memref<16384xf32, #tpu.memory_space<vmem>>) target_semaphore(%arg18 : memref<!tpu.dma_semaphore, #tpu.memory_space<semaphore_mem>>)
    %add3A_59 = arith.constant 32768 : i32
    %add3A_60 = arith.addi %mul3A_4, %add3A_59 : i32
    %dma_start3A_61 = tpu.memref_slice %arg3[%add3A_60] : memref<2097152xi32, #tpu.memory_space<hbm>> -> memref<16384xi32, #tpu.memory_space<hbm>>
    %dma_start3A_62 = tpu.memref_slice %arg3[%add3A_60] : memref<2097152xi32, #tpu.memory_space<hbm>> -> memref<16384xi32, #tpu.memory_space<hbm>>
    tpu.enqueue_dma source(%dma_start3A_62 : memref<16384xi32, #tpu.memory_space<hbm>>) target(%arg13 : memref<16384xi32, #tpu.memory_space<vmem>>) target_semaphore(%arg18 : memref<!tpu.dma_semaphore, #tpu.memory_space<semaphore_mem>>)
    %dma_start3A_63 = arith.constant 0 : i32
    %dma_start3A_64 = tpu.memref_slice %arg17[%dma_start3A_63] : memref<263168xf32, #tpu.memory_space<vmem_shared>> -> memref<263168xf32, #tpu.memory_space<vmem_shared>>
    tpu.enqueue_indirect_dma source(%arg12 : memref<16384xf32, #tpu.memory_space<vmem>>) target(%dma_start3A_64 : memref<263168xf32, #tpu.memory_space<vmem_shared>>) offsets(%arg14 : memref<16384xi32, #tpu.memory_space<vmem>>) semaphore(%arg19 : memref<!tpu.dma_semaphore, #tpu.memory_space<semaphore_mem>>) {add = true}
    %dma_wait3A_65 = arith.constant 0 : i32
    %dma_wait3A_66 = tpu.memref_slice %arg2[%dma_wait3A_65] : memref<2097152xf32, #tpu.memory_space<hbm>> -> memref<16384xf32, #tpu.memory_space<hbm>>
    %dma_wait3A_67 = arith.constant 0 : i32
    %dma_wait3A_68 = tpu.memref_slice %arg2[%dma_wait3A_67] : memref<2097152xf32, #tpu.memory_space<hbm>> -> memref<16384xf32, #tpu.memory_space<hbm>>
    tpu.wait_dma2 semaphore(%arg19 : memref<!tpu.dma_semaphore, #tpu.memory_space<semaphore_mem>>) src(%dma_wait3A_68 : memref<16384xf32, #tpu.memory_space<hbm>>) dst(%arg12 : memref<16384xf32, #tpu.memory_space<vmem>>)
    %dma_wait3A_69 = arith.constant 0 : i32
    %dma_wait3A_70 = tpu.memref_slice %arg2[%dma_wait3A_69] : memref<2097152xf32, #tpu.memory_space<hbm>> -> memref<16384xf32, #tpu.memory_space<hbm>>
    %dma_wait3A_71 = arith.constant 0 : i32
    %dma_wait3A_72 = tpu.memref_slice %arg2[%dma_wait3A_71] : memref<2097152xf32, #tpu.memory_space<hbm>> -> memref<16384xf32, #tpu.memory_space<hbm>>
    tpu.wait_dma2 semaphore(%arg18 : memref<!tpu.dma_semaphore, #tpu.memory_space<semaphore_mem>>) src(%dma_wait3A_72 : memref<16384xf32, #tpu.memory_space<hbm>>) dst(%arg11 : memref<16384xf32, #tpu.memory_space<vmem>>)
    %dma_wait3A_73 = arith.constant 0 : i32
    %dma_wait3A_74 = tpu.memref_slice %arg3[%dma_wait3A_73] : memref<2097152xi32, #tpu.memory_space<hbm>> -> memref<16384xi32, #tpu.memory_space<hbm>>
    %dma_wait3A_75 = arith.constant 0 : i32
    %dma_wait3A_76 = tpu.memref_slice %arg3[%dma_wait3A_75] : memref<2097152xi32, #tpu.memory_space<hbm>> -> memref<16384xi32, #tpu.memory_space<hbm>>
    tpu.wait_dma2 semaphore(%arg18 : memref<!tpu.dma_semaphore, #tpu.memory_space<semaphore_mem>>) src(%dma_wait3A_76 : memref<16384xi32, #tpu.memory_space<hbm>>) dst(%arg13 : memref<16384xi32, #tpu.memory_space<vmem>>)
    %add3A_77 = arith.constant 49152 : i32
    %add3A_78 = arith.addi %mul3A_4, %add3A_77 : i32
    %dma_start3A_79 = tpu.memref_slice %arg2[%add3A_78] : memref<2097152xf32, #tpu.memory_space<hbm>> -> memref<16384xf32, #tpu.memory_space<hbm>>
    %dma_start3A_80 = tpu.memref_slice %arg2[%add3A_78] : memref<2097152xf32, #tpu.memory_space<hbm>> -> memref<16384xf32, #tpu.memory_space<hbm>>
    tpu.enqueue_dma source(%dma_start3A_80 : memref<16384xf32, #tpu.memory_space<hbm>>) target(%arg12 : memref<16384xf32, #tpu.memory_space<vmem>>) target_semaphore(%arg18 : memref<!tpu.dma_semaphore, #tpu.memory_space<semaphore_mem>>)
    %add3A_81 = arith.constant 49152 : i32
    %add3A_82 = arith.addi %mul3A_4, %add3A_81 : i32
    %dma_start3A_83 = tpu.memref_slice %arg3[%add3A_82] : memref<2097152xi32, #tpu.memory_space<hbm>> -> memref<16384xi32, #tpu.memory_space<hbm>>
    %dma_start3A_84 = tpu.memref_slice %arg3[%add3A_82] : memref<2097152xi32, #tpu.memory_space<hbm>> -> memref<16384xi32, #tpu.memory_space<hbm>>
    tpu.enqueue_dma source(%dma_start3A_84 : memref<16384xi32, #tpu.memory_space<hbm>>) target(%arg14 : memref<16384xi32, #tpu.memory_space<vmem>>) target_semaphore(%arg18 : memref<!tpu.dma_semaphore, #tpu.memory_space<semaphore_mem>>)
    %dma_start3A_85 = arith.constant 0 : i32
    %dma_start3A_86 = tpu.memref_slice %arg17[%dma_start3A_85] : memref<263168xf32, #tpu.memory_space<vmem_shared>> -> memref<263168xf32, #tpu.memory_space<vmem_shared>>
    tpu.enqueue_indirect_dma source(%arg11 : memref<16384xf32, #tpu.memory_space<vmem>>) target(%dma_start3A_86 : memref<263168xf32, #tpu.memory_space<vmem_shared>>) offsets(%arg13 : memref<16384xi32, #tpu.memory_space<vmem>>) semaphore(%arg19 : memref<!tpu.dma_semaphore, #tpu.memory_space<semaphore_mem>>) {add = true}
    %dma_wait3A_87 = arith.constant 0 : i32
    %dma_wait3A_88 = tpu.memref_slice %arg2[%dma_wait3A_87] : memref<2097152xf32, #tpu.memory_space<hbm>> -> memref<16384xf32, #tpu.memory_space<hbm>>
    %dma_wait3A_89 = arith.constant 0 : i32
    %dma_wait3A_90 = tpu.memref_slice %arg2[%dma_wait3A_89] : memref<2097152xf32, #tpu.memory_space<hbm>> -> memref<16384xf32, #tpu.memory_space<hbm>>
    tpu.wait_dma2 semaphore(%arg19 : memref<!tpu.dma_semaphore, #tpu.memory_space<semaphore_mem>>) src(%dma_wait3A_90 : memref<16384xf32, #tpu.memory_space<hbm>>) dst(%arg11 : memref<16384xf32, #tpu.memory_space<vmem>>)
    %dma_wait3A_91 = arith.constant 0 : i32
    %dma_wait3A_92 = tpu.memref_slice %arg2[%dma_wait3A_91] : memref<2097152xf32, #tpu.memory_space<hbm>> -> memref<16384xf32, #tpu.memory_space<hbm>>
    %dma_wait3A_93 = arith.constant 0 : i32
    %dma_wait3A_94 = tpu.memref_slice %arg2[%dma_wait3A_93] : memref<2097152xf32, #tpu.memory_space<hbm>> -> memref<16384xf32, #tpu.memory_space<hbm>>
    tpu.wait_dma2 semaphore(%arg18 : memref<!tpu.dma_semaphore, #tpu.memory_space<semaphore_mem>>) src(%dma_wait3A_94 : memref<16384xf32, #tpu.memory_space<hbm>>) dst(%arg12 : memref<16384xf32, #tpu.memory_space<vmem>>)
    %dma_wait3A_95 = arith.constant 0 : i32
    %dma_wait3A_96 = tpu.memref_slice %arg3[%dma_wait3A_95] : memref<2097152xi32, #tpu.memory_space<hbm>> -> memref<16384xi32, #tpu.memory_space<hbm>>
    %dma_wait3A_97 = arith.constant 0 : i32
    %dma_wait3A_98 = tpu.memref_slice %arg3[%dma_wait3A_97] : memref<2097152xi32, #tpu.memory_space<hbm>> -> memref<16384xi32, #tpu.memory_space<hbm>>
    tpu.wait_dma2 semaphore(%arg18 : memref<!tpu.dma_semaphore, #tpu.memory_space<semaphore_mem>>) src(%dma_wait3A_98 : memref<16384xi32, #tpu.memory_space<hbm>>) dst(%arg14 : memref<16384xi32, #tpu.memory_space<vmem>>)
    %dma_start3A_99 = arith.constant 0 : i32
    %dma_start3A_100 = tpu.memref_slice %arg17[%dma_start3A_99] : memref<263168xf32, #tpu.memory_space<vmem_shared>> -> memref<263168xf32, #tpu.memory_space<vmem_shared>>
    tpu.enqueue_indirect_dma source(%arg12 : memref<16384xf32, #tpu.memory_space<vmem>>) target(%dma_start3A_100 : memref<263168xf32, #tpu.memory_space<vmem_shared>>) offsets(%arg14 : memref<16384xi32, #tpu.memory_space<vmem>>) semaphore(%arg19 : memref<!tpu.dma_semaphore, #tpu.memory_space<semaphore_mem>>) {add = true}
    %dma_wait3A_101 = arith.constant 0 : i32
    %dma_wait3A_102 = tpu.memref_slice %arg2[%dma_wait3A_101] : memref<2097152xf32, #tpu.memory_space<hbm>> -> memref<16384xf32, #tpu.memory_space<hbm>>
    %dma_wait3A_103 = arith.constant 0 : i32
    %dma_wait3A_104 = tpu.memref_slice %arg2[%dma_wait3A_103] : memref<2097152xf32, #tpu.memory_space<hbm>> -> memref<16384xf32, #tpu.memory_space<hbm>>
    tpu.wait_dma2 semaphore(%arg19 : memref<!tpu.dma_semaphore, #tpu.memory_space<semaphore_mem>>) src(%dma_wait3A_104 : memref<16384xf32, #tpu.memory_space<hbm>>) dst(%arg12 : memref<16384xf32, #tpu.memory_space<vmem>>)
    %dma_start3A_105 = arith.constant 0 : i32
    %dma_start3A_106 = arith.constant 0 : i32
    %dma_start3A_107 = tpu.memref_slice %arg15[%dma_start3A_105, %dma_start3A_106] : memref<2x128xi32, #tpu.memory_space<vmem>> -> memref<1x128xi32, #tpu.memory_space<vmem>>
    %dma_start3A_108 = tpu.memref_squeeze %dma_start3A_107 : memref<1x128xi32, #tpu.memory_space<vmem>> -> memref<128xi32, #tpu.memory_space<vmem>>
    %dma_start3A_109 = arith.constant 0 : i32
    %dma_start3A_110 = tpu.memref_slice %arg17[%dma_start3A_109] : memref<263168xf32, #tpu.memory_space<vmem_shared>> -> memref<263168xf32, #tpu.memory_space<vmem_shared>>
    tpu.enqueue_indirect_dma source(%arg16 : memref<128xf32, #tpu.memory_space<vmem>>) target(%dma_start3A_110 : memref<263168xf32, #tpu.memory_space<vmem_shared>>) offsets(%dma_start3A_108 : memref<128xi32, #tpu.memory_space<vmem>>) semaphore(%arg19 : memref<!tpu.dma_semaphore, #tpu.memory_space<semaphore_mem>>) {add = true}
    %dma_start3A_111 = arith.constant 1 : i32
    %dma_start3A_112 = arith.constant 0 : i32
    %dma_start3A_113 = tpu.memref_slice %arg15[%dma_start3A_111, %dma_start3A_112] : memref<2x128xi32, #tpu.memory_space<vmem>> -> memref<1x128xi32, #tpu.memory_space<vmem>>
    %dma_start3A_114 = tpu.memref_squeeze %dma_start3A_113 : memref<1x128xi32, #tpu.memory_space<vmem>> -> memref<128xi32, #tpu.memory_space<vmem>>
    %dma_start3A_115 = arith.constant 0 : i32
    %dma_start3A_116 = tpu.memref_slice %arg17[%dma_start3A_115] : memref<263168xf32, #tpu.memory_space<vmem_shared>> -> memref<263168xf32, #tpu.memory_space<vmem_shared>>
    tpu.enqueue_indirect_dma source(%arg16 : memref<128xf32, #tpu.memory_space<vmem>>) target(%dma_start3A_116 : memref<263168xf32, #tpu.memory_space<vmem_shared>>) offsets(%dma_start3A_114 : memref<128xi32, #tpu.memory_space<vmem>>) semaphore(%arg19 : memref<!tpu.dma_semaphore, #tpu.memory_space<semaphore_mem>>) {add = true}
    %dma_wait3A_117 = arith.constant 0 : i32
    %dma_wait3A_118 = tpu.memref_slice %arg2[%dma_wait3A_117] : memref<2097152xf32, #tpu.memory_space<hbm>> -> memref<128xf32, #tpu.memory_space<hbm>>
    %dma_wait3A_119 = arith.constant 0 : i32
    %dma_wait3A_120 = tpu.memref_slice %arg2[%dma_wait3A_119] : memref<2097152xf32, #tpu.memory_space<hbm>> -> memref<128xf32, #tpu.memory_space<hbm>>
    tpu.wait_dma2 semaphore(%arg19 : memref<!tpu.dma_semaphore, #tpu.memory_space<semaphore_mem>>) src(%dma_wait3A_120 : memref<128xf32, #tpu.memory_space<hbm>>) dst(%arg16 : memref<128xf32, #tpu.memory_space<vmem>>)
    %dma_wait3A_121 = arith.constant 0 : i32
    %dma_wait3A_122 = tpu.memref_slice %arg2[%dma_wait3A_121] : memref<2097152xf32, #tpu.memory_space<hbm>> -> memref<128xf32, #tpu.memory_space<hbm>>
    %dma_wait3A_123 = arith.constant 0 : i32
    %dma_wait3A_124 = tpu.memref_slice %arg2[%dma_wait3A_123] : memref<2097152xf32, #tpu.memory_space<hbm>> -> memref<128xf32, #tpu.memory_space<hbm>>
    tpu.wait_dma2 semaphore(%arg19 : memref<!tpu.dma_semaphore, #tpu.memory_space<semaphore_mem>>) src(%dma_wait3A_124 : memref<128xf32, #tpu.memory_space<hbm>>) dst(%arg16 : memref<128xf32, #tpu.memory_space<vmem>>)
    %barrier3A_125 = arith.constant 0 : index
    tpu.barrier barrier_id(%barrier3A_125)
    %eq3A = arith.constant 0 : i32
    %eq3A_126 = arith.cmpi eq, %arg0, %eq3A : i32
    %convert_element_type3A_127 = arith.extui %eq3A_126 : i1 to i32
    %cond3A_128 = arith.constant 0 : i32
    %cond3A_129 = arith.cmpi ne, %convert_element_type3A_127, %cond3A_128 : i32
    scf.if %cond3A_129 {
      %mul3A_135 = arith.constant 16384 : i32
      %mul3A_136 = arith.muli %arg1, %mul3A_135 : i32
      %mul3A_137 = arith.constant 16384 : i32
      %mul3A_138 = arith.muli %arg1, %mul3A_137 : i32
      "tpu.region"() ({
        %run_scoped3A = tpu.sem_alloc : memref<!tpu.dma_semaphore, #tpu.memory_space<semaphore_mem>>
        %dma_start3A_144 = tpu.memref_slice %arg7[%mul3A_138] : memref<262144xf32, #tpu.memory_space<hbm>> -> memref<16384xf32, #tpu.memory_space<hbm>>
        %dma_start3A_145 = tpu.memref_slice %arg17[%mul3A_136] : memref<263168xf32, #tpu.memory_space<vmem_shared>> -> memref<16384xf32, #tpu.memory_space<vmem_shared>>
        tpu.enqueue_dma source(%dma_start3A_145 : memref<16384xf32, #tpu.memory_space<vmem_shared>>) target(%dma_start3A_144 : memref<16384xf32, #tpu.memory_space<hbm>>) target_semaphore(%run_scoped3A : memref<!tpu.dma_semaphore, #tpu.memory_space<semaphore_mem>>)
        %dma_wait3A_146 = tpu.memref_slice %arg7[%mul3A_138] : memref<262144xf32, #tpu.memory_space<hbm>> -> memref<16384xf32, #tpu.memory_space<hbm>>
        %dma_wait3A_147 = tpu.memref_slice %arg17[%mul3A_136] : memref<263168xf32, #tpu.memory_space<vmem_shared>> -> memref<16384xf32, #tpu.memory_space<vmem_shared>>
        tpu.wait_dma2 semaphore(%run_scoped3A : memref<!tpu.dma_semaphore, #tpu.memory_space<semaphore_mem>>) src(%dma_wait3A_147 : memref<16384xf32, #tpu.memory_space<vmem_shared>>) dst(%dma_wait3A_146 : memref<16384xf32, #tpu.memory_space<hbm>>)
        tpu.yield
      }) : () -> ()
      %lt3A_139 = arith.constant 8 : i32
      %lt3A_140 = arith.cmpi slt, %arg1, %lt3A_139 : i32
      %convert_element_type3A_141 = arith.extui %lt3A_140 : i1 to i32
      %cond3A_142 = arith.constant 0 : i32
      %cond3A_143 = arith.cmpi ne, %convert_element_type3A_141, %cond3A_142 : i32
      scf.if %cond3A_143 {
        %mul3A_144 = arith.constant 128 : i32
        %mul3A_145 = arith.muli %arg1, %mul3A_144 : i32
        %add3A_146 = arith.constant 262144 : i32
        %add3A_147 = arith.addi %add3A_146, %mul3A_145 : i32
        %mul3A_148 = arith.constant 128 : i32
        %mul3A_149 = arith.muli %arg1, %mul3A_148 : i32
        "tpu.region"() ({
          %run_scoped3A = tpu.sem_alloc : memref<!tpu.dma_semaphore, #tpu.memory_space<semaphore_mem>>
          %dma_start3A_150 = tpu.memref_slice %arg8[%mul3A_149] : memref<1024xf32, #tpu.memory_space<hbm>> -> memref<128xf32, #tpu.memory_space<hbm>>
          %dma_start3A_151 = tpu.memref_slice %arg17[%add3A_147] : memref<263168xf32, #tpu.memory_space<vmem_shared>> -> memref<128xf32, #tpu.memory_space<vmem_shared>>
          tpu.enqueue_dma source(%dma_start3A_151 : memref<128xf32, #tpu.memory_space<vmem_shared>>) target(%dma_start3A_150 : memref<128xf32, #tpu.memory_space<hbm>>) target_semaphore(%run_scoped3A : memref<!tpu.dma_semaphore, #tpu.memory_space<semaphore_mem>>)
          %dma_wait3A_152 = tpu.memref_slice %arg8[%mul3A_149] : memref<1024xf32, #tpu.memory_space<hbm>> -> memref<128xf32, #tpu.memory_space<hbm>>
          %dma_wait3A_153 = tpu.memref_slice %arg17[%add3A_147] : memref<263168xf32, #tpu.memory_space<vmem_shared>> -> memref<128xf32, #tpu.memory_space<vmem_shared>>
          tpu.wait_dma2 semaphore(%run_scoped3A : memref<!tpu.dma_semaphore, #tpu.memory_space<semaphore_mem>>) src(%dma_wait3A_153 : memref<128xf32, #tpu.memory_space<vmem_shared>>) dst(%dma_wait3A_152 : memref<128xf32, #tpu.memory_space<hbm>>)
          tpu.yield
        }) : () -> ()
      } else {
      }
    } else {
    }
    %eq3A_130 = arith.constant 1 : i32
    %eq3A_131 = arith.cmpi eq, %arg0, %eq3A_130 : i32
    %convert_element_type3A_132 = arith.extui %eq3A_131 : i1 to i32
    %cond3A_133 = arith.constant 0 : i32
    %cond3A_134 = arith.cmpi ne, %convert_element_type3A_132, %cond3A_133 : i32
    scf.if %cond3A_134 {
      %mul3A_135 = arith.constant 16384 : i32
      %mul3A_136 = arith.muli %arg1, %mul3A_135 : i32
      %mul3A_137 = arith.constant 16384 : i32
      %mul3A_138 = arith.muli %arg1, %mul3A_137 : i32
      "tpu.region"() ({
        %run_scoped3A = tpu.sem_alloc : memref<!tpu.dma_semaphore, #tpu.memory_space<semaphore_mem>>
        %dma_start3A_144 = tpu.memref_slice %arg9[%mul3A_138] : memref<262144xf32, #tpu.memory_space<hbm>> -> memref<16384xf32, #tpu.memory_space<hbm>>
        %dma_start3A_145 = tpu.memref_slice %arg17[%mul3A_136] : memref<263168xf32, #tpu.memory_space<vmem_shared>> -> memref<16384xf32, #tpu.memory_space<vmem_shared>>
        tpu.enqueue_dma source(%dma_start3A_145 : memref<16384xf32, #tpu.memory_space<vmem_shared>>) target(%dma_start3A_144 : memref<16384xf32, #tpu.memory_space<hbm>>) target_semaphore(%run_scoped3A : memref<!tpu.dma_semaphore, #tpu.memory_space<semaphore_mem>>)
        %dma_wait3A_146 = tpu.memref_slice %arg9[%mul3A_138] : memref<262144xf32, #tpu.memory_space<hbm>> -> memref<16384xf32, #tpu.memory_space<hbm>>
        %dma_wait3A_147 = tpu.memref_slice %arg17[%mul3A_136] : memref<263168xf32, #tpu.memory_space<vmem_shared>> -> memref<16384xf32, #tpu.memory_space<vmem_shared>>
        tpu.wait_dma2 semaphore(%run_scoped3A : memref<!tpu.dma_semaphore, #tpu.memory_space<semaphore_mem>>) src(%dma_wait3A_147 : memref<16384xf32, #tpu.memory_space<vmem_shared>>) dst(%dma_wait3A_146 : memref<16384xf32, #tpu.memory_space<hbm>>)
        tpu.yield
      }) : () -> ()
      %lt3A_139 = arith.constant 8 : i32
      %lt3A_140 = arith.cmpi slt, %arg1, %lt3A_139 : i32
      %convert_element_type3A_141 = arith.extui %lt3A_140 : i1 to i32
      %cond3A_142 = arith.constant 0 : i32
      %cond3A_143 = arith.cmpi ne, %convert_element_type3A_141, %cond3A_142 : i32
      scf.if %cond3A_143 {
        %mul3A_144 = arith.constant 128 : i32
        %mul3A_145 = arith.muli %arg1, %mul3A_144 : i32
        %add3A_146 = arith.constant 262144 : i32
        %add3A_147 = arith.addi %add3A_146, %mul3A_145 : i32
        %mul3A_148 = arith.constant 128 : i32
        %mul3A_149 = arith.muli %arg1, %mul3A_148 : i32
        "tpu.region"() ({
          %run_scoped3A = tpu.sem_alloc : memref<!tpu.dma_semaphore, #tpu.memory_space<semaphore_mem>>
          %dma_start3A_150 = tpu.memref_slice %arg10[%mul3A_149] : memref<1024xf32, #tpu.memory_space<hbm>> -> memref<128xf32, #tpu.memory_space<hbm>>
          %dma_start3A_151 = tpu.memref_slice %arg17[%add3A_147] : memref<263168xf32, #tpu.memory_space<vmem_shared>> -> memref<128xf32, #tpu.memory_space<vmem_shared>>
          tpu.enqueue_dma source(%dma_start3A_151 : memref<128xf32, #tpu.memory_space<vmem_shared>>) target(%dma_start3A_150 : memref<128xf32, #tpu.memory_space<hbm>>) target_semaphore(%run_scoped3A : memref<!tpu.dma_semaphore, #tpu.memory_space<semaphore_mem>>)
          %dma_wait3A_152 = tpu.memref_slice %arg10[%mul3A_149] : memref<1024xf32, #tpu.memory_space<hbm>> -> memref<128xf32, #tpu.memory_space<hbm>>
          %dma_wait3A_153 = tpu.memref_slice %arg17[%add3A_147] : memref<263168xf32, #tpu.memory_space<vmem_shared>> -> memref<128xf32, #tpu.memory_space<vmem_shared>>
          tpu.wait_dma2 semaphore(%run_scoped3A : memref<!tpu.dma_semaphore, #tpu.memory_space<semaphore_mem>>) src(%dma_wait3A_153 : memref<128xf32, #tpu.memory_space<vmem_shared>>) dst(%dma_wait3A_152 : memref<128xf32, #tpu.memory_space<hbm>>)
          tpu.yield
        }) : () -> ()
      } else {
      }
    } else {
    }
    return
  }
}

#map = affine_map<(d0, d1) -> (0)>
#map1 = affine_map<(d0, d1) -> (0, 0)>
module attributes {stable_mosaic.version = 14 : i64} {
  func.func @_segsum_sc_body(%arg0: i32, %arg1: i32, %arg2: memref<2097152xf32, #tpu.memory_space<hbm>>, %arg3: memref<2097152xi32, #tpu.memory_space<hbm>>, %arg4: memref<64x128xi32, #tpu.memory_space<hbm>>, %arg5: memref<262144xf32, #tpu.memory_space<hbm>>, %arg6: memref<128xf32, #tpu.memory_space<hbm>>, %arg7: memref<262144xf32, #tpu.memory_space<hbm>>, %arg8: memref<1024xf32, #tpu.memory_space<hbm>>, %arg9: memref<262144xf32, #tpu.memory_space<hbm>>, %arg10: memref<1024xf32, #tpu.memory_space<hbm>>, %arg11: memref<16384xf32, #tpu.memory_space<vmem>>, %arg12: memref<16384xf32, #tpu.memory_space<vmem>>, %arg13: memref<16384xi32, #tpu.memory_space<vmem>>, %arg14: memref<16384xi32, #tpu.memory_space<vmem>>, %arg15: memref<2x128xi32, #tpu.memory_space<vmem>>, %arg16: memref<128xf32, #tpu.memory_space<vmem>>, %arg17: memref<263168xf32, #tpu.memory_space<vmem_shared>>, %arg18: memref<!tpu.dma_semaphore, #tpu.memory_space<semaphore_mem>>, %arg19: memref<!tpu.dma_semaphore, #tpu.memory_space<semaphore_mem>>) attributes {dimension_semantics = [#tpu.dimension_semantics<core_parallel>, #tpu.dimension_semantics<subcore_parallel>], iteration_bounds = array<i64: 2, 16>, scalar_prefetch = 0 : i64, scratch_operands = 9 : i64, tpu.core_type = #tpu.core_type<sc_vector_subcore>, window_params = [{transform_indices = #map}, {transform_indices = #map}, {transform_indices = #map1}, {transform_indices = #map}, {transform_indices = #map}, {transform_indices = #map}, {transform_indices = #map}, {transform_indices = #map}, {transform_indices = #map}]} {
    %mul3A = arith.constant 2 : i32
    %mul3A_0 = arith.muli %arg1, %mul3A : i32
    %add3A = arith.addi %mul3A_0, %arg0 : i32
    %mul3A_1 = arith.constant 256 : i32
    %mul3A_2 = arith.muli %add3A, %mul3A_1 : i32
    %mul3A_3 = arith.constant 256 : i32
    %mul3A_4 = arith.muli %mul3A_2, %mul3A_3 : i32
    %mul3A_5 = arith.constant 16384 : i32
    %mul3A_6 = arith.muli %arg1, %mul3A_5 : i32
    %mul3A_7 = arith.constant 16384 : i32
    %mul3A_8 = arith.muli %arg1, %mul3A_7 : i32
    %dma_start3A = tpu.memref_slice %arg17[%mul3A_8] : memref<263168xf32, #tpu.memory_space<vmem_shared>> -> memref<16384xf32, #tpu.memory_space<vmem_shared>>
    %dma_start3A_9 = tpu.memref_slice %arg5[%mul3A_6] : memref<262144xf32, #tpu.memory_space<hbm>> -> memref<16384xf32, #tpu.memory_space<hbm>>
    tpu.enqueue_dma source(%dma_start3A_9 : memref<16384xf32, #tpu.memory_space<hbm>>) target(%dma_start3A : memref<16384xf32, #tpu.memory_space<vmem_shared>>) target_semaphore(%arg18 : memref<!tpu.dma_semaphore, #tpu.memory_space<semaphore_mem>>)
    %add3A_10 = arith.constant 0 : i32
    %add3A_11 = arith.addi %mul3A_4, %add3A_10 : i32
    %dma_start3A_12 = tpu.memref_slice %arg2[%add3A_11] : memref<2097152xf32, #tpu.memory_space<hbm>> -> memref<16384xf32, #tpu.memory_space<hbm>>
    %dma_start3A_13 = tpu.memref_slice %arg2[%add3A_11] : memref<2097152xf32, #tpu.memory_space<hbm>> -> memref<16384xf32, #tpu.memory_space<hbm>>
    tpu.enqueue_dma source(%dma_start3A_13 : memref<16384xf32, #tpu.memory_space<hbm>>) target(%arg11 : memref<16384xf32, #tpu.memory_space<vmem>>) target_semaphore(%arg18 : memref<!tpu.dma_semaphore, #tpu.memory_space<semaphore_mem>>)
    %add3A_14 = arith.constant 0 : i32
    %add3A_15 = arith.addi %mul3A_4, %add3A_14 : i32
    %dma_start3A_16 = tpu.memref_slice %arg3[%add3A_15] : memref<2097152xi32, #tpu.memory_space<hbm>> -> memref<16384xi32, #tpu.memory_space<hbm>>
    %dma_start3A_17 = tpu.memref_slice %arg3[%add3A_15] : memref<2097152xi32, #tpu.memory_space<hbm>> -> memref<16384xi32, #tpu.memory_space<hbm>>
    tpu.enqueue_dma source(%dma_start3A_17 : memref<16384xi32, #tpu.memory_space<hbm>>) target(%arg13 : memref<16384xi32, #tpu.memory_space<vmem>>) target_semaphore(%arg18 : memref<!tpu.dma_semaphore, #tpu.memory_space<semaphore_mem>>)
    %mul3A_18 = arith.constant 2 : i32
    %mul3A_19 = arith.muli %add3A, %mul3A_18 : i32
    "tpu.region"() ({
      %run_scoped3A = tpu.sem_alloc : memref<!tpu.dma_semaphore, #tpu.memory_space<semaphore_mem>>
      %dma_start3A_135 = arith.constant 0 : i32
      %dma_start3A_136 = tpu.memref_slice %arg4[%mul3A_19, %dma_start3A_135] : memref<64x128xi32, #tpu.memory_space<hbm>> -> memref<2x128xi32, #tpu.memory_space<hbm>>
      %dma_start3A_137 = arith.constant 0 : i32
      %dma_start3A_138 = tpu.memref_slice %arg4[%mul3A_19, %dma_start3A_137] : memref<64x128xi32, #tpu.memory_space<hbm>> -> memref<2x128xi32, #tpu.memory_space<hbm>>
      tpu.enqueue_dma source(%dma_start3A_138 : memref<2x128xi32, #tpu.memory_space<hbm>>) target(%arg15 : memref<2x128xi32, #tpu.memory_space<vmem>>) target_semaphore(%run_scoped3A : memref<!tpu.dma_semaphore, #tpu.memory_space<semaphore_mem>>)
      %dma_wait3A_139 = arith.constant 0 : i32
      %dma_wait3A_140 = tpu.memref_slice %arg4[%mul3A_19, %dma_wait3A_139] : memref<64x128xi32, #tpu.memory_space<hbm>> -> memref<2x128xi32, #tpu.memory_space<hbm>>
      %dma_wait3A_141 = arith.constant 0 : i32
      %dma_wait3A_142 = tpu.memref_slice %arg4[%mul3A_19, %dma_wait3A_141] : memref<64x128xi32, #tpu.memory_space<hbm>> -> memref<2x128xi32, #tpu.memory_space<hbm>>
      tpu.wait_dma2 semaphore(%run_scoped3A : memref<!tpu.dma_semaphore, #tpu.memory_space<semaphore_mem>>) src(%dma_wait3A_142 : memref<2x128xi32, #tpu.memory_space<hbm>>) dst(%arg15 : memref<2x128xi32, #tpu.memory_space<vmem>>)
      tpu.yield
    }) : () -> ()
    "tpu.region"() ({
      %run_scoped3A = tpu.sem_alloc : memref<!tpu.dma_semaphore, #tpu.memory_space<semaphore_mem>>
      tpu.enqueue_dma source(%arg6 : memref<128xf32, #tpu.memory_space<hbm>>) target(%arg16 : memref<128xf32, #tpu.memory_space<vmem>>) target_semaphore(%run_scoped3A : memref<!tpu.dma_semaphore, #tpu.memory_space<semaphore_mem>>)
      tpu.wait_dma2 semaphore(%run_scoped3A : memref<!tpu.dma_semaphore, #tpu.memory_space<semaphore_mem>>) src(%arg6 : memref<128xf32, #tpu.memory_space<hbm>>) dst(%arg16 : memref<128xf32, #tpu.memory_space<vmem>>)
      tpu.yield
    }) : () -> ()
    %lt3A = arith.constant 8 : i32
    %lt3A_20 = arith.cmpi slt, %arg1, %lt3A : i32
    %convert_element_type3A = arith.extui %lt3A_20 : i1 to i32
    %cond3A = arith.constant 0 : i32
    %cond3A_21 = arith.cmpi ne, %convert_element_type3A, %cond3A : i32
    scf.if %cond3A_21 {
      %mul3A_135 = arith.constant 128 : i32
      %mul3A_136 = arith.muli %arg1, %mul3A_135 : i32
      %mul3A_137 = arith.constant 128 : i32
      %mul3A_138 = arith.muli %arg1, %mul3A_137 : i32
      %add3A_139 = arith.constant 262144 : i32
      %add3A_140 = arith.addi %add3A_139, %mul3A_138 : i32
      "tpu.region"() ({
        %run_scoped3A = tpu.sem_alloc : memref<!tpu.dma_semaphore, #tpu.memory_space<semaphore_mem>>
        %dma_start3A_141 = tpu.memref_slice %arg17[%add3A_140] : memref<263168xf32, #tpu.memory_space<vmem_shared>> -> memref<128xf32, #tpu.memory_space<vmem_shared>>
        %dma_start3A_142 = tpu.memref_slice %arg5[%mul3A_136] : memref<262144xf32, #tpu.memory_space<hbm>> -> memref<128xf32, #tpu.memory_space<hbm>>
        tpu.enqueue_dma source(%dma_start3A_142 : memref<128xf32, #tpu.memory_space<hbm>>) target(%dma_start3A_141 : memref<128xf32, #tpu.memory_space<vmem_shared>>) target_semaphore(%run_scoped3A : memref<!tpu.dma_semaphore, #tpu.memory_space<semaphore_mem>>)
        %dma_wait3A_143 = tpu.memref_slice %arg17[%add3A_140] : memref<263168xf32, #tpu.memory_space<vmem_shared>> -> memref<128xf32, #tpu.memory_space<vmem_shared>>
        %dma_wait3A_144 = tpu.memref_slice %arg5[%mul3A_136] : memref<262144xf32, #tpu.memory_space<hbm>> -> memref<128xf32, #tpu.memory_space<hbm>>
        tpu.wait_dma2 semaphore(%run_scoped3A : memref<!tpu.dma_semaphore, #tpu.memory_space<semaphore_mem>>) src(%dma_wait3A_144 : memref<128xf32, #tpu.memory_space<hbm>>) dst(%dma_wait3A_143 : memref<128xf32, #tpu.memory_space<vmem_shared>>)
        tpu.yield
      }) : () -> ()
    } else {
    }
    %dma_wait3A = arith.constant 0 : i32
    %dma_wait3A_22 = tpu.memref_slice %arg17[%dma_wait3A] : memref<263168xf32, #tpu.memory_space<vmem_shared>> -> memref<16384xf32, #tpu.memory_space<vmem_shared>>
    %dma_wait3A_23 = arith.constant 0 : i32
    %dma_wait3A_24 = tpu.memref_slice %arg2[%dma_wait3A_23] : memref<2097152xf32, #tpu.memory_space<hbm>> -> memref<16384xf32, #tpu.memory_space<hbm>>
    tpu.wait_dma2 semaphore(%arg18 : memref<!tpu.dma_semaphore, #tpu.memory_space<semaphore_mem>>) src(%dma_wait3A_24 : memref<16384xf32, #tpu.memory_space<hbm>>) dst(%dma_wait3A_22 : memref<16384xf32, #tpu.memory_space<vmem_shared>>)
    %dma_wait3A_25 = arith.constant 0 : i32
    %dma_wait3A_26 = tpu.memref_slice %arg2[%dma_wait3A_25] : memref<2097152xf32, #tpu.memory_space<hbm>> -> memref<16384xf32, #tpu.memory_space<hbm>>
    %dma_wait3A_27 = arith.constant 0 : i32
    %dma_wait3A_28 = tpu.memref_slice %arg2[%dma_wait3A_27] : memref<2097152xf32, #tpu.memory_space<hbm>> -> memref<16384xf32, #tpu.memory_space<hbm>>
    tpu.wait_dma2 semaphore(%arg18 : memref<!tpu.dma_semaphore, #tpu.memory_space<semaphore_mem>>) src(%dma_wait3A_28 : memref<16384xf32, #tpu.memory_space<hbm>>) dst(%arg11 : memref<16384xf32, #tpu.memory_space<vmem>>)
    %dma_wait3A_29 = arith.constant 0 : i32
    %dma_wait3A_30 = tpu.memref_slice %arg3[%dma_wait3A_29] : memref<2097152xi32, #tpu.memory_space<hbm>> -> memref<16384xi32, #tpu.memory_space<hbm>>
    %dma_wait3A_31 = arith.constant 0 : i32
    %dma_wait3A_32 = tpu.memref_slice %arg3[%dma_wait3A_31] : memref<2097152xi32, #tpu.memory_space<hbm>> -> memref<16384xi32, #tpu.memory_space<hbm>>
    tpu.wait_dma2 semaphore(%arg18 : memref<!tpu.dma_semaphore, #tpu.memory_space<semaphore_mem>>) src(%dma_wait3A_32 : memref<16384xi32, #tpu.memory_space<hbm>>) dst(%arg13 : memref<16384xi32, #tpu.memory_space<vmem>>)
    %barrier3A = arith.constant 0 : index
    tpu.barrier barrier_id(%barrier3A)
    %add3A_33 = arith.constant 16384 : i32
    %add3A_34 = arith.addi %mul3A_4, %add3A_33 : i32
    %dma_start3A_35 = tpu.memref_slice %arg2[%add3A_34] : memref<2097152xf32, #tpu.memory_space<hbm>> -> memref<16384xf32, #tpu.memory_space<hbm>>
    %dma_start3A_36 = tpu.memref_slice %arg2[%add3A_34] : memref<2097152xf32, #tpu.memory_space<hbm>> -> memref<16384xf32, #tpu.memory_space<hbm>>
    tpu.enqueue_dma source(%dma_start3A_36 : memref<16384xf32, #tpu.memory_space<hbm>>) target(%arg12 : memref<16384xf32, #tpu.memory_space<vmem>>) target_semaphore(%arg18 : memref<!tpu.dma_semaphore, #tpu.memory_space<semaphore_mem>>)
    %add3A_37 = arith.constant 16384 : i32
    %add3A_38 = arith.addi %mul3A_4, %add3A_37 : i32
    %dma_start3A_39 = tpu.memref_slice %arg3[%add3A_38] : memref<2097152xi32, #tpu.memory_space<hbm>> -> memref<16384xi32, #tpu.memory_space<hbm>>
    %dma_start3A_40 = tpu.memref_slice %arg3[%add3A_38] : memref<2097152xi32, #tpu.memory_space<hbm>> -> memref<16384xi32, #tpu.memory_space<hbm>>
    tpu.enqueue_dma source(%dma_start3A_40 : memref<16384xi32, #tpu.memory_space<hbm>>) target(%arg14 : memref<16384xi32, #tpu.memory_space<vmem>>) target_semaphore(%arg18 : memref<!tpu.dma_semaphore, #tpu.memory_space<semaphore_mem>>)
    %dma_start3A_41 = arith.constant 0 : i32
    %dma_start3A_42 = tpu.memref_slice %arg17[%dma_start3A_41] : memref<263168xf32, #tpu.memory_space<vmem_shared>> -> memref<263168xf32, #tpu.memory_space<vmem_shared>>
    tpu.enqueue_indirect_dma source(%arg11 : memref<16384xf32, #tpu.memory_space<vmem>>) target(%dma_start3A_42 : memref<263168xf32, #tpu.memory_space<vmem_shared>>) offsets(%arg13 : memref<16384xi32, #tpu.memory_space<vmem>>) semaphore(%arg19 : memref<!tpu.dma_semaphore, #tpu.memory_space<semaphore_mem>>) {add = true}
    %dma_wait3A_43 = arith.constant 0 : i32
    %dma_wait3A_44 = tpu.memref_slice %arg2[%dma_wait3A_43] : memref<2097152xf32, #tpu.memory_space<hbm>> -> memref<16384xf32, #tpu.memory_space<hbm>>
    %dma_wait3A_45 = arith.constant 0 : i32
    %dma_wait3A_46 = tpu.memref_slice %arg2[%dma_wait3A_45] : memref<2097152xf32, #tpu.memory_space<hbm>> -> memref<16384xf32, #tpu.memory_space<hbm>>
    tpu.wait_dma2 semaphore(%arg19 : memref<!tpu.dma_semaphore, #tpu.memory_space<semaphore_mem>>) src(%dma_wait3A_46 : memref<16384xf32, #tpu.memory_space<hbm>>) dst(%arg11 : memref<16384xf32, #tpu.memory_space<vmem>>)
    %dma_wait3A_47 = arith.constant 0 : i32
    %dma_wait3A_48 = tpu.memref_slice %arg2[%dma_wait3A_47] : memref<2097152xf32, #tpu.memory_space<hbm>> -> memref<16384xf32, #tpu.memory_space<hbm>>
    %dma_wait3A_49 = arith.constant 0 : i32
    %dma_wait3A_50 = tpu.memref_slice %arg2[%dma_wait3A_49] : memref<2097152xf32, #tpu.memory_space<hbm>> -> memref<16384xf32, #tpu.memory_space<hbm>>
    tpu.wait_dma2 semaphore(%arg18 : memref<!tpu.dma_semaphore, #tpu.memory_space<semaphore_mem>>) src(%dma_wait3A_50 : memref<16384xf32, #tpu.memory_space<hbm>>) dst(%arg12 : memref<16384xf32, #tpu.memory_space<vmem>>)
    %dma_wait3A_51 = arith.constant 0 : i32
    %dma_wait3A_52 = tpu.memref_slice %arg3[%dma_wait3A_51] : memref<2097152xi32, #tpu.memory_space<hbm>> -> memref<16384xi32, #tpu.memory_space<hbm>>
    %dma_wait3A_53 = arith.constant 0 : i32
    %dma_wait3A_54 = tpu.memref_slice %arg3[%dma_wait3A_53] : memref<2097152xi32, #tpu.memory_space<hbm>> -> memref<16384xi32, #tpu.memory_space<hbm>>
    tpu.wait_dma2 semaphore(%arg18 : memref<!tpu.dma_semaphore, #tpu.memory_space<semaphore_mem>>) src(%dma_wait3A_54 : memref<16384xi32, #tpu.memory_space<hbm>>) dst(%arg14 : memref<16384xi32, #tpu.memory_space<vmem>>)
    %add3A_55 = arith.constant 32768 : i32
    %add3A_56 = arith.addi %mul3A_4, %add3A_55 : i32
    %dma_start3A_57 = tpu.memref_slice %arg2[%add3A_56] : memref<2097152xf32, #tpu.memory_space<hbm>> -> memref<16384xf32, #tpu.memory_space<hbm>>
    %dma_start3A_58 = tpu.memref_slice %arg2[%add3A_56] : memref<2097152xf32, #tpu.memory_space<hbm>> -> memref<16384xf32, #tpu.memory_space<hbm>>
    tpu.enqueue_dma source(%dma_start3A_58 : memref<16384xf32, #tpu.memory_space<hbm>>) target(%arg11 : memref<16384xf32, #tpu.memory_space<vmem>>) target_semaphore(%arg18 : memref<!tpu.dma_semaphore, #tpu.memory_space<semaphore_mem>>)
    %add3A_59 = arith.constant 32768 : i32
    %add3A_60 = arith.addi %mul3A_4, %add3A_59 : i32
    %dma_start3A_61 = tpu.memref_slice %arg3[%add3A_60] : memref<2097152xi32, #tpu.memory_space<hbm>> -> memref<16384xi32, #tpu.memory_space<hbm>>
    %dma_start3A_62 = tpu.memref_slice %arg3[%add3A_60] : memref<2097152xi32, #tpu.memory_space<hbm>> -> memref<16384xi32, #tpu.memory_space<hbm>>
    tpu.enqueue_dma source(%dma_start3A_62 : memref<16384xi32, #tpu.memory_space<hbm>>) target(%arg13 : memref<16384xi32, #tpu.memory_space<vmem>>) target_semaphore(%arg18 : memref<!tpu.dma_semaphore, #tpu.memory_space<semaphore_mem>>)
    %dma_start3A_63 = arith.constant 0 : i32
    %dma_start3A_64 = tpu.memref_slice %arg17[%dma_start3A_63] : memref<263168xf32, #tpu.memory_space<vmem_shared>> -> memref<263168xf32, #tpu.memory_space<vmem_shared>>
    tpu.enqueue_indirect_dma source(%arg12 : memref<16384xf32, #tpu.memory_space<vmem>>) target(%dma_start3A_64 : memref<263168xf32, #tpu.memory_space<vmem_shared>>) offsets(%arg14 : memref<16384xi32, #tpu.memory_space<vmem>>) semaphore(%arg19 : memref<!tpu.dma_semaphore, #tpu.memory_space<semaphore_mem>>) {add = true}
    %dma_wait3A_65 = arith.constant 0 : i32
    %dma_wait3A_66 = tpu.memref_slice %arg2[%dma_wait3A_65] : memref<2097152xf32, #tpu.memory_space<hbm>> -> memref<16384xf32, #tpu.memory_space<hbm>>
    %dma_wait3A_67 = arith.constant 0 : i32
    %dma_wait3A_68 = tpu.memref_slice %arg2[%dma_wait3A_67] : memref<2097152xf32, #tpu.memory_space<hbm>> -> memref<16384xf32, #tpu.memory_space<hbm>>
    tpu.wait_dma2 semaphore(%arg19 : memref<!tpu.dma_semaphore, #tpu.memory_space<semaphore_mem>>) src(%dma_wait3A_68 : memref<16384xf32, #tpu.memory_space<hbm>>) dst(%arg12 : memref<16384xf32, #tpu.memory_space<vmem>>)
    %dma_wait3A_69 = arith.constant 0 : i32
    %dma_wait3A_70 = tpu.memref_slice %arg2[%dma_wait3A_69] : memref<2097152xf32, #tpu.memory_space<hbm>> -> memref<16384xf32, #tpu.memory_space<hbm>>
    %dma_wait3A_71 = arith.constant 0 : i32
    %dma_wait3A_72 = tpu.memref_slice %arg2[%dma_wait3A_71] : memref<2097152xf32, #tpu.memory_space<hbm>> -> memref<16384xf32, #tpu.memory_space<hbm>>
    tpu.wait_dma2 semaphore(%arg18 : memref<!tpu.dma_semaphore, #tpu.memory_space<semaphore_mem>>) src(%dma_wait3A_72 : memref<16384xf32, #tpu.memory_space<hbm>>) dst(%arg11 : memref<16384xf32, #tpu.memory_space<vmem>>)
    %dma_wait3A_73 = arith.constant 0 : i32
    %dma_wait3A_74 = tpu.memref_slice %arg3[%dma_wait3A_73] : memref<2097152xi32, #tpu.memory_space<hbm>> -> memref<16384xi32, #tpu.memory_space<hbm>>
    %dma_wait3A_75 = arith.constant 0 : i32
    %dma_wait3A_76 = tpu.memref_slice %arg3[%dma_wait3A_75] : memref<2097152xi32, #tpu.memory_space<hbm>> -> memref<16384xi32, #tpu.memory_space<hbm>>
    tpu.wait_dma2 semaphore(%arg18 : memref<!tpu.dma_semaphore, #tpu.memory_space<semaphore_mem>>) src(%dma_wait3A_76 : memref<16384xi32, #tpu.memory_space<hbm>>) dst(%arg13 : memref<16384xi32, #tpu.memory_space<vmem>>)
    %add3A_77 = arith.constant 49152 : i32
    %add3A_78 = arith.addi %mul3A_4, %add3A_77 : i32
    %dma_start3A_79 = tpu.memref_slice %arg2[%add3A_78] : memref<2097152xf32, #tpu.memory_space<hbm>> -> memref<16384xf32, #tpu.memory_space<hbm>>
    %dma_start3A_80 = tpu.memref_slice %arg2[%add3A_78] : memref<2097152xf32, #tpu.memory_space<hbm>> -> memref<16384xf32, #tpu.memory_space<hbm>>
    tpu.enqueue_dma source(%dma_start3A_80 : memref<16384xf32, #tpu.memory_space<hbm>>) target(%arg12 : memref<16384xf32, #tpu.memory_space<vmem>>) target_semaphore(%arg18 : memref<!tpu.dma_semaphore, #tpu.memory_space<semaphore_mem>>)
    %add3A_81 = arith.constant 49152 : i32
    %add3A_82 = arith.addi %mul3A_4, %add3A_81 : i32
    %dma_start3A_83 = tpu.memref_slice %arg3[%add3A_82] : memref<2097152xi32, #tpu.memory_space<hbm>> -> memref<16384xi32, #tpu.memory_space<hbm>>
    %dma_start3A_84 = tpu.memref_slice %arg3[%add3A_82] : memref<2097152xi32, #tpu.memory_space<hbm>> -> memref<16384xi32, #tpu.memory_space<hbm>>
    tpu.enqueue_dma source(%dma_start3A_84 : memref<16384xi32, #tpu.memory_space<hbm>>) target(%arg14 : memref<16384xi32, #tpu.memory_space<vmem>>) target_semaphore(%arg18 : memref<!tpu.dma_semaphore, #tpu.memory_space<semaphore_mem>>)
    %dma_start3A_85 = arith.constant 0 : i32
    %dma_start3A_86 = tpu.memref_slice %arg17[%dma_start3A_85] : memref<263168xf32, #tpu.memory_space<vmem_shared>> -> memref<263168xf32, #tpu.memory_space<vmem_shared>>
    tpu.enqueue_indirect_dma source(%arg11 : memref<16384xf32, #tpu.memory_space<vmem>>) target(%dma_start3A_86 : memref<263168xf32, #tpu.memory_space<vmem_shared>>) offsets(%arg13 : memref<16384xi32, #tpu.memory_space<vmem>>) semaphore(%arg19 : memref<!tpu.dma_semaphore, #tpu.memory_space<semaphore_mem>>) {add = true}
    %dma_wait3A_87 = arith.constant 0 : i32
    %dma_wait3A_88 = tpu.memref_slice %arg2[%dma_wait3A_87] : memref<2097152xf32, #tpu.memory_space<hbm>> -> memref<16384xf32, #tpu.memory_space<hbm>>
    %dma_wait3A_89 = arith.constant 0 : i32
    %dma_wait3A_90 = tpu.memref_slice %arg2[%dma_wait3A_89] : memref<2097152xf32, #tpu.memory_space<hbm>> -> memref<16384xf32, #tpu.memory_space<hbm>>
    tpu.wait_dma2 semaphore(%arg19 : memref<!tpu.dma_semaphore, #tpu.memory_space<semaphore_mem>>) src(%dma_wait3A_90 : memref<16384xf32, #tpu.memory_space<hbm>>) dst(%arg11 : memref<16384xf32, #tpu.memory_space<vmem>>)
    %dma_wait3A_91 = arith.constant 0 : i32
    %dma_wait3A_92 = tpu.memref_slice %arg2[%dma_wait3A_91] : memref<2097152xf32, #tpu.memory_space<hbm>> -> memref<16384xf32, #tpu.memory_space<hbm>>
    %dma_wait3A_93 = arith.constant 0 : i32
    %dma_wait3A_94 = tpu.memref_slice %arg2[%dma_wait3A_93] : memref<2097152xf32, #tpu.memory_space<hbm>> -> memref<16384xf32, #tpu.memory_space<hbm>>
    tpu.wait_dma2 semaphore(%arg18 : memref<!tpu.dma_semaphore, #tpu.memory_space<semaphore_mem>>) src(%dma_wait3A_94 : memref<16384xf32, #tpu.memory_space<hbm>>) dst(%arg12 : memref<16384xf32, #tpu.memory_space<vmem>>)
    %dma_wait3A_95 = arith.constant 0 : i32
    %dma_wait3A_96 = tpu.memref_slice %arg3[%dma_wait3A_95] : memref<2097152xi32, #tpu.memory_space<hbm>> -> memref<16384xi32, #tpu.memory_space<hbm>>
    %dma_wait3A_97 = arith.constant 0 : i32
    %dma_wait3A_98 = tpu.memref_slice %arg3[%dma_wait3A_97] : memref<2097152xi32, #tpu.memory_space<hbm>> -> memref<16384xi32, #tpu.memory_space<hbm>>
    tpu.wait_dma2 semaphore(%arg18 : memref<!tpu.dma_semaphore, #tpu.memory_space<semaphore_mem>>) src(%dma_wait3A_98 : memref<16384xi32, #tpu.memory_space<hbm>>) dst(%arg14 : memref<16384xi32, #tpu.memory_space<vmem>>)
    %dma_start3A_99 = arith.constant 0 : i32
    %dma_start3A_100 = tpu.memref_slice %arg17[%dma_start3A_99] : memref<263168xf32, #tpu.memory_space<vmem_shared>> -> memref<263168xf32, #tpu.memory_space<vmem_shared>>
    tpu.enqueue_indirect_dma source(%arg12 : memref<16384xf32, #tpu.memory_space<vmem>>) target(%dma_start3A_100 : memref<263168xf32, #tpu.memory_space<vmem_shared>>) offsets(%arg14 : memref<16384xi32, #tpu.memory_space<vmem>>) semaphore(%arg19 : memref<!tpu.dma_semaphore, #tpu.memory_space<semaphore_mem>>) {add = true}
    %dma_wait3A_101 = arith.constant 0 : i32
    %dma_wait3A_102 = tpu.memref_slice %arg2[%dma_wait3A_101] : memref<2097152xf32, #tpu.memory_space<hbm>> -> memref<16384xf32, #tpu.memory_space<hbm>>
    %dma_wait3A_103 = arith.constant 0 : i32
    %dma_wait3A_104 = tpu.memref_slice %arg2[%dma_wait3A_103] : memref<2097152xf32, #tpu.memory_space<hbm>> -> memref<16384xf32, #tpu.memory_space<hbm>>
    tpu.wait_dma2 semaphore(%arg19 : memref<!tpu.dma_semaphore, #tpu.memory_space<semaphore_mem>>) src(%dma_wait3A_104 : memref<16384xf32, #tpu.memory_space<hbm>>) dst(%arg12 : memref<16384xf32, #tpu.memory_space<vmem>>)
    %dma_start3A_105 = arith.constant 0 : i32
    %dma_start3A_106 = arith.constant 0 : i32
    %dma_start3A_107 = tpu.memref_slice %arg15[%dma_start3A_105, %dma_start3A_106] : memref<2x128xi32, #tpu.memory_space<vmem>> -> memref<1x128xi32, #tpu.memory_space<vmem>>
    %dma_start3A_108 = tpu.memref_squeeze %dma_start3A_107 : memref<1x128xi32, #tpu.memory_space<vmem>> -> memref<128xi32, #tpu.memory_space<vmem>>
    %dma_start3A_109 = arith.constant 0 : i32
    %dma_start3A_110 = tpu.memref_slice %arg17[%dma_start3A_109] : memref<263168xf32, #tpu.memory_space<vmem_shared>> -> memref<263168xf32, #tpu.memory_space<vmem_shared>>
    tpu.enqueue_indirect_dma source(%arg16 : memref<128xf32, #tpu.memory_space<vmem>>) target(%dma_start3A_110 : memref<263168xf32, #tpu.memory_space<vmem_shared>>) offsets(%dma_start3A_108 : memref<128xi32, #tpu.memory_space<vmem>>) semaphore(%arg19 : memref<!tpu.dma_semaphore, #tpu.memory_space<semaphore_mem>>) {add = true}
    %dma_start3A_111 = arith.constant 1 : i32
    %dma_start3A_112 = arith.constant 0 : i32
    %dma_start3A_113 = tpu.memref_slice %arg15[%dma_start3A_111, %dma_start3A_112] : memref<2x128xi32, #tpu.memory_space<vmem>> -> memref<1x128xi32, #tpu.memory_space<vmem>>
    %dma_start3A_114 = tpu.memref_squeeze %dma_start3A_113 : memref<1x128xi32, #tpu.memory_space<vmem>> -> memref<128xi32, #tpu.memory_space<vmem>>
    %dma_start3A_115 = arith.constant 0 : i32
    %dma_start3A_116 = tpu.memref_slice %arg17[%dma_start3A_115] : memref<263168xf32, #tpu.memory_space<vmem_shared>> -> memref<263168xf32, #tpu.memory_space<vmem_shared>>
    tpu.enqueue_indirect_dma source(%arg16 : memref<128xf32, #tpu.memory_space<vmem>>) target(%dma_start3A_116 : memref<263168xf32, #tpu.memory_space<vmem_shared>>) offsets(%dma_start3A_114 : memref<128xi32, #tpu.memory_space<vmem>>) semaphore(%arg19 : memref<!tpu.dma_semaphore, #tpu.memory_space<semaphore_mem>>) {add = true}
    %dma_wait3A_117 = arith.constant 0 : i32
    %dma_wait3A_118 = tpu.memref_slice %arg2[%dma_wait3A_117] : memref<2097152xf32, #tpu.memory_space<hbm>> -> memref<128xf32, #tpu.memory_space<hbm>>
    %dma_wait3A_119 = arith.constant 0 : i32
    %dma_wait3A_120 = tpu.memref_slice %arg2[%dma_wait3A_119] : memref<2097152xf32, #tpu.memory_space<hbm>> -> memref<128xf32, #tpu.memory_space<hbm>>
    tpu.wait_dma2 semaphore(%arg19 : memref<!tpu.dma_semaphore, #tpu.memory_space<semaphore_mem>>) src(%dma_wait3A_120 : memref<128xf32, #tpu.memory_space<hbm>>) dst(%arg16 : memref<128xf32, #tpu.memory_space<vmem>>)
    %dma_wait3A_121 = arith.constant 0 : i32
    %dma_wait3A_122 = tpu.memref_slice %arg2[%dma_wait3A_121] : memref<2097152xf32, #tpu.memory_space<hbm>> -> memref<128xf32, #tpu.memory_space<hbm>>
    %dma_wait3A_123 = arith.constant 0 : i32
    %dma_wait3A_124 = tpu.memref_slice %arg2[%dma_wait3A_123] : memref<2097152xf32, #tpu.memory_space<hbm>> -> memref<128xf32, #tpu.memory_space<hbm>>
    tpu.wait_dma2 semaphore(%arg19 : memref<!tpu.dma_semaphore, #tpu.memory_space<semaphore_mem>>) src(%dma_wait3A_124 : memref<128xf32, #tpu.memory_space<hbm>>) dst(%arg16 : memref<128xf32, #tpu.memory_space<vmem>>)
    %barrier3A_125 = arith.constant 0 : index
    tpu.barrier barrier_id(%barrier3A_125)
    %eq3A = arith.constant 0 : i32
    %eq3A_126 = arith.cmpi eq, %arg0, %eq3A : i32
    %convert_element_type3A_127 = arith.extui %eq3A_126 : i1 to i32
    %cond3A_128 = arith.constant 0 : i32
    %cond3A_129 = arith.cmpi ne, %convert_element_type3A_127, %cond3A_128 : i32
    scf.if %cond3A_129 {
      %mul3A_135 = arith.constant 16384 : i32
      %mul3A_136 = arith.muli %arg1, %mul3A_135 : i32
      %mul3A_137 = arith.constant 16384 : i32
      %mul3A_138 = arith.muli %arg1, %mul3A_137 : i32
      "tpu.region"() ({
        %run_scoped3A = tpu.sem_alloc : memref<!tpu.dma_semaphore, #tpu.memory_space<semaphore_mem>>
        %dma_start3A_144 = tpu.memref_slice %arg7[%mul3A_138] : memref<262144xf32, #tpu.memory_space<hbm>> -> memref<16384xf32, #tpu.memory_space<hbm>>
        %dma_start3A_145 = tpu.memref_slice %arg17[%mul3A_136] : memref<263168xf32, #tpu.memory_space<vmem_shared>> -> memref<16384xf32, #tpu.memory_space<vmem_shared>>
        tpu.enqueue_dma source(%dma_start3A_145 : memref<16384xf32, #tpu.memory_space<vmem_shared>>) target(%dma_start3A_144 : memref<16384xf32, #tpu.memory_space<hbm>>) target_semaphore(%run_scoped3A : memref<!tpu.dma_semaphore, #tpu.memory_space<semaphore_mem>>)
        %dma_wait3A_146 = tpu.memref_slice %arg7[%mul3A_138] : memref<262144xf32, #tpu.memory_space<hbm>> -> memref<16384xf32, #tpu.memory_space<hbm>>
        %dma_wait3A_147 = tpu.memref_slice %arg17[%mul3A_136] : memref<263168xf32, #tpu.memory_space<vmem_shared>> -> memref<16384xf32, #tpu.memory_space<vmem_shared>>
        tpu.wait_dma2 semaphore(%run_scoped3A : memref<!tpu.dma_semaphore, #tpu.memory_space<semaphore_mem>>) src(%dma_wait3A_147 : memref<16384xf32, #tpu.memory_space<vmem_shared>>) dst(%dma_wait3A_146 : memref<16384xf32, #tpu.memory_space<hbm>>)
        tpu.yield
      }) : () -> ()
      %lt3A_139 = arith.constant 8 : i32
      %lt3A_140 = arith.cmpi slt, %arg1, %lt3A_139 : i32
      %convert_element_type3A_141 = arith.extui %lt3A_140 : i1 to i32
      %cond3A_142 = arith.constant 0 : i32
      %cond3A_143 = arith.cmpi ne, %convert_element_type3A_141, %cond3A_142 : i32
      scf.if %cond3A_143 {
        %mul3A_144 = arith.constant 128 : i32
        %mul3A_145 = arith.muli %arg1, %mul3A_144 : i32
        %add3A_146 = arith.constant 262144 : i32
        %add3A_147 = arith.addi %add3A_146, %mul3A_145 : i32
        %mul3A_148 = arith.constant 128 : i32
        %mul3A_149 = arith.muli %arg1, %mul3A_148 : i32
        "tpu.region"() ({
          %run_scoped3A = tpu.sem_alloc : memref<!tpu.dma_semaphore, #tpu.memory_space<semaphore_mem>>
          %dma_start3A_150 = tpu.memref_slice %arg8[%mul3A_149] : memref<1024xf32, #tpu.memory_space<hbm>> -> memref<128xf32, #tpu.memory_space<hbm>>
          %dma_start3A_151 = tpu.memref_slice %arg17[%add3A_147] : memref<263168xf32, #tpu.memory_space<vmem_shared>> -> memref<128xf32, #tpu.memory_space<vmem_shared>>
          tpu.enqueue_dma source(%dma_start3A_151 : memref<128xf32, #tpu.memory_space<vmem_shared>>) target(%dma_start3A_150 : memref<128xf32, #tpu.memory_space<hbm>>) target_semaphore(%run_scoped3A : memref<!tpu.dma_semaphore, #tpu.memory_space<semaphore_mem>>)
          %dma_wait3A_152 = tpu.memref_slice %arg8[%mul3A_149] : memref<1024xf32, #tpu.memory_space<hbm>> -> memref<128xf32, #tpu.memory_space<hbm>>
          %dma_wait3A_153 = tpu.memref_slice %arg17[%add3A_147] : memref<263168xf32, #tpu.memory_space<vmem_shared>> -> memref<128xf32, #tpu.memory_space<vmem_shared>>
          tpu.wait_dma2 semaphore(%run_scoped3A : memref<!tpu.dma_semaphore, #tpu.memory_space<semaphore_mem>>) src(%dma_wait3A_153 : memref<128xf32, #tpu.memory_space<vmem_shared>>) dst(%dma_wait3A_152 : memref<128xf32, #tpu.memory_space<hbm>>)
          tpu.yield
        }) : () -> ()
      } else {
      }
    } else {
    }
    %eq3A_130 = arith.constant 1 : i32
    %eq3A_131 = arith.cmpi eq, %arg0, %eq3A_130 : i32
    %convert_element_type3A_132 = arith.extui %eq3A_131 : i1 to i32
    %cond3A_133 = arith.constant 0 : i32
    %cond3A_134 = arith.cmpi ne, %convert_element_type3A_132, %cond3A_133 : i32
    scf.if %cond3A_134 {
      %mul3A_135 = arith.constant 16384 : i32
      %mul3A_136 = arith.muli %arg1, %mul3A_135 : i32
      %mul3A_137 = arith.constant 16384 : i32
      %mul3A_138 = arith.muli %arg1, %mul3A_137 : i32
      "tpu.region"() ({
        %run_scoped3A = tpu.sem_alloc : memref<!tpu.dma_semaphore, #tpu.memory_space<semaphore_mem>>
        %dma_start3A_144 = tpu.memref_slice %arg9[%mul3A_138] : memref<262144xf32, #tpu.memory_space<hbm>> -> memref<16384xf32, #tpu.memory_space<hbm>>
        %dma_start3A_145 = tpu.memref_slice %arg17[%mul3A_136] : memref<263168xf32, #tpu.memory_space<vmem_shared>> -> memref<16384xf32, #tpu.memory_space<vmem_shared>>
        tpu.enqueue_dma source(%dma_start3A_145 : memref<16384xf32, #tpu.memory_space<vmem_shared>>) target(%dma_start3A_144 : memref<16384xf32, #tpu.memory_space<hbm>>) target_semaphore(%run_scoped3A : memref<!tpu.dma_semaphore, #tpu.memory_space<semaphore_mem>>)
        %dma_wait3A_146 = tpu.memref_slice %arg9[%mul3A_138] : memref<262144xf32, #tpu.memory_space<hbm>> -> memref<16384xf32, #tpu.memory_space<hbm>>
        %dma_wait3A_147 = tpu.memref_slice %arg17[%mul3A_136] : memref<263168xf32, #tpu.memory_space<vmem_shared>> -> memref<16384xf32, #tpu.memory_space<vmem_shared>>
        tpu.wait_dma2 semaphore(%run_scoped3A : memref<!tpu.dma_semaphore, #tpu.memory_space<semaphore_mem>>) src(%dma_wait3A_147 : memref<16384xf32, #tpu.memory_space<vmem_shared>>) dst(%dma_wait3A_146 : memref<16384xf32, #tpu.memory_space<hbm>>)
        tpu.yield
      }) : () -> ()
      %lt3A_139 = arith.constant 8 : i32
      %lt3A_140 = arith.cmpi slt, %arg1, %lt3A_139 : i32
      %convert_element_type3A_141 = arith.extui %lt3A_140 : i1 to i32
      %cond3A_142 = arith.constant 0 : i32
      %cond3A_143 = arith.cmpi ne, %convert_element_type3A_141, %cond3A_142 : i32
      scf.if %cond3A_143 {
        %mul3A_144 = arith.constant 128 : i32
        %mul3A_145 = arith.muli %arg1, %mul3A_144 : i32
        %add3A_146 = arith.constant 262144 : i32
        %add3A_147 = arith.addi %add3A_146, %mul3A_145 : i32
        %mul3A_148 = arith.constant 128 : i32
        %mul3A_149 = arith.muli %arg1, %mul3A_148 : i32
        "tpu.region"() ({
          %run_scoped3A = tpu.sem_alloc : memref<!tpu.dma_semaphore, #tpu.memory_space<semaphore_mem>>
          %dma_start3A_150 = tpu.memref_slice %arg10[%mul3A_149] : memref<1024xf32, #tpu.memory_space<hbm>> -> memref<128xf32, #tpu.memory_space<hbm>>
          %dma_start3A_151 = tpu.memref_slice %arg17[%add3A_147] : memref<263168xf32, #tpu.memory_space<vmem_shared>> -> memref<128xf32, #tpu.memory_space<vmem_shared>>
          tpu.enqueue_dma source(%dma_start3A_151 : memref<128xf32, #tpu.memory_space<vmem_shared>>) target(%dma_start3A_150 : memref<128xf32, #tpu.memory_space<hbm>>) target_semaphore(%run_scoped3A : memref<!tpu.dma_semaphore, #tpu.memory_space<semaphore_mem>>)
          %dma_wait3A_152 = tpu.memref_slice %arg10[%mul3A_149] : memref<1024xf32, #tpu.memory_space<hbm>> -> memref<128xf32, #tpu.memory_space<hbm>>
          %dma_wait3A_153 = tpu.memref_slice %arg17[%add3A_147] : memref<263168xf32, #tpu.memory_space<vmem_shared>> -> memref<128xf32, #tpu.memory_space<vmem_shared>>
          tpu.wait_dma2 semaphore(%run_scoped3A : memref<!tpu.dma_semaphore, #tpu.memory_space<semaphore_mem>>) src(%dma_wait3A_153 : memref<128xf32, #tpu.memory_space<vmem_shared>>) dst(%dma_wait3A_152 : memref<128xf32, #tpu.memory_space<hbm>>)
          tpu.yield
        }) : () -> ()
      } else {
      }
    } else {
    }
    return
  }
}

#map = affine_map<(d0, d1) -> (0)>
#map1 = affine_map<(d0, d1) -> (0, 0)>
module attributes {stable_mosaic.version = 14 : i64} {
  func.func @_segsum_sc_body(%arg0: i32, %arg1: i32, %arg2: memref<2097152xf32, #tpu.memory_space<hbm>>, %arg3: memref<2097152xi32, #tpu.memory_space<hbm>>, %arg4: memref<64x128xi32, #tpu.memory_space<hbm>>, %arg5: memref<262144xf32, #tpu.memory_space<hbm>>, %arg6: memref<128xf32, #tpu.memory_space<hbm>>, %arg7: memref<262144xf32, #tpu.memory_space<hbm>>, %arg8: memref<1024xf32, #tpu.memory_space<hbm>>, %arg9: memref<262144xf32, #tpu.memory_space<hbm>>, %arg10: memref<1024xf32, #tpu.memory_space<hbm>>, %arg11: memref<16384xf32, #tpu.memory_space<vmem>>, %arg12: memref<16384xf32, #tpu.memory_space<vmem>>, %arg13: memref<16384xi32, #tpu.memory_space<vmem>>, %arg14: memref<16384xi32, #tpu.memory_space<vmem>>, %arg15: memref<2x128xi32, #tpu.memory_space<vmem>>, %arg16: memref<128xf32, #tpu.memory_space<vmem>>, %arg17: memref<263168xf32, #tpu.memory_space<vmem_shared>>, %arg18: memref<!tpu.dma_semaphore, #tpu.memory_space<semaphore_mem>>, %arg19: memref<!tpu.dma_semaphore, #tpu.memory_space<semaphore_mem>>) attributes {dimension_semantics = [#tpu.dimension_semantics<core_parallel>, #tpu.dimension_semantics<subcore_parallel>], iteration_bounds = array<i64: 2, 16>, scalar_prefetch = 0 : i64, scratch_operands = 9 : i64, tpu.core_type = #tpu.core_type<sc_vector_subcore>, window_params = [{transform_indices = #map}, {transform_indices = #map}, {transform_indices = #map1}, {transform_indices = #map}, {transform_indices = #map}, {transform_indices = #map}, {transform_indices = #map}, {transform_indices = #map}, {transform_indices = #map}]} {
    %mul3A = arith.constant 2 : i32
    %mul3A_0 = arith.muli %arg1, %mul3A : i32
    %add3A = arith.addi %mul3A_0, %arg0 : i32
    %mul3A_1 = arith.constant 256 : i32
    %mul3A_2 = arith.muli %add3A, %mul3A_1 : i32
    %mul3A_3 = arith.constant 256 : i32
    %mul3A_4 = arith.muli %mul3A_2, %mul3A_3 : i32
    %mul3A_5 = arith.constant 16384 : i32
    %mul3A_6 = arith.muli %arg1, %mul3A_5 : i32
    %mul3A_7 = arith.constant 16384 : i32
    %mul3A_8 = arith.muli %arg1, %mul3A_7 : i32
    %dma_start3A = tpu.memref_slice %arg17[%mul3A_8] : memref<263168xf32, #tpu.memory_space<vmem_shared>> -> memref<16384xf32, #tpu.memory_space<vmem_shared>>
    %dma_start3A_9 = tpu.memref_slice %arg5[%mul3A_6] : memref<262144xf32, #tpu.memory_space<hbm>> -> memref<16384xf32, #tpu.memory_space<hbm>>
    tpu.enqueue_dma source(%dma_start3A_9 : memref<16384xf32, #tpu.memory_space<hbm>>) target(%dma_start3A : memref<16384xf32, #tpu.memory_space<vmem_shared>>) target_semaphore(%arg18 : memref<!tpu.dma_semaphore, #tpu.memory_space<semaphore_mem>>)
    %add3A_10 = arith.constant 0 : i32
    %add3A_11 = arith.addi %mul3A_4, %add3A_10 : i32
    %dma_start3A_12 = tpu.memref_slice %arg2[%add3A_11] : memref<2097152xf32, #tpu.memory_space<hbm>> -> memref<16384xf32, #tpu.memory_space<hbm>>
    %dma_start3A_13 = tpu.memref_slice %arg2[%add3A_11] : memref<2097152xf32, #tpu.memory_space<hbm>> -> memref<16384xf32, #tpu.memory_space<hbm>>
    tpu.enqueue_dma source(%dma_start3A_13 : memref<16384xf32, #tpu.memory_space<hbm>>) target(%arg11 : memref<16384xf32, #tpu.memory_space<vmem>>) target_semaphore(%arg18 : memref<!tpu.dma_semaphore, #tpu.memory_space<semaphore_mem>>)
    %add3A_14 = arith.constant 0 : i32
    %add3A_15 = arith.addi %mul3A_4, %add3A_14 : i32
    %dma_start3A_16 = tpu.memref_slice %arg3[%add3A_15] : memref<2097152xi32, #tpu.memory_space<hbm>> -> memref<16384xi32, #tpu.memory_space<hbm>>
    %dma_start3A_17 = tpu.memref_slice %arg3[%add3A_15] : memref<2097152xi32, #tpu.memory_space<hbm>> -> memref<16384xi32, #tpu.memory_space<hbm>>
    tpu.enqueue_dma source(%dma_start3A_17 : memref<16384xi32, #tpu.memory_space<hbm>>) target(%arg13 : memref<16384xi32, #tpu.memory_space<vmem>>) target_semaphore(%arg18 : memref<!tpu.dma_semaphore, #tpu.memory_space<semaphore_mem>>)
    %mul3A_18 = arith.constant 2 : i32
    %mul3A_19 = arith.muli %add3A, %mul3A_18 : i32
    "tpu.region"() ({
      %run_scoped3A = tpu.sem_alloc : memref<!tpu.dma_semaphore, #tpu.memory_space<semaphore_mem>>
      %dma_start3A_135 = arith.constant 0 : i32
      %dma_start3A_136 = tpu.memref_slice %arg4[%mul3A_19, %dma_start3A_135] : memref<64x128xi32, #tpu.memory_space<hbm>> -> memref<2x128xi32, #tpu.memory_space<hbm>>
      %dma_start3A_137 = arith.constant 0 : i32
      %dma_start3A_138 = tpu.memref_slice %arg4[%mul3A_19, %dma_start3A_137] : memref<64x128xi32, #tpu.memory_space<hbm>> -> memref<2x128xi32, #tpu.memory_space<hbm>>
      tpu.enqueue_dma source(%dma_start3A_138 : memref<2x128xi32, #tpu.memory_space<hbm>>) target(%arg15 : memref<2x128xi32, #tpu.memory_space<vmem>>) target_semaphore(%run_scoped3A : memref<!tpu.dma_semaphore, #tpu.memory_space<semaphore_mem>>)
      %dma_wait3A_139 = arith.constant 0 : i32
      %dma_wait3A_140 = tpu.memref_slice %arg4[%mul3A_19, %dma_wait3A_139] : memref<64x128xi32, #tpu.memory_space<hbm>> -> memref<2x128xi32, #tpu.memory_space<hbm>>
      %dma_wait3A_141 = arith.constant 0 : i32
      %dma_wait3A_142 = tpu.memref_slice %arg4[%mul3A_19, %dma_wait3A_141] : memref<64x128xi32, #tpu.memory_space<hbm>> -> memref<2x128xi32, #tpu.memory_space<hbm>>
      tpu.wait_dma2 semaphore(%run_scoped3A : memref<!tpu.dma_semaphore, #tpu.memory_space<semaphore_mem>>) src(%dma_wait3A_142 : memref<2x128xi32, #tpu.memory_space<hbm>>) dst(%arg15 : memref<2x128xi32, #tpu.memory_space<vmem>>)
      tpu.yield
    }) : () -> ()
    "tpu.region"() ({
      %run_scoped3A = tpu.sem_alloc : memref<!tpu.dma_semaphore, #tpu.memory_space<semaphore_mem>>
      tpu.enqueue_dma source(%arg6 : memref<128xf32, #tpu.memory_space<hbm>>) target(%arg16 : memref<128xf32, #tpu.memory_space<vmem>>) target_semaphore(%run_scoped3A : memref<!tpu.dma_semaphore, #tpu.memory_space<semaphore_mem>>)
      tpu.wait_dma2 semaphore(%run_scoped3A : memref<!tpu.dma_semaphore, #tpu.memory_space<semaphore_mem>>) src(%arg6 : memref<128xf32, #tpu.memory_space<hbm>>) dst(%arg16 : memref<128xf32, #tpu.memory_space<vmem>>)
      tpu.yield
    }) : () -> ()
    %lt3A = arith.constant 8 : i32
    %lt3A_20 = arith.cmpi slt, %arg1, %lt3A : i32
    %convert_element_type3A = arith.extui %lt3A_20 : i1 to i32
    %cond3A = arith.constant 0 : i32
    %cond3A_21 = arith.cmpi ne, %convert_element_type3A, %cond3A : i32
    scf.if %cond3A_21 {
      %mul3A_135 = arith.constant 128 : i32
      %mul3A_136 = arith.muli %arg1, %mul3A_135 : i32
      %mul3A_137 = arith.constant 128 : i32
      %mul3A_138 = arith.muli %arg1, %mul3A_137 : i32
      %add3A_139 = arith.constant 262144 : i32
      %add3A_140 = arith.addi %add3A_139, %mul3A_138 : i32
      "tpu.region"() ({
        %run_scoped3A = tpu.sem_alloc : memref<!tpu.dma_semaphore, #tpu.memory_space<semaphore_mem>>
        %dma_start3A_141 = tpu.memref_slice %arg17[%add3A_140] : memref<263168xf32, #tpu.memory_space<vmem_shared>> -> memref<128xf32, #tpu.memory_space<vmem_shared>>
        %dma_start3A_142 = tpu.memref_slice %arg5[%mul3A_136] : memref<262144xf32, #tpu.memory_space<hbm>> -> memref<128xf32, #tpu.memory_space<hbm>>
        tpu.enqueue_dma source(%dma_start3A_142 : memref<128xf32, #tpu.memory_space<hbm>>) target(%dma_start3A_141 : memref<128xf32, #tpu.memory_space<vmem_shared>>) target_semaphore(%run_scoped3A : memref<!tpu.dma_semaphore, #tpu.memory_space<semaphore_mem>>)
        %dma_wait3A_143 = tpu.memref_slice %arg17[%add3A_140] : memref<263168xf32, #tpu.memory_space<vmem_shared>> -> memref<128xf32, #tpu.memory_space<vmem_shared>>
        %dma_wait3A_144 = tpu.memref_slice %arg5[%mul3A_136] : memref<262144xf32, #tpu.memory_space<hbm>> -> memref<128xf32, #tpu.memory_space<hbm>>
        tpu.wait_dma2 semaphore(%run_scoped3A : memref<!tpu.dma_semaphore, #tpu.memory_space<semaphore_mem>>) src(%dma_wait3A_144 : memref<128xf32, #tpu.memory_space<hbm>>) dst(%dma_wait3A_143 : memref<128xf32, #tpu.memory_space<vmem_shared>>)
        tpu.yield
      }) : () -> ()
    } else {
    }
    %dma_wait3A = arith.constant 0 : i32
    %dma_wait3A_22 = tpu.memref_slice %arg17[%dma_wait3A] : memref<263168xf32, #tpu.memory_space<vmem_shared>> -> memref<16384xf32, #tpu.memory_space<vmem_shared>>
    %dma_wait3A_23 = arith.constant 0 : i32
    %dma_wait3A_24 = tpu.memref_slice %arg2[%dma_wait3A_23] : memref<2097152xf32, #tpu.memory_space<hbm>> -> memref<16384xf32, #tpu.memory_space<hbm>>
    tpu.wait_dma2 semaphore(%arg18 : memref<!tpu.dma_semaphore, #tpu.memory_space<semaphore_mem>>) src(%dma_wait3A_24 : memref<16384xf32, #tpu.memory_space<hbm>>) dst(%dma_wait3A_22 : memref<16384xf32, #tpu.memory_space<vmem_shared>>)
    %dma_wait3A_25 = arith.constant 0 : i32
    %dma_wait3A_26 = tpu.memref_slice %arg2[%dma_wait3A_25] : memref<2097152xf32, #tpu.memory_space<hbm>> -> memref<16384xf32, #tpu.memory_space<hbm>>
    %dma_wait3A_27 = arith.constant 0 : i32
    %dma_wait3A_28 = tpu.memref_slice %arg2[%dma_wait3A_27] : memref<2097152xf32, #tpu.memory_space<hbm>> -> memref<16384xf32, #tpu.memory_space<hbm>>
    tpu.wait_dma2 semaphore(%arg18 : memref<!tpu.dma_semaphore, #tpu.memory_space<semaphore_mem>>) src(%dma_wait3A_28 : memref<16384xf32, #tpu.memory_space<hbm>>) dst(%arg11 : memref<16384xf32, #tpu.memory_space<vmem>>)
    %dma_wait3A_29 = arith.constant 0 : i32
    %dma_wait3A_30 = tpu.memref_slice %arg3[%dma_wait3A_29] : memref<2097152xi32, #tpu.memory_space<hbm>> -> memref<16384xi32, #tpu.memory_space<hbm>>
    %dma_wait3A_31 = arith.constant 0 : i32
    %dma_wait3A_32 = tpu.memref_slice %arg3[%dma_wait3A_31] : memref<2097152xi32, #tpu.memory_space<hbm>> -> memref<16384xi32, #tpu.memory_space<hbm>>
    tpu.wait_dma2 semaphore(%arg18 : memref<!tpu.dma_semaphore, #tpu.memory_space<semaphore_mem>>) src(%dma_wait3A_32 : memref<16384xi32, #tpu.memory_space<hbm>>) dst(%arg13 : memref<16384xi32, #tpu.memory_space<vmem>>)
    %barrier3A = arith.constant 0 : index
    tpu.barrier barrier_id(%barrier3A)
    %add3A_33 = arith.constant 16384 : i32
    %add3A_34 = arith.addi %mul3A_4, %add3A_33 : i32
    %dma_start3A_35 = tpu.memref_slice %arg2[%add3A_34] : memref<2097152xf32, #tpu.memory_space<hbm>> -> memref<16384xf32, #tpu.memory_space<hbm>>
    %dma_start3A_36 = tpu.memref_slice %arg2[%add3A_34] : memref<2097152xf32, #tpu.memory_space<hbm>> -> memref<16384xf32, #tpu.memory_space<hbm>>
    tpu.enqueue_dma source(%dma_start3A_36 : memref<16384xf32, #tpu.memory_space<hbm>>) target(%arg12 : memref<16384xf32, #tpu.memory_space<vmem>>) target_semaphore(%arg18 : memref<!tpu.dma_semaphore, #tpu.memory_space<semaphore_mem>>)
    %add3A_37 = arith.constant 16384 : i32
    %add3A_38 = arith.addi %mul3A_4, %add3A_37 : i32
    %dma_start3A_39 = tpu.memref_slice %arg3[%add3A_38] : memref<2097152xi32, #tpu.memory_space<hbm>> -> memref<16384xi32, #tpu.memory_space<hbm>>
    %dma_start3A_40 = tpu.memref_slice %arg3[%add3A_38] : memref<2097152xi32, #tpu.memory_space<hbm>> -> memref<16384xi32, #tpu.memory_space<hbm>>
    tpu.enqueue_dma source(%dma_start3A_40 : memref<16384xi32, #tpu.memory_space<hbm>>) target(%arg14 : memref<16384xi32, #tpu.memory_space<vmem>>) target_semaphore(%arg18 : memref<!tpu.dma_semaphore, #tpu.memory_space<semaphore_mem>>)
    %dma_start3A_41 = arith.constant 0 : i32
    %dma_start3A_42 = tpu.memref_slice %arg17[%dma_start3A_41] : memref<263168xf32, #tpu.memory_space<vmem_shared>> -> memref<263168xf32, #tpu.memory_space<vmem_shared>>
    tpu.enqueue_indirect_dma source(%arg11 : memref<16384xf32, #tpu.memory_space<vmem>>) target(%dma_start3A_42 : memref<263168xf32, #tpu.memory_space<vmem_shared>>) offsets(%arg13 : memref<16384xi32, #tpu.memory_space<vmem>>) semaphore(%arg19 : memref<!tpu.dma_semaphore, #tpu.memory_space<semaphore_mem>>) {add = true}
    %dma_wait3A_43 = arith.constant 0 : i32
    %dma_wait3A_44 = tpu.memref_slice %arg2[%dma_wait3A_43] : memref<2097152xf32, #tpu.memory_space<hbm>> -> memref<16384xf32, #tpu.memory_space<hbm>>
    %dma_wait3A_45 = arith.constant 0 : i32
    %dma_wait3A_46 = tpu.memref_slice %arg2[%dma_wait3A_45] : memref<2097152xf32, #tpu.memory_space<hbm>> -> memref<16384xf32, #tpu.memory_space<hbm>>
    tpu.wait_dma2 semaphore(%arg19 : memref<!tpu.dma_semaphore, #tpu.memory_space<semaphore_mem>>) src(%dma_wait3A_46 : memref<16384xf32, #tpu.memory_space<hbm>>) dst(%arg11 : memref<16384xf32, #tpu.memory_space<vmem>>)
    %dma_wait3A_47 = arith.constant 0 : i32
    %dma_wait3A_48 = tpu.memref_slice %arg2[%dma_wait3A_47] : memref<2097152xf32, #tpu.memory_space<hbm>> -> memref<16384xf32, #tpu.memory_space<hbm>>
    %dma_wait3A_49 = arith.constant 0 : i32
    %dma_wait3A_50 = tpu.memref_slice %arg2[%dma_wait3A_49] : memref<2097152xf32, #tpu.memory_space<hbm>> -> memref<16384xf32, #tpu.memory_space<hbm>>
    tpu.wait_dma2 semaphore(%arg18 : memref<!tpu.dma_semaphore, #tpu.memory_space<semaphore_mem>>) src(%dma_wait3A_50 : memref<16384xf32, #tpu.memory_space<hbm>>) dst(%arg12 : memref<16384xf32, #tpu.memory_space<vmem>>)
    %dma_wait3A_51 = arith.constant 0 : i32
    %dma_wait3A_52 = tpu.memref_slice %arg3[%dma_wait3A_51] : memref<2097152xi32, #tpu.memory_space<hbm>> -> memref<16384xi32, #tpu.memory_space<hbm>>
    %dma_wait3A_53 = arith.constant 0 : i32
    %dma_wait3A_54 = tpu.memref_slice %arg3[%dma_wait3A_53] : memref<2097152xi32, #tpu.memory_space<hbm>> -> memref<16384xi32, #tpu.memory_space<hbm>>
    tpu.wait_dma2 semaphore(%arg18 : memref<!tpu.dma_semaphore, #tpu.memory_space<semaphore_mem>>) src(%dma_wait3A_54 : memref<16384xi32, #tpu.memory_space<hbm>>) dst(%arg14 : memref<16384xi32, #tpu.memory_space<vmem>>)
    %add3A_55 = arith.constant 32768 : i32
    %add3A_56 = arith.addi %mul3A_4, %add3A_55 : i32
    %dma_start3A_57 = tpu.memref_slice %arg2[%add3A_56] : memref<2097152xf32, #tpu.memory_space<hbm>> -> memref<16384xf32, #tpu.memory_space<hbm>>
    %dma_start3A_58 = tpu.memref_slice %arg2[%add3A_56] : memref<2097152xf32, #tpu.memory_space<hbm>> -> memref<16384xf32, #tpu.memory_space<hbm>>
    tpu.enqueue_dma source(%dma_start3A_58 : memref<16384xf32, #tpu.memory_space<hbm>>) target(%arg11 : memref<16384xf32, #tpu.memory_space<vmem>>) target_semaphore(%arg18 : memref<!tpu.dma_semaphore, #tpu.memory_space<semaphore_mem>>)
    %add3A_59 = arith.constant 32768 : i32
    %add3A_60 = arith.addi %mul3A_4, %add3A_59 : i32
    %dma_start3A_61 = tpu.memref_slice %arg3[%add3A_60] : memref<2097152xi32, #tpu.memory_space<hbm>> -> memref<16384xi32, #tpu.memory_space<hbm>>
    %dma_start3A_62 = tpu.memref_slice %arg3[%add3A_60] : memref<2097152xi32, #tpu.memory_space<hbm>> -> memref<16384xi32, #tpu.memory_space<hbm>>
    tpu.enqueue_dma source(%dma_start3A_62 : memref<16384xi32, #tpu.memory_space<hbm>>) target(%arg13 : memref<16384xi32, #tpu.memory_space<vmem>>) target_semaphore(%arg18 : memref<!tpu.dma_semaphore, #tpu.memory_space<semaphore_mem>>)
    %dma_start3A_63 = arith.constant 0 : i32
    %dma_start3A_64 = tpu.memref_slice %arg17[%dma_start3A_63] : memref<263168xf32, #tpu.memory_space<vmem_shared>> -> memref<263168xf32, #tpu.memory_space<vmem_shared>>
    tpu.enqueue_indirect_dma source(%arg12 : memref<16384xf32, #tpu.memory_space<vmem>>) target(%dma_start3A_64 : memref<263168xf32, #tpu.memory_space<vmem_shared>>) offsets(%arg14 : memref<16384xi32, #tpu.memory_space<vmem>>) semaphore(%arg19 : memref<!tpu.dma_semaphore, #tpu.memory_space<semaphore_mem>>) {add = true}
    %dma_wait3A_65 = arith.constant 0 : i32
    %dma_wait3A_66 = tpu.memref_slice %arg2[%dma_wait3A_65] : memref<2097152xf32, #tpu.memory_space<hbm>> -> memref<16384xf32, #tpu.memory_space<hbm>>
    %dma_wait3A_67 = arith.constant 0 : i32
    %dma_wait3A_68 = tpu.memref_slice %arg2[%dma_wait3A_67] : memref<2097152xf32, #tpu.memory_space<hbm>> -> memref<16384xf32, #tpu.memory_space<hbm>>
    tpu.wait_dma2 semaphore(%arg19 : memref<!tpu.dma_semaphore, #tpu.memory_space<semaphore_mem>>) src(%dma_wait3A_68 : memref<16384xf32, #tpu.memory_space<hbm>>) dst(%arg12 : memref<16384xf32, #tpu.memory_space<vmem>>)
    %dma_wait3A_69 = arith.constant 0 : i32
    %dma_wait3A_70 = tpu.memref_slice %arg2[%dma_wait3A_69] : memref<2097152xf32, #tpu.memory_space<hbm>> -> memref<16384xf32, #tpu.memory_space<hbm>>
    %dma_wait3A_71 = arith.constant 0 : i32
    %dma_wait3A_72 = tpu.memref_slice %arg2[%dma_wait3A_71] : memref<2097152xf32, #tpu.memory_space<hbm>> -> memref<16384xf32, #tpu.memory_space<hbm>>
    tpu.wait_dma2 semaphore(%arg18 : memref<!tpu.dma_semaphore, #tpu.memory_space<semaphore_mem>>) src(%dma_wait3A_72 : memref<16384xf32, #tpu.memory_space<hbm>>) dst(%arg11 : memref<16384xf32, #tpu.memory_space<vmem>>)
    %dma_wait3A_73 = arith.constant 0 : i32
    %dma_wait3A_74 = tpu.memref_slice %arg3[%dma_wait3A_73] : memref<2097152xi32, #tpu.memory_space<hbm>> -> memref<16384xi32, #tpu.memory_space<hbm>>
    %dma_wait3A_75 = arith.constant 0 : i32
    %dma_wait3A_76 = tpu.memref_slice %arg3[%dma_wait3A_75] : memref<2097152xi32, #tpu.memory_space<hbm>> -> memref<16384xi32, #tpu.memory_space<hbm>>
    tpu.wait_dma2 semaphore(%arg18 : memref<!tpu.dma_semaphore, #tpu.memory_space<semaphore_mem>>) src(%dma_wait3A_76 : memref<16384xi32, #tpu.memory_space<hbm>>) dst(%arg13 : memref<16384xi32, #tpu.memory_space<vmem>>)
    %add3A_77 = arith.constant 49152 : i32
    %add3A_78 = arith.addi %mul3A_4, %add3A_77 : i32
    %dma_start3A_79 = tpu.memref_slice %arg2[%add3A_78] : memref<2097152xf32, #tpu.memory_space<hbm>> -> memref<16384xf32, #tpu.memory_space<hbm>>
    %dma_start3A_80 = tpu.memref_slice %arg2[%add3A_78] : memref<2097152xf32, #tpu.memory_space<hbm>> -> memref<16384xf32, #tpu.memory_space<hbm>>
    tpu.enqueue_dma source(%dma_start3A_80 : memref<16384xf32, #tpu.memory_space<hbm>>) target(%arg12 : memref<16384xf32, #tpu.memory_space<vmem>>) target_semaphore(%arg18 : memref<!tpu.dma_semaphore, #tpu.memory_space<semaphore_mem>>)
    %add3A_81 = arith.constant 49152 : i32
    %add3A_82 = arith.addi %mul3A_4, %add3A_81 : i32
    %dma_start3A_83 = tpu.memref_slice %arg3[%add3A_82] : memref<2097152xi32, #tpu.memory_space<hbm>> -> memref<16384xi32, #tpu.memory_space<hbm>>
    %dma_start3A_84 = tpu.memref_slice %arg3[%add3A_82] : memref<2097152xi32, #tpu.memory_space<hbm>> -> memref<16384xi32, #tpu.memory_space<hbm>>
    tpu.enqueue_dma source(%dma_start3A_84 : memref<16384xi32, #tpu.memory_space<hbm>>) target(%arg14 : memref<16384xi32, #tpu.memory_space<vmem>>) target_semaphore(%arg18 : memref<!tpu.dma_semaphore, #tpu.memory_space<semaphore_mem>>)
    %dma_start3A_85 = arith.constant 0 : i32
    %dma_start3A_86 = tpu.memref_slice %arg17[%dma_start3A_85] : memref<263168xf32, #tpu.memory_space<vmem_shared>> -> memref<263168xf32, #tpu.memory_space<vmem_shared>>
    tpu.enqueue_indirect_dma source(%arg11 : memref<16384xf32, #tpu.memory_space<vmem>>) target(%dma_start3A_86 : memref<263168xf32, #tpu.memory_space<vmem_shared>>) offsets(%arg13 : memref<16384xi32, #tpu.memory_space<vmem>>) semaphore(%arg19 : memref<!tpu.dma_semaphore, #tpu.memory_space<semaphore_mem>>) {add = true}
    %dma_wait3A_87 = arith.constant 0 : i32
    %dma_wait3A_88 = tpu.memref_slice %arg2[%dma_wait3A_87] : memref<2097152xf32, #tpu.memory_space<hbm>> -> memref<16384xf32, #tpu.memory_space<hbm>>
    %dma_wait3A_89 = arith.constant 0 : i32
    %dma_wait3A_90 = tpu.memref_slice %arg2[%dma_wait3A_89] : memref<2097152xf32, #tpu.memory_space<hbm>> -> memref<16384xf32, #tpu.memory_space<hbm>>
    tpu.wait_dma2 semaphore(%arg19 : memref<!tpu.dma_semaphore, #tpu.memory_space<semaphore_mem>>) src(%dma_wait3A_90 : memref<16384xf32, #tpu.memory_space<hbm>>) dst(%arg11 : memref<16384xf32, #tpu.memory_space<vmem>>)
    %dma_wait3A_91 = arith.constant 0 : i32
    %dma_wait3A_92 = tpu.memref_slice %arg2[%dma_wait3A_91] : memref<2097152xf32, #tpu.memory_space<hbm>> -> memref<16384xf32, #tpu.memory_space<hbm>>
    %dma_wait3A_93 = arith.constant 0 : i32
    %dma_wait3A_94 = tpu.memref_slice %arg2[%dma_wait3A_93] : memref<2097152xf32, #tpu.memory_space<hbm>> -> memref<16384xf32, #tpu.memory_space<hbm>>
    tpu.wait_dma2 semaphore(%arg18 : memref<!tpu.dma_semaphore, #tpu.memory_space<semaphore_mem>>) src(%dma_wait3A_94 : memref<16384xf32, #tpu.memory_space<hbm>>) dst(%arg12 : memref<16384xf32, #tpu.memory_space<vmem>>)
    %dma_wait3A_95 = arith.constant 0 : i32
    %dma_wait3A_96 = tpu.memref_slice %arg3[%dma_wait3A_95] : memref<2097152xi32, #tpu.memory_space<hbm>> -> memref<16384xi32, #tpu.memory_space<hbm>>
    %dma_wait3A_97 = arith.constant 0 : i32
    %dma_wait3A_98 = tpu.memref_slice %arg3[%dma_wait3A_97] : memref<2097152xi32, #tpu.memory_space<hbm>> -> memref<16384xi32, #tpu.memory_space<hbm>>
    tpu.wait_dma2 semaphore(%arg18 : memref<!tpu.dma_semaphore, #tpu.memory_space<semaphore_mem>>) src(%dma_wait3A_98 : memref<16384xi32, #tpu.memory_space<hbm>>) dst(%arg14 : memref<16384xi32, #tpu.memory_space<vmem>>)
    %dma_start3A_99 = arith.constant 0 : i32
    %dma_start3A_100 = tpu.memref_slice %arg17[%dma_start3A_99] : memref<263168xf32, #tpu.memory_space<vmem_shared>> -> memref<263168xf32, #tpu.memory_space<vmem_shared>>
    tpu.enqueue_indirect_dma source(%arg12 : memref<16384xf32, #tpu.memory_space<vmem>>) target(%dma_start3A_100 : memref<263168xf32, #tpu.memory_space<vmem_shared>>) offsets(%arg14 : memref<16384xi32, #tpu.memory_space<vmem>>) semaphore(%arg19 : memref<!tpu.dma_semaphore, #tpu.memory_space<semaphore_mem>>) {add = true}
    %dma_wait3A_101 = arith.constant 0 : i32
    %dma_wait3A_102 = tpu.memref_slice %arg2[%dma_wait3A_101] : memref<2097152xf32, #tpu.memory_space<hbm>> -> memref<16384xf32, #tpu.memory_space<hbm>>
    %dma_wait3A_103 = arith.constant 0 : i32
    %dma_wait3A_104 = tpu.memref_slice %arg2[%dma_wait3A_103] : memref<2097152xf32, #tpu.memory_space<hbm>> -> memref<16384xf32, #tpu.memory_space<hbm>>
    tpu.wait_dma2 semaphore(%arg19 : memref<!tpu.dma_semaphore, #tpu.memory_space<semaphore_mem>>) src(%dma_wait3A_104 : memref<16384xf32, #tpu.memory_space<hbm>>) dst(%arg12 : memref<16384xf32, #tpu.memory_space<vmem>>)
    %dma_start3A_105 = arith.constant 0 : i32
    %dma_start3A_106 = arith.constant 0 : i32
    %dma_start3A_107 = tpu.memref_slice %arg15[%dma_start3A_105, %dma_start3A_106] : memref<2x128xi32, #tpu.memory_space<vmem>> -> memref<1x128xi32, #tpu.memory_space<vmem>>
    %dma_start3A_108 = tpu.memref_squeeze %dma_start3A_107 : memref<1x128xi32, #tpu.memory_space<vmem>> -> memref<128xi32, #tpu.memory_space<vmem>>
    %dma_start3A_109 = arith.constant 0 : i32
    %dma_start3A_110 = tpu.memref_slice %arg17[%dma_start3A_109] : memref<263168xf32, #tpu.memory_space<vmem_shared>> -> memref<263168xf32, #tpu.memory_space<vmem_shared>>
    tpu.enqueue_indirect_dma source(%arg16 : memref<128xf32, #tpu.memory_space<vmem>>) target(%dma_start3A_110 : memref<263168xf32, #tpu.memory_space<vmem_shared>>) offsets(%dma_start3A_108 : memref<128xi32, #tpu.memory_space<vmem>>) semaphore(%arg19 : memref<!tpu.dma_semaphore, #tpu.memory_space<semaphore_mem>>) {add = true}
    %dma_start3A_111 = arith.constant 1 : i32
    %dma_start3A_112 = arith.constant 0 : i32
    %dma_start3A_113 = tpu.memref_slice %arg15[%dma_start3A_111, %dma_start3A_112] : memref<2x128xi32, #tpu.memory_space<vmem>> -> memref<1x128xi32, #tpu.memory_space<vmem>>
    %dma_start3A_114 = tpu.memref_squeeze %dma_start3A_113 : memref<1x128xi32, #tpu.memory_space<vmem>> -> memref<128xi32, #tpu.memory_space<vmem>>
    %dma_start3A_115 = arith.constant 0 : i32
    %dma_start3A_116 = tpu.memref_slice %arg17[%dma_start3A_115] : memref<263168xf32, #tpu.memory_space<vmem_shared>> -> memref<263168xf32, #tpu.memory_space<vmem_shared>>
    tpu.enqueue_indirect_dma source(%arg16 : memref<128xf32, #tpu.memory_space<vmem>>) target(%dma_start3A_116 : memref<263168xf32, #tpu.memory_space<vmem_shared>>) offsets(%dma_start3A_114 : memref<128xi32, #tpu.memory_space<vmem>>) semaphore(%arg19 : memref<!tpu.dma_semaphore, #tpu.memory_space<semaphore_mem>>) {add = true}
    %dma_wait3A_117 = arith.constant 0 : i32
    %dma_wait3A_118 = tpu.memref_slice %arg2[%dma_wait3A_117] : memref<2097152xf32, #tpu.memory_space<hbm>> -> memref<128xf32, #tpu.memory_space<hbm>>
    %dma_wait3A_119 = arith.constant 0 : i32
    %dma_wait3A_120 = tpu.memref_slice %arg2[%dma_wait3A_119] : memref<2097152xf32, #tpu.memory_space<hbm>> -> memref<128xf32, #tpu.memory_space<hbm>>
    tpu.wait_dma2 semaphore(%arg19 : memref<!tpu.dma_semaphore, #tpu.memory_space<semaphore_mem>>) src(%dma_wait3A_120 : memref<128xf32, #tpu.memory_space<hbm>>) dst(%arg16 : memref<128xf32, #tpu.memory_space<vmem>>)
    %dma_wait3A_121 = arith.constant 0 : i32
    %dma_wait3A_122 = tpu.memref_slice %arg2[%dma_wait3A_121] : memref<2097152xf32, #tpu.memory_space<hbm>> -> memref<128xf32, #tpu.memory_space<hbm>>
    %dma_wait3A_123 = arith.constant 0 : i32
    %dma_wait3A_124 = tpu.memref_slice %arg2[%dma_wait3A_123] : memref<2097152xf32, #tpu.memory_space<hbm>> -> memref<128xf32, #tpu.memory_space<hbm>>
    tpu.wait_dma2 semaphore(%arg19 : memref<!tpu.dma_semaphore, #tpu.memory_space<semaphore_mem>>) src(%dma_wait3A_124 : memref<128xf32, #tpu.memory_space<hbm>>) dst(%arg16 : memref<128xf32, #tpu.memory_space<vmem>>)
    %barrier3A_125 = arith.constant 0 : index
    tpu.barrier barrier_id(%barrier3A_125)
    %eq3A = arith.constant 0 : i32
    %eq3A_126 = arith.cmpi eq, %arg0, %eq3A : i32
    %convert_element_type3A_127 = arith.extui %eq3A_126 : i1 to i32
    %cond3A_128 = arith.constant 0 : i32
    %cond3A_129 = arith.cmpi ne, %convert_element_type3A_127, %cond3A_128 : i32
    scf.if %cond3A_129 {
      %mul3A_135 = arith.constant 16384 : i32
      %mul3A_136 = arith.muli %arg1, %mul3A_135 : i32
      %mul3A_137 = arith.constant 16384 : i32
      %mul3A_138 = arith.muli %arg1, %mul3A_137 : i32
      "tpu.region"() ({
        %run_scoped3A = tpu.sem_alloc : memref<!tpu.dma_semaphore, #tpu.memory_space<semaphore_mem>>
        %dma_start3A_144 = tpu.memref_slice %arg7[%mul3A_138] : memref<262144xf32, #tpu.memory_space<hbm>> -> memref<16384xf32, #tpu.memory_space<hbm>>
        %dma_start3A_145 = tpu.memref_slice %arg17[%mul3A_136] : memref<263168xf32, #tpu.memory_space<vmem_shared>> -> memref<16384xf32, #tpu.memory_space<vmem_shared>>
        tpu.enqueue_dma source(%dma_start3A_145 : memref<16384xf32, #tpu.memory_space<vmem_shared>>) target(%dma_start3A_144 : memref<16384xf32, #tpu.memory_space<hbm>>) target_semaphore(%run_scoped3A : memref<!tpu.dma_semaphore, #tpu.memory_space<semaphore_mem>>)
        %dma_wait3A_146 = tpu.memref_slice %arg7[%mul3A_138] : memref<262144xf32, #tpu.memory_space<hbm>> -> memref<16384xf32, #tpu.memory_space<hbm>>
        %dma_wait3A_147 = tpu.memref_slice %arg17[%mul3A_136] : memref<263168xf32, #tpu.memory_space<vmem_shared>> -> memref<16384xf32, #tpu.memory_space<vmem_shared>>
        tpu.wait_dma2 semaphore(%run_scoped3A : memref<!tpu.dma_semaphore, #tpu.memory_space<semaphore_mem>>) src(%dma_wait3A_147 : memref<16384xf32, #tpu.memory_space<vmem_shared>>) dst(%dma_wait3A_146 : memref<16384xf32, #tpu.memory_space<hbm>>)
        tpu.yield
      }) : () -> ()
      %lt3A_139 = arith.constant 8 : i32
      %lt3A_140 = arith.cmpi slt, %arg1, %lt3A_139 : i32
      %convert_element_type3A_141 = arith.extui %lt3A_140 : i1 to i32
      %cond3A_142 = arith.constant 0 : i32
      %cond3A_143 = arith.cmpi ne, %convert_element_type3A_141, %cond3A_142 : i32
      scf.if %cond3A_143 {
        %mul3A_144 = arith.constant 128 : i32
        %mul3A_145 = arith.muli %arg1, %mul3A_144 : i32
        %add3A_146 = arith.constant 262144 : i32
        %add3A_147 = arith.addi %add3A_146, %mul3A_145 : i32
        %mul3A_148 = arith.constant 128 : i32
        %mul3A_149 = arith.muli %arg1, %mul3A_148 : i32
        "tpu.region"() ({
          %run_scoped3A = tpu.sem_alloc : memref<!tpu.dma_semaphore, #tpu.memory_space<semaphore_mem>>
          %dma_start3A_150 = tpu.memref_slice %arg8[%mul3A_149] : memref<1024xf32, #tpu.memory_space<hbm>> -> memref<128xf32, #tpu.memory_space<hbm>>
          %dma_start3A_151 = tpu.memref_slice %arg17[%add3A_147] : memref<263168xf32, #tpu.memory_space<vmem_shared>> -> memref<128xf32, #tpu.memory_space<vmem_shared>>
          tpu.enqueue_dma source(%dma_start3A_151 : memref<128xf32, #tpu.memory_space<vmem_shared>>) target(%dma_start3A_150 : memref<128xf32, #tpu.memory_space<hbm>>) target_semaphore(%run_scoped3A : memref<!tpu.dma_semaphore, #tpu.memory_space<semaphore_mem>>)
          %dma_wait3A_152 = tpu.memref_slice %arg8[%mul3A_149] : memref<1024xf32, #tpu.memory_space<hbm>> -> memref<128xf32, #tpu.memory_space<hbm>>
          %dma_wait3A_153 = tpu.memref_slice %arg17[%add3A_147] : memref<263168xf32, #tpu.memory_space<vmem_shared>> -> memref<128xf32, #tpu.memory_space<vmem_shared>>
          tpu.wait_dma2 semaphore(%run_scoped3A : memref<!tpu.dma_semaphore, #tpu.memory_space<semaphore_mem>>) src(%dma_wait3A_153 : memref<128xf32, #tpu.memory_space<vmem_shared>>) dst(%dma_wait3A_152 : memref<128xf32, #tpu.memory_space<hbm>>)
          tpu.yield
        }) : () -> ()
      } else {
      }
    } else {
    }
    %eq3A_130 = arith.constant 1 : i32
    %eq3A_131 = arith.cmpi eq, %arg0, %eq3A_130 : i32
    %convert_element_type3A_132 = arith.extui %eq3A_131 : i1 to i32
    %cond3A_133 = arith.constant 0 : i32
    %cond3A_134 = arith.cmpi ne, %convert_element_type3A_132, %cond3A_133 : i32
    scf.if %cond3A_134 {
      %mul3A_135 = arith.constant 16384 : i32
      %mul3A_136 = arith.muli %arg1, %mul3A_135 : i32
      %mul3A_137 = arith.constant 16384 : i32
      %mul3A_138 = arith.muli %arg1, %mul3A_137 : i32
      "tpu.region"() ({
        %run_scoped3A = tpu.sem_alloc : memref<!tpu.dma_semaphore, #tpu.memory_space<semaphore_mem>>
        %dma_start3A_144 = tpu.memref_slice %arg9[%mul3A_138] : memref<262144xf32, #tpu.memory_space<hbm>> -> memref<16384xf32, #tpu.memory_space<hbm>>
        %dma_start3A_145 = tpu.memref_slice %arg17[%mul3A_136] : memref<263168xf32, #tpu.memory_space<vmem_shared>> -> memref<16384xf32, #tpu.memory_space<vmem_shared>>
        tpu.enqueue_dma source(%dma_start3A_145 : memref<16384xf32, #tpu.memory_space<vmem_shared>>) target(%dma_start3A_144 : memref<16384xf32, #tpu.memory_space<hbm>>) target_semaphore(%run_scoped3A : memref<!tpu.dma_semaphore, #tpu.memory_space<semaphore_mem>>)
        %dma_wait3A_146 = tpu.memref_slice %arg9[%mul3A_138] : memref<262144xf32, #tpu.memory_space<hbm>> -> memref<16384xf32, #tpu.memory_space<hbm>>
        %dma_wait3A_147 = tpu.memref_slice %arg17[%mul3A_136] : memref<263168xf32, #tpu.memory_space<vmem_shared>> -> memref<16384xf32, #tpu.memory_space<vmem_shared>>
        tpu.wait_dma2 semaphore(%run_scoped3A : memref<!tpu.dma_semaphore, #tpu.memory_space<semaphore_mem>>) src(%dma_wait3A_147 : memref<16384xf32, #tpu.memory_space<vmem_shared>>) dst(%dma_wait3A_146 : memref<16384xf32, #tpu.memory_space<hbm>>)
        tpu.yield
      }) : () -> ()
      %lt3A_139 = arith.constant 8 : i32
      %lt3A_140 = arith.cmpi slt, %arg1, %lt3A_139 : i32
      %convert_element_type3A_141 = arith.extui %lt3A_140 : i1 to i32
      %cond3A_142 = arith.constant 0 : i32
      %cond3A_143 = arith.cmpi ne, %convert_element_type3A_141, %cond3A_142 : i32
      scf.if %cond3A_143 {
        %mul3A_144 = arith.constant 128 : i32
        %mul3A_145 = arith.muli %arg1, %mul3A_144 : i32
        %add3A_146 = arith.constant 262144 : i32
        %add3A_147 = arith.addi %add3A_146, %mul3A_145 : i32
        %mul3A_148 = arith.constant 128 : i32
        %mul3A_149 = arith.muli %arg1, %mul3A_148 : i32
        "tpu.region"() ({
          %run_scoped3A = tpu.sem_alloc : memref<!tpu.dma_semaphore, #tpu.memory_space<semaphore_mem>>
          %dma_start3A_150 = tpu.memref_slice %arg10[%mul3A_149] : memref<1024xf32, #tpu.memory_space<hbm>> -> memref<128xf32, #tpu.memory_space<hbm>>
          %dma_start3A_151 = tpu.memref_slice %arg17[%add3A_147] : memref<263168xf32, #tpu.memory_space<vmem_shared>> -> memref<128xf32, #tpu.memory_space<vmem_shared>>
          tpu.enqueue_dma source(%dma_start3A_151 : memref<128xf32, #tpu.memory_space<vmem_shared>>) target(%dma_start3A_150 : memref<128xf32, #tpu.memory_space<hbm>>) target_semaphore(%run_scoped3A : memref<!tpu.dma_semaphore, #tpu.memory_space<semaphore_mem>>)
          %dma_wait3A_152 = tpu.memref_slice %arg10[%mul3A_149] : memref<1024xf32, #tpu.memory_space<hbm>> -> memref<128xf32, #tpu.memory_space<hbm>>
          %dma_wait3A_153 = tpu.memref_slice %arg17[%add3A_147] : memref<263168xf32, #tpu.memory_space<vmem_shared>> -> memref<128xf32, #tpu.memory_space<vmem_shared>>
          tpu.wait_dma2 semaphore(%run_scoped3A : memref<!tpu.dma_semaphore, #tpu.memory_space<semaphore_mem>>) src(%dma_wait3A_153 : memref<128xf32, #tpu.memory_space<vmem_shared>>) dst(%dma_wait3A_152 : memref<128xf32, #tpu.memory_space<hbm>>)
          tpu.yield
        }) : () -> ()
      } else {
      }
    } else {
    }
    return
  }
}

module attributes {stable_mosaic.version = 14 : i64} {
  func.func @_rowsq_body(%arg0: i32, %arg1: memref<1024x256xf32, #tpu.memory_space<vmem>>, %arg2: memref<1024x1xf32, #tpu.memory_space<vmem>>) attributes {dimension_semantics = [#tpu.dimension_semantics<arbitrary>], iteration_bounds = array<i64: 8>, scalar_prefetch = 0 : i64, scratch_operands = 0 : i64, tpu.core_type = #tpu.core_type<tc>, window_params = [{transform_indices = @transform_0, window_bounds = array<i64: 1024, 256>}, {transform_indices = @transform_1, window_bounds = array<i64: 1024, 1>}]} {
    %get3A = arith.constant 0 : index
    %get3A_0 = arith.constant 0 : index
    %get3A_1 = vector.load %arg1[%get3A, %get3A_0] : memref<1024x256xf32, #tpu.memory_space<vmem>>, vector<1024x256xf32>
    %mul3A = arith.mulf %get3A_1, %get3A_1 : vector<1024x256xf32>
    %reduce_sum3A = arith.constant dense<0.000000e+00> : vector<1024xf32>
    %reduce_sum3A_2 = vector.multi_reduction <add>, %mul3A, %reduce_sum3A [1] : vector<1024x256xf32> to vector<1024xf32>
    %broadcast_in_dim3A = vector.shape_cast %reduce_sum3A_2 : vector<1024xf32> to vector<1024x1xf32>
    %swap3A = arith.constant 0 : index
    %swap3A_3 = arith.constant 0 : index
    %swap3A_4 = vector.load %arg2[%swap3A, %swap3A_3] : memref<1024x1xf32, #tpu.memory_space<vmem>>, vector<1024x1xf32>
    tpu.vector_store %arg2[%swap3A, %swap3A_3], %broadcast_in_dim3A {strides = array<i32>} : memref<1024x1xf32, #tpu.memory_space<vmem>>, vector<1024x1xf32>,
    return
  }
  func.func @transform_0(%arg0: i32) -> (i32, i32) {
    %c0_i32 = arith.constant 0 : i32
    %c0_i32_0 = arith.constant 0 : i32
    return %arg0, %c0_i32 : i32, i32
  }
  func.func @transform_1(%arg0: i32) -> (i32, i32) {
    %c0_i32 = arith.constant 0 : i32
    %c0_i32_0 = arith.constant 0 : i32
    return %arg0, %c0_i32 : i32, i32
  }
}

module attributes {stable_mosaic.version = 14 : i64} {
  func.func @_fused_body(%arg0: i32, %arg1: memref<1024x256xf32, #tpu.memory_space<vmem>>, %arg2: memref<1024x1xf32, #tpu.memory_space<vmem>>, %arg3: memref<1024x256xf32, #tpu.memory_space<vmem>>, %arg4: memref<1024x256xf32, #tpu.memory_space<vmem>>, %arg5: memref<1x1024xf32, #tpu.memory_space<vmem>>, %arg6: memref<1x1024xf32, #tpu.memory_space<vmem>>, %arg7: memref<1024x256xf32, #tpu.memory_space<vmem>>, %arg8: memref<1024x256xf32, #tpu.memory_space<vmem>>, %arg9: memref<1024x256xi32, #tpu.memory_space<vmem>>, %arg10: memref<1x1x1024xi32, #tpu.memory_space<vmem>>, %arg11: memref<1x1024xf32, #tpu.memory_space<vmem>>) attributes {dimension_semantics = [#tpu.dimension_semantics<arbitrary>], iteration_bounds = array<i64: 8>, scalar_prefetch = 0 : i64, scratch_operands = 1 : i64, tpu.core_type = #tpu.core_type<tc>, window_params = [{transform_indices = @transform_0, window_bounds = array<i64: 1024, 256>}, {transform_indices = @transform_1, window_bounds = array<i64: 1024, 1>}, {pipeline_mode = #tpu.pipeline_mode<synchronous>, transform_indices = @transform_2, window_bounds = array<i64: 1024, 256>}, {pipeline_mode = #tpu.pipeline_mode<synchronous>, transform_indices = @transform_3, window_bounds = array<i64: 1024, 256>}, {pipeline_mode = #tpu.pipeline_mode<synchronous>, transform_indices = @transform_4, window_bounds = array<i64: 1, 1024>}, {pipeline_mode = #tpu.pipeline_mode<synchronous>, transform_indices = @transform_5, window_bounds = array<i64: 1, 1024>}, {pipeline_mode = #tpu.pipeline_mode<synchronous>, transform_indices = @transform_6, window_bounds = array<i64: 1024, 256>}, {pipeline_mode = #tpu.pipeline_mode<synchronous>, transform_indices = @transform_7, window_bounds = array<i64: 1024, 256>}, {transform_indices = @transform_8, window_bounds = array<i64: 1024, 256>}, {transform_indices = @transform_9, window_bounds = array<i64: 1, 1, 1024>}]} {
    %eq3A = arith.constant 0 : i32
    %eq3A_0 = arith.cmpi eq, %arg0, %eq3A : i32
    %convert_element_type3A = arith.extui %eq3A_0 : i1 to i32
    %cond3A = arith.constant 0 : i32
    %cond3A_1 = arith.cmpi ne, %convert_element_type3A, %cond3A : i32
    scf.if %cond3A_1 {
      %get3A_34 = arith.constant 0 : index
      %get3A_35 = arith.constant 0 : index
      %get3A_36 = vector.load %arg3[%get3A_34, %get3A_35] : memref<1024x256xf32, #tpu.memory_space<vmem>>, vector<1024x256xf32>
      %get3A_37 = arith.constant 0 : index
      %get3A_38 = arith.constant 0 : index
      %get3A_39 = vector.load %arg4[%get3A_37, %get3A_38] : memref<1024x256xf32, #tpu.memory_space<vmem>>, vector<1024x256xf32>
      %add3A_40 = arith.addf %get3A_36, %get3A_39 : vector<1024x256xf32>
      %get3A_41 = arith.constant 0 : index
      %get3A_42 = arith.constant 0 : index
      %get3A_43 = vector.load %arg5[%get3A_41, %get3A_42] : memref<1x1024xf32, #tpu.memory_space<vmem>>, vector<1x1024xf32>
      %get3A_44 = vector.shape_cast %get3A_43 : vector<1x1024xf32> to vector<1024xf32>
      %get3A_45 = arith.constant 0 : index
      %get3A_46 = arith.constant 0 : index
      %get3A_47 = vector.load %arg6[%get3A_45, %get3A_46] : memref<1x1024xf32, #tpu.memory_space<vmem>>, vector<1x1024xf32>
      %get3A_48 = vector.shape_cast %get3A_47 : vector<1x1024xf32> to vector<1024xf32>
      %add3A_49 = arith.addf %get3A_44, %get3A_48 : vector<1024xf32>
      %broadcast_in_dim3A_50 = vector.shape_cast %add3A_49 : vector<1024xf32> to vector<1024x1xf32>
      %max3A = arith.constant 1.000000e+00 : f32
      %max3A_51 = vector.broadcast %max3A : f32 to vector<1024x1xf32>
      %max3A_52 = arith.maximumf %broadcast_in_dim3A_50, %max3A_51 : vector<1024x1xf32>
      %div3A = vector.broadcast %max3A_52 : vector<1024x1xf32> to vector<1024x256xf32>
      %div3A_53 = arith.divf %add3A_40, %div3A : vector<1024x256xf32>
      %gt3A = arith.constant 0.000000e+00 : f32
      %gt3A_54 = vector.broadcast %gt3A : f32 to vector<1024x1xf32>
      %gt3A_55 = arith.cmpf ogt, %broadcast_in_dim3A_50, %gt3A_54 : vector<1024x1xf32>
      %get3A_56 = arith.constant 0 : index
      %get3A_57 = arith.constant 0 : index
      %get3A_58 = vector.load %arg7[%get3A_56, %get3A_57] : memref<1024x256xf32, #tpu.memory_space<vmem>>, vector<1024x256xf32>
      %broadcast_in_dim3A_59 = vector.shape_cast %gt3A_55 : vector<1024x1xi1> to vector<1024x1xi1>
      %broadcast_in_dim3A_60 = vector.broadcast %broadcast_in_dim3A_59 : vector<1024x1xi1> to vector<1024x256xi1>
      %select_n3A = arith.select %broadcast_in_dim3A_60, %div3A_53, %get3A_58 : vector<1024x256xi1>, vector<1024x256xf32>
      %swap3A_61 = arith.constant 0 : index
      %swap3A_62 = arith.constant 0 : index
      %swap3A_63 = vector.load %arg8[%swap3A_61, %swap3A_62] : memref<1024x256xf32, #tpu.memory_space<vmem>>, vector<1024x256xf32>
      tpu.vector_store %arg8[%swap3A_61, %swap3A_62], %select_n3A {strides = array<i32>} : memref<1024x256xf32, #tpu.memory_space<vmem>>, vector<1024x256xf32>,
      %mul3A_64 = arith.mulf %select_n3A, %select_n3A : vector<1024x256xf32>
      %reduce_sum3A = arith.constant dense<0.000000e+00> : vector<1024xf32>
      %reduce_sum3A_65 = vector.multi_reduction <add>, %mul3A_64, %reduce_sum3A [1] : vector<1024x256xf32> to vector<1024xf32>
      %broadcast_in_dim3A_66 = vector.shape_cast %reduce_sum3A_65 : vector<1024xf32> to vector<1x1024xf32>
      %swap3A_67 = arith.constant 0 : index
      %swap3A_68 = arith.constant 0 : index
      %swap3A_69 = vector.load %arg11[%swap3A_67, %swap3A_68] : memref<1x1024xf32, #tpu.memory_space<vmem>>, vector<1x1024xf32>
      tpu.vector_store %arg11[%swap3A_67, %swap3A_68], %broadcast_in_dim3A_66 {strides = array<i32>} : memref<1x1024xf32, #tpu.memory_space<vmem>>, vector<1x1024xf32>,
    } else {
    }
    %get3A = arith.constant 0 : index
    %get3A_2 = arith.constant 0 : index
    %get3A_3 = vector.load %arg1[%get3A, %get3A_2] : memref<1024x256xf32, #tpu.memory_space<vmem>>, vector<1024x256xf32>
    %get3A_4 = arith.constant 0 : index
    %get3A_5 = arith.constant 0 : index
    %get3A_6 = vector.load %arg8[%get3A_4, %get3A_5] : memref<1024x256xf32, #tpu.memory_space<vmem>>, vector<1024x256xf32>
    %get3A_7 = arith.constant 0 : index
    %get3A_8 = arith.constant 0 : index
    %get3A_9 = vector.load %arg2[%get3A_7, %get3A_8] : memref<1024x1xf32, #tpu.memory_space<vmem>>, vector<1024x1xf32>
    %transpose3A = tpu.transpose %get3A_6, [1, 0] : vector<1024x256xf32> -> vector<256x1024xf32>
    %dot_general3A = arith.constant dense<0.000000e+00> : vector<1024x1024xf32>
    %dot_general3A_10 = tpu.matmul %get3A_3, %transpose3A, %dot_general3A {dimension_numbers = #tpu.dot_dimension_numbers<[1], [0], [0], [1], [0, 0, 1, 1], [], []>, transpose_lhs_hint = false} : vector<1024x256xf32>, vector<256x1024xf32>, vector<1024x1024xf32> -> vector<1024x1024xf32>
    %mul3A = arith.constant 2.000000e+00 : f32
    %mul3A_11 = vector.broadcast %mul3A : f32 to vector<1024x1024xf32>
    %mul3A_12 = arith.mulf %mul3A_11, %dot_general3A_10 : vector<1024x1024xf32>
    %sub3A = vector.broadcast %get3A_9 : vector<1024x1xf32> to vector<1024x1024xf32>
    %sub3A_13 = arith.subf %sub3A, %mul3A_12 : vector<1024x1024xf32>
    %get3A_14 = arith.constant 0 : index
    %get3A_15 = arith.constant 0 : index
    %get3A_16 = vector.load %arg11[%get3A_14, %get3A_15] : memref<1x1024xf32, #tpu.memory_space<vmem>>, vector<1x1024xf32>
    %add3A = vector.broadcast %get3A_16 : vector<1x1024xf32> to vector<1024x1024xf32>
    %add3A_17 = arith.addf %sub3A_13, %add3A : vector<1024x1024xf32>
    %argmin3A = tpu.reduce_index %add3A_17 {axis = 1 : i32, kind = #tpu.reduction_kind<arg_min>} : vector<1024x1024xf32> -> vector<1024xi32>
    %broadcast_in_dim3A = vector.shape_cast %argmin3A : vector<1024xi32> to vector<1024x1xi32>
    %mul3A_18 = arith.constant 256 : i32
    %mul3A_19 = vector.broadcast %mul3A_18 : i32 to vector<1024x1xi32>
    %mul3A_20 = arith.muli %broadcast_in_dim3A, %mul3A_19 : vector<1024x1xi32>
    %iota3A = tpu.iota {dimensions = array<i32: 1>} : vector<1024x256xi32>
    %add3A_21 = vector.broadcast %mul3A_20 : vector<1024x1xi32> to vector<1024x256xi32>
    %add3A_22 = arith.addi %add3A_21, %iota3A : vector<1024x256xi32>
    %swap3A = arith.constant 0 : index
    %swap3A_23 = arith.constant 0 : index
    %swap3A_24 = vector.load %arg9[%swap3A, %swap3A_23] : memref<1024x256xi32, #tpu.memory_space<vmem>>, vector<1024x256xi32>
    tpu.vector_store %arg9[%swap3A, %swap3A_23], %add3A_22 {strides = array<i32>} : memref<1024x256xi32, #tpu.memory_space<vmem>>, vector<1024x256xi32>,
    %add3A_25 = arith.constant 262144 : i32
    %add3A_26 = vector.broadcast %add3A_25 : i32 to vector<1024xi32>
    %add3A_27 = arith.addi %add3A_26, %argmin3A : vector<1024xi32>
    %swap3A_28 = arith.constant 0 : index
    %swap3A_29 = arith.constant 0 : index
    %swap3A_30 = arith.constant 0 : index
    %swap3A_31 = vector.load %arg10[%swap3A_28, %swap3A_29, %swap3A_30] : memref<1x1x1024xi32, #tpu.memory_space<vmem>>, vector<1x1x1024xi32>
    %swap3A_32 = vector.shape_cast %swap3A_31 : vector<1x1x1024xi32> to vector<1024xi32>
    %swap3A_33 = vector.shape_cast %add3A_27 : vector<1024xi32> to vector<1x1x1024xi32>
    tpu.vector_store %arg10[%swap3A_28, %swap3A_29, %swap3A_30], %swap3A_33 {strides = array<i32>} : memref<1x1x1024xi32, #tpu.memory_space<vmem>>, vector<1x1x1024xi32>,
    return
  }
  func.func @transform_0(%arg0: i32) -> (i32, i32) {
    %c0_i32 = arith.constant 0 : i32
    %c0_i32_0 = arith.constant 0 : i32
    return %arg0, %c0_i32 : i32, i32
  }
  func.func @transform_1(%arg0: i32) -> (i32, i32) {
    %c0_i32 = arith.constant 0 : i32
    %c0_i32_0 = arith.constant 0 : i32
    return %arg0, %c0_i32 : i32, i32
  }
  func.func @transform_2(%arg0: i32) -> (i32, i32) {
    %c0_i32 = arith.constant 0 : i32
    %c0_i32_0 = arith.constant 0 : i32
    %c0_i32_1 = arith.constant 0 : i32
    return %c0_i32, %c0_i32_0 : i32, i32
  }
  func.func @transform_3(%arg0: i32) -> (i32, i32) {
    %c0_i32 = arith.constant 0 : i32
    %c0_i32_0 = arith.constant 0 : i32
    %c0_i32_1 = arith.constant 0 : i32
    return %c0_i32, %c0_i32_0 : i32, i32
  }
  func.func @transform_4(%arg0: i32) -> (i32, i32) {
    %c0_i32 = arith.constant 0 : i32
    %c0_i32_0 = arith.constant 0 : i32
    %c0_i32_1 = arith.constant 0 : i32
    return %c0_i32, %c0_i32_0 : i32, i32
  }
  func.func @transform_5(%arg0: i32) -> (i32, i32) {
    %c0_i32 = arith.constant 0 : i32
    %c0_i32_0 = arith.constant 0 : i32
    %c0_i32_1 = arith.constant 0 : i32
    return %c0_i32, %c0_i32_0 : i32, i32
  }
  func.func @transform_6(%arg0: i32) -> (i32, i32) {
    %c0_i32 = arith.constant 0 : i32
    %c0_i32_0 = arith.constant 0 : i32
    %c0_i32_1 = arith.constant 0 : i32
    return %c0_i32, %c0_i32_0 : i32, i32
  }
  func.func @transform_7(%arg0: i32) -> (i32, i32) {
    %c0_i32 = arith.constant 0 : i32
    %c0_i32_0 = arith.constant 0 : i32
    %c0_i32_1 = arith.constant 0 : i32
    return %c0_i32, %c0_i32_0 : i32, i32
  }
  func.func @transform_8(%arg0: i32) -> (i32, i32) {
    %c0_i32 = arith.constant 0 : i32
    %c0_i32_0 = arith.constant 0 : i32
    return %arg0, %c0_i32 : i32, i32
  }
  func.func @transform_9(%arg0: i32) -> (i32, i32, i32) {
    %c0_i32 = arith.constant 0 : i32
    %c0_i32_0 = arith.constant 0 : i32
    %c0_i32_1 = arith.constant 0 : i32
    return %arg0, %c0_i32, %c0_i32_0 : i32, i32, i32
  }
}

module attributes {stable_mosaic.version = 14 : i64} {
  func.func @_fused_final_body(%arg0: i32, %arg1: memref<1024x256xf32, #tpu.memory_space<vmem>>, %arg2: memref<1024x1xf32, #tpu.memory_space<vmem>>, %arg3: memref<1024x256xf32, #tpu.memory_space<vmem>>, %arg4: memref<1024x256xf32, #tpu.memory_space<vmem>>, %arg5: memref<1x1024xf32, #tpu.memory_space<vmem>>, %arg6: memref<1x1024xf32, #tpu.memory_space<vmem>>, %arg7: memref<1024x256xf32, #tpu.memory_space<vmem>>, %arg8: memref<1024x256xf32, #tpu.memory_space<vmem>>, %arg9: memref<1x1x1024xi32, #tpu.memory_space<vmem>>, %arg10: memref<1x1024xf32, #tpu.memory_space<vmem>>) attributes {dimension_semantics = [#tpu.dimension_semantics<arbitrary>], iteration_bounds = array<i64: 8>, scalar_prefetch = 0 : i64, scratch_operands = 1 : i64, tpu.core_type = #tpu.core_type<tc>, window_params = [{transform_indices = @transform_0, window_bounds = array<i64: 1024, 256>}, {transform_indices = @transform_1, window_bounds = array<i64: 1024, 1>}, {pipeline_mode = #tpu.pipeline_mode<synchronous>, transform_indices = @transform_2, window_bounds = array<i64: 1024, 256>}, {pipeline_mode = #tpu.pipeline_mode<synchronous>, transform_indices = @transform_3, window_bounds = array<i64: 1024, 256>}, {pipeline_mode = #tpu.pipeline_mode<synchronous>, transform_indices = @transform_4, window_bounds = array<i64: 1, 1024>}, {pipeline_mode = #tpu.pipeline_mode<synchronous>, transform_indices = @transform_5, window_bounds = array<i64: 1, 1024>}, {pipeline_mode = #tpu.pipeline_mode<synchronous>, transform_indices = @transform_6, window_bounds = array<i64: 1024, 256>}, {pipeline_mode = #tpu.pipeline_mode<synchronous>, transform_indices = @transform_7, window_bounds = array<i64: 1024, 256>}, {transform_indices = @transform_8, window_bounds = array<i64: 1, 1, 1024>}]} {
    %eq3A = arith.constant 0 : i32
    %eq3A_0 = arith.cmpi eq, %arg0, %eq3A : i32
    %convert_element_type3A = arith.extui %eq3A_0 : i1 to i32
    %cond3A = arith.constant 0 : i32
    %cond3A_1 = arith.cmpi ne, %convert_element_type3A, %cond3A : i32
    scf.if %cond3A_1 {
      %get3A_23 = arith.constant 0 : index
      %get3A_24 = arith.constant 0 : index
      %get3A_25 = vector.load %arg3[%get3A_23, %get3A_24] : memref<1024x256xf32, #tpu.memory_space<vmem>>, vector<1024x256xf32>
      %get3A_26 = arith.constant 0 : index
      %get3A_27 = arith.constant 0 : index
      %get3A_28 = vector.load %arg4[%get3A_26, %get3A_27] : memref<1024x256xf32, #tpu.memory_space<vmem>>, vector<1024x256xf32>
      %add3A_29 = arith.addf %get3A_25, %get3A_28 : vector<1024x256xf32>
      %get3A_30 = arith.constant 0 : index
      %get3A_31 = arith.constant 0 : index
      %get3A_32 = vector.load %arg5[%get3A_30, %get3A_31] : memref<1x1024xf32, #tpu.memory_space<vmem>>, vector<1x1024xf32>
      %get3A_33 = vector.shape_cast %get3A_32 : vector<1x1024xf32> to vector<1024xf32>
      %get3A_34 = arith.constant 0 : index
      %get3A_35 = arith.constant 0 : index
      %get3A_36 = vector.load %arg6[%get3A_34, %get3A_35] : memref<1x1024xf32, #tpu.memory_space<vmem>>, vector<1x1024xf32>
      %get3A_37 = vector.shape_cast %get3A_36 : vector<1x1024xf32> to vector<1024xf32>
      %add3A_38 = arith.addf %get3A_33, %get3A_37 : vector<1024xf32>
      %broadcast_in_dim3A = vector.shape_cast %add3A_38 : vector<1024xf32> to vector<1024x1xf32>
      %max3A = arith.constant 1.000000e+00 : f32
      %max3A_39 = vector.broadcast %max3A : f32 to vector<1024x1xf32>
      %max3A_40 = arith.maximumf %broadcast_in_dim3A, %max3A_39 : vector<1024x1xf32>
      %div3A = vector.broadcast %max3A_40 : vector<1024x1xf32> to vector<1024x256xf32>
      %div3A_41 = arith.divf %add3A_29, %div3A : vector<1024x256xf32>
      %gt3A = arith.constant 0.000000e+00 : f32
      %gt3A_42 = vector.broadcast %gt3A : f32 to vector<1024x1xf32>
      %gt3A_43 = arith.cmpf ogt, %broadcast_in_dim3A, %gt3A_42 : vector<1024x1xf32>
      %get3A_44 = arith.constant 0 : index
      %get3A_45 = arith.constant 0 : index
      %get3A_46 = vector.load %arg7[%get3A_44, %get3A_45] : memref<1024x256xf32, #tpu.memory_space<vmem>>, vector<1024x256xf32>
      %broadcast_in_dim3A_47 = vector.shape_cast %gt3A_43 : vector<1024x1xi1> to vector<1024x1xi1>
      %broadcast_in_dim3A_48 = vector.broadcast %broadcast_in_dim3A_47 : vector<1024x1xi1> to vector<1024x256xi1>
      %select_n3A = arith.select %broadcast_in_dim3A_48, %div3A_41, %get3A_46 : vector<1024x256xi1>, vector<1024x256xf32>
      %swap3A_49 = arith.constant 0 : index
      %swap3A_50 = arith.constant 0 : index
      %swap3A_51 = vector.load %arg8[%swap3A_49, %swap3A_50] : memref<1024x256xf32, #tpu.memory_space<vmem>>, vector<1024x256xf32>
      tpu.vector_store %arg8[%swap3A_49, %swap3A_50], %select_n3A {strides = array<i32>} : memref<1024x256xf32, #tpu.memory_space<vmem>>, vector<1024x256xf32>,
      %mul3A_52 = arith.mulf %select_n3A, %select_n3A : vector<1024x256xf32>
      %reduce_sum3A = arith.constant dense<0.000000e+00> : vector<1024xf32>
      %reduce_sum3A_53 = vector.multi_reduction <add>, %mul3A_52, %reduce_sum3A [1] : vector<1024x256xf32> to vector<1024xf32>
      %broadcast_in_dim3A_54 = vector.shape_cast %reduce_sum3A_53 : vector<1024xf32> to vector<1x1024xf32>
      %swap3A_55 = arith.constant 0 : index
      %swap3A_56 = arith.constant 0 : index
      %swap3A_57 = vector.load %arg10[%swap3A_55, %swap3A_56] : memref<1x1024xf32, #tpu.memory_space<vmem>>, vector<1x1024xf32>
      tpu.vector_store %arg10[%swap3A_55, %swap3A_56], %broadcast_in_dim3A_54 {strides = array<i32>} : memref<1x1024xf32, #tpu.memory_space<vmem>>, vector<1x1024xf32>,
    } else {
    }
    %get3A = arith.constant 0 : index
    %get3A_2 = arith.constant 0 : index
    %get3A_3 = vector.load %arg1[%get3A, %get3A_2] : memref<1024x256xf32, #tpu.memory_space<vmem>>, vector<1024x256xf32>
    %get3A_4 = arith.constant 0 : index
    %get3A_5 = arith.constant 0 : index
    %get3A_6 = vector.load %arg8[%get3A_4, %get3A_5] : memref<1024x256xf32, #tpu.memory_space<vmem>>, vector<1024x256xf32>
    %get3A_7 = arith.constant 0 : index
    %get3A_8 = arith.constant 0 : index
    %get3A_9 = vector.load %arg2[%get3A_7, %get3A_8] : memref<1024x1xf32, #tpu.memory_space<vmem>>, vector<1024x1xf32>
    %transpose3A = tpu.transpose %get3A_6, [1, 0] : vector<1024x256xf32> -> vector<256x1024xf32>
    %dot_general3A = arith.constant dense<0.000000e+00> : vector<1024x1024xf32>
    %dot_general3A_10 = tpu.matmul %get3A_3, %transpose3A, %dot_general3A {dimension_numbers = #tpu.dot_dimension_numbers<[1], [0], [0], [1], [0, 0, 1, 1], [], []>, transpose_lhs_hint = false} : vector<1024x256xf32>, vector<256x1024xf32>, vector<1024x1024xf32> -> vector<1024x1024xf32>
    %mul3A = arith.constant 2.000000e+00 : f32
    %mul3A_11 = vector.broadcast %mul3A : f32 to vector<1024x1024xf32>
    %mul3A_12 = arith.mulf %mul3A_11, %dot_general3A_10 : vector<1024x1024xf32>
    %sub3A = vector.broadcast %get3A_9 : vector<1024x1xf32> to vector<1024x1024xf32>
    %sub3A_13 = arith.subf %sub3A, %mul3A_12 : vector<1024x1024xf32>
    %get3A_14 = arith.constant 0 : index
    %get3A_15 = arith.constant 0 : index
    %get3A_16 = vector.load %arg10[%get3A_14, %get3A_15] : memref<1x1024xf32, #tpu.memory_space<vmem>>, vector<1x1024xf32>
    %add3A = vector.broadcast %get3A_16 : vector<1x1024xf32> to vector<1024x1024xf32>
    %add3A_17 = arith.addf %sub3A_13, %add3A : vector<1024x1024xf32>
    %argmin3A = tpu.reduce_index %add3A_17 {axis = 1 : i32, kind = #tpu.reduction_kind<arg_min>} : vector<1024x1024xf32> -> vector<1024xi32>
    %swap3A = arith.constant 0 : index
    %swap3A_18 = arith.constant 0 : index
    %swap3A_19 = arith.constant 0 : index
    %swap3A_20 = vector.load %arg9[%swap3A, %swap3A_18, %swap3A_19] : memref<1x1x1024xi32, #tpu.memory_space<vmem>>, vector<1x1x1024xi32>
    %swap3A_21 = vector.shape_cast %swap3A_20 : vector<1x1x1024xi32> to vector<1024xi32>
    %swap3A_22 = vector.shape_cast %argmin3A : vector<1024xi32> to vector<1x1x1024xi32>
    tpu.vector_store %arg9[%swap3A, %swap3A_18, %swap3A_19], %swap3A_22 {strides = array<i32>} : memref<1x1x1024xi32, #tpu.memory_space<vmem>>, vector<1x1x1024xi32>,
    return
  }
  func.func @transform_0(%arg0: i32) -> (i32, i32) {
    %c0_i32 = arith.constant 0 : i32
    %c0_i32_0 = arith.constant 0 : i32
    return %arg0, %c0_i32 : i32, i32
  }
  func.func @transform_1(%arg0: i32) -> (i32, i32) {
    %c0_i32 = arith.constant 0 : i32
    %c0_i32_0 = arith.constant 0 : i32
    return %arg0, %c0_i32 : i32, i32
  }
  func.func @transform_2(%arg0: i32) -> (i32, i32) {
    %c0_i32 = arith.constant 0 : i32
    %c0_i32_0 = arith.constant 0 : i32
    %c0_i32_1 = arith.constant 0 : i32
    return %c0_i32, %c0_i32_0 : i32, i32
  }
  func.func @transform_3(%arg0: i32) -> (i32, i32) {
    %c0_i32 = arith.constant 0 : i32
    %c0_i32_0 = arith.constant 0 : i32
    %c0_i32_1 = arith.constant 0 : i32
    return %c0_i32, %c0_i32_0 : i32, i32
  }
  func.func @transform_4(%arg0: i32) -> (i32, i32) {
    %c0_i32 = arith.constant 0 : i32
    %c0_i32_0 = arith.constant 0 : i32
    %c0_i32_1 = arith.constant 0 : i32
    return %c0_i32, %c0_i32_0 : i32, i32
  }
  func.func @transform_5(%arg0: i32) -> (i32, i32) {
    %c0_i32 = arith.constant 0 : i32
    %c0_i32_0 = arith.constant 0 : i32
    %c0_i32_1 = arith.constant 0 : i32
    return %c0_i32, %c0_i32_0 : i32, i32
  }
  func.func @transform_6(%arg0: i32) -> (i32, i32) {
    %c0_i32 = arith.constant 0 : i32
    %c0_i32_0 = arith.constant 0 : i32
    %c0_i32_1 = arith.constant 0 : i32
    return %c0_i32, %c0_i32_0 : i32, i32
  }
  func.func @transform_7(%arg0: i32) -> (i32, i32) {
    %c0_i32 = arith.constant 0 : i32
    %c0_i32_0 = arith.constant 0 : i32
    %c0_i32_1 = arith.constant 0 : i32
    return %c0_i32, %c0_i32_0 : i32, i32
  }
  func.func @transform_8(%arg0: i32) -> (i32, i32, i32) {
    %c0_i32 = arith.constant 0 : i32
    %c0_i32_0 = arith.constant 0 : i32
    %c0_i32_1 = arith.constant 0 : i32
    return %arg0, %c0_i32, %c0_i32_0 : i32, i32, i32
  }
}

</mosaic_0001>

<sc_bundles>
// kernel: kernel.14.cloned.1.call-start
scs
__scs_entry_jumppad:
0x0: {  	(pc) =	sbr.rel $0x88, $3  }
0x1: {  	(tag) =	ssettag $0x0;
	lr =	simm.s32 $0x1  }
0x2: {  	[smem:$0x3FA0] =	sst lr;
	_ =	strace $0xD0000000  }
0x3: {  	_ = 	snop  }
0x4: {  	_ = 	snop  }
0x5: {  	_ = 	snop  }
0x6: {  	_ = 	snop  }
0x7: {  	_ = 	snop  }
__scs_overlays_trampoline_lowered:
0x8: {  	[smem:$0x3FAF] =	sst s0  }
0x9: {  	[smem:$0x3FB0] =	sst s1  }
0xa: {  	[smem:$0x3FB1] =	sst s2  }
0xb: {  	[smem:$0x3FB2] =	sst s3  }
0xc: {  	[smem:$0x3FB3] =	sst s4  }
0xd: {  	[smem:$0x3FB4] =	sst s5  }
0xe: {  	[smem:$0x3FB5] =	sst s6  }
0xf: {  	[smem:$0x3FB6] =	sst s7  }
0x10: {  	[smem:$0x3FB7] =	sst s8  }
0x11: {  	[smem:$0x3FB8] =	sst s9;
	s0 =	simm.s32 @!p0 $0x0  }
0x12: {  	s1 =	sld [smem:$0x3F9E];
	s0 =	simm.s32 @p0 $0x1  }
0x13: {  	[smem:$0x3FB9] =	sst s0;
	s0 =	simm.s32 @!p1 $0x0  }
0x14: {  	s2 =	sld [smem:$0x3F9D];
	s0 =	simm.s32 @p1 $0x1  }
0x15: {  	[smem:$0x3FBA] =	sst s0;
	s0 =	simm.s32 @!p2 $0x0  }
0x16: {  	s3 =	sld [smem:$0x3FDB];
	s0 =	simm.s32 @p2 $0x1  }
0x17: {  	s4 =	simm.s32 $0x1BF5;
	[smem:$0x3FBC] =	sst s0  }
0x18: {  	s0 =	sld [smem:$0x3F9F];
	_ =	swait.ge [sflag:s4], $0x0  }
0x19: {  	s7 =	sld [smem:$0x3FA0]  }
0x1a: {  	s8 =	sadd.s32 $0xFFFFE003, lr  }
0x1b: {  	s9 =	sadd.s32 $0xFFFFFEF7, lr;
	s5 =	simm.s32 $0xFFFFFFFF;
	p2 =	slt.u32 s8, $0xFFFFF086  }
0x1c: {  	p1 =	slt.u32 s9, $0xF7A;
	s5 =	simm.s32 @!p2 $0x0  }
0x1d: {  	s5 =	simm.s32 @p1 $0x1;
	p0 =	seq.s32 s7, s2  }
0x1e: {  	s7 =	smul.u32 @!p0 $0xF7A, s2;
	p2 =	seq.s32 @!p0 s5, $0x0  }
0x1f: {  	s9 =	smul.u32 $0xF7A, s1;
	s8 =	simm.s32 @!p0 $0x1BF5;
	p2 =	por !p2, p0  }
0x20: {  	[sflag:s8] =	ssyncset.s32 @!p0 $0xFFFFF086;
	s6 =	sadd.s32 @!p0 s3, s7;
	s7 =	simm.s32 @!p0 $0x108  }
0x21: {  	s3 =	sadd.s32 s3, s9;
	s6 =	sadd.s32 @!p0 $0x88, s6;
	s7 =	simm.s32 @p2 $0x1082  }
0x22: {  	[simem:s7], [sflag:s8] =	dma.local @!p0 [hbm:s6], $0xF7A  }
0x23: {  	s9 =	sor.u32 $0xD0000000, s2;
	s6 =	simm.s32 $0x108;
	_ =	swait.ge @!p0 [sflag:s8], $0x0  }
0x24: {  	s3 =	sadd.s32 $0x88, s3;
	s6 =	simm.s32 @!p1 $0x1082;
	[sflag:s4] =	ssyncset.s32 $0xFFFFF086  }
0x25: {  	[simem:s6], [sflag:s4] =	dma.local [hbm:s3], $0xF7A  }
0x26: {  	[smem:$0x3FA0] =	sst s1;
	(tag) =	ssettag s2;
	_ =	strace s9  }
0x27: {  	s1 =	sld [smem:$0x3FB0]  }
0x28: {  	s2 =	sld [smem:$0x3FB1]  }
0x29: {  	s4 =	sld [smem:$0x3FB3]  }
0x2a: {  	p0 =	seq.s32 s5, $0x0;
	s5 =	sld [smem:$0x3FB4]  }
0x2b: {  	s6 =	sld [smem:$0x3FB5]  }
0x2c: {  	s7 =	sld [smem:$0x3FB6]  }
0x2d: {  	s3 =	simm.s32 $0x108;
	s8 =	sld [smem:$0x3FB7]  }
0x2e: {  	s3 =	simm.s32 @!p0 $0x1082;
	s9 =	sld [smem:$0x3FB8]  }
0x2f: {  	lr =	sadd.s32 s0, s3;
	s0 =	sld [smem:$0x3FAF]  }
0x30: {  	s3 =	sld [smem:$0x3FB2]  }
0x31: {  	[smem:$0x3FBB] =	sst s10  }
0x32: {  	s10 =	sld [smem:$0x3FB9];
	_ =	sdelay $0x3  }
0x33: {  	p0 =	seq.s32 s10, $0x1;
	s10 =	sld [smem:$0x3FBB];
	_ =	sdelay $0x3  }
0x34: {  	[smem:$0x3FBB] =	sst s10  }
0x35: {  	s10 =	sld [smem:$0x3FBA];
	_ =	sdelay $0x3  }
0x36: {  	p1 =	seq.s32 s10, $0x1;
	s10 =	sld [smem:$0x3FBB];
	_ =	sdelay $0x3  }
0x37: {  	[smem:$0x3FBB] =	sst s10  }
0x38: {  	s10 =	sld [smem:$0x3FBC]  }
0x39: {  	_ = 	snop;
	(pc) =	sbr.ind lr, $3  }
0x3a: {  	_ = 	snop  }
0x3b: {  	_ = 	snop  }
0x3c: {  	p2 =	seq.s32 s10, $0x1;
	s10 =	sld [smem:$0x3FBB]  }
0x3d: {  	_ =	shalt  }
0x3e: {  	_ =	shalt  }
0x3f: {  	_ =	shalt  }
0x40: {  	_ =	shalt  }
0x41: {  	_ =	shalt  }
0x42: {  	_ =	shalt  }
0x43: {  	_ =	shalt  }
0x44: {  	_ =	shalt  }
0x45: {  	_ =	shalt  }
0x46: {  	_ =	shalt  }
0x47: {  	_ =	shalt  }
0x48: {  	_ =	shalt  }
0x49: {  	_ =	shalt  }
0x4a: {  	_ =	shalt  }
0x4b: {  	_ =	shalt  }
0x4c: {  	_ =	shalt  }
0x4d: {  	_ =	shalt  }
0x4e: {  	_ =	shalt  }
0x4f: {  	_ =	shalt  }
0x50: {  	_ =	shalt  }
0x51: {  	_ =	shalt  }
0x52: {  	_ =	shalt  }
0x53: {  	_ =	shalt  }
0x54: {  	_ =	shalt  }
0x55: {  	_ =	shalt  }
0x56: {  	_ =	shalt  }
0x57: {  	_ =	shalt  }
0x58: {  	_ =	shalt  }
0x59: {  	_ =	shalt  }
0x5a: {  	_ =	shalt  }
0x5b: {  	_ =	shalt  }
0x5c: {  	_ =	shalt  }
0x5d: {  	_ =	shalt  }
0x5e: {  	_ =	shalt  }
0x5f: {  	_ =	shalt  }
0x60: {  	_ =	shalt  }
0x61: {  	_ =	shalt  }
0x62: {  	_ =	shalt  }
0x63: {  	_ =	shalt  }
0x64: {  	_ =	shalt  }
0x65: {  	_ =	shalt  }
0x66: {  	_ =	shalt  }
0x67: {  	_ =	shalt  }
0x68: {  	_ =	shalt  }
0x69: {  	_ =	shalt  }
0x6a: {  	_ =	shalt  }
0x6b: {  	_ =	shalt  }
0x6c: {  	_ =	shalt  }
0x6d: {  	_ =	shalt  }
0x6e: {  	_ =	shalt  }
0x6f: {  	_ =	shalt  }
0x70: {  	_ =	shalt  }
0x71: {  	_ =	shalt  }
0x72: {  	_ =	shalt  }
0x73: {  	_ =	shalt  }
0x74: {  	_ =	shalt  }
0x75: {  	_ =	shalt  }
0x76: {  	_ =	shalt  }
0x77: {  	_ =	shalt  }
0x78: {  	_ =	shalt  }
0x79: {  	_ =	shalt  }
0x7a: {  	_ =	shalt  }
0x7b: {  	_ =	shalt  }
0x7c: {  	_ =	shalt  }
0x7d: {  	_ =	shalt  }
0x7e: {  	_ =	shalt  }
0x7f: {  	_ =	shalt  }
0x80: {  	_ =	shalt  }
0x81: {  	_ =	shalt  }
0x82: {  	_ =	shalt  }
0x83: {  	_ =	shalt  }
0x84: {  	_ =	shalt  }
0x85: {  	_ =	shalt  }
0x86: {  	_ =	shalt  }
0x87: {  	_ =	shalt  }
.Lfunc_end0:
.L_simem_size_0:
called_computation_lowered:
.L_overlay_start_0:
0x88: {  	s2 =	sld [smem:$0x3FD9]  }
0x89: {  	s3 =	sld [smem:$0x3FFE];
	_ =	sdelay $0x1  }
0x8a: {  	s1 =	srdreg.scid  }
0x8b: {  	s0 =	sand.u32 $0x1, s1  }
0x8c: {  	s17 =	sshll.u32 s0, $0xA;
	s2 =	sadd.s32 s3, s2  }
0x8d: {  	s2 =	sadd.s32 s2, s17  }
0x8e: {  	[smem:$0x3FC7] =	sst s2  }
0x8f: {  	_ = 	snop  }
0x90: {  	s2 =	sld [smem:$0x3FD0];
	(tm) =	ssettm $0x1  }
0x91: {  	s18 =	sld [smem:$0x3FFB];
	_ =	sdelay $0x3  }
0x92: {  	_ =	strace s18  }
0x93: {  	s3 =	sld [smem:$0x3FFC];
	_ =	sdelay $0x3  }
0x94: {  	_ =	strace s3  }
0x95: {  	s3 =	sld [smem:$0x3FFD];
	_ =	sdelay $0x3  }
0x96: {  	_ =	strace s3  }
0x97: {  	_ =	strace $0x8FFFFFFF  }
0x98: {  	s19 =	sld [smem:$0x3FDB];
	_ =	sdelay $0x1  }
0x99: {  	s4 =	simm.s32 $_scs_section_size  }
0x9a: {  	s5 =	simm.s32 $_size__tile_overlayer_lowered;
	s6 =	simm.s32 $_tile_overlayer_lowered  }
0x9b: {  	s22 =	simm.s32 $0x1BFF;
	s21 =	sshll.u32 s6, $0x1;
	s3 =	sadd.s32 s4, s19  }
0x9c: {  	s7 =	simm.s32 $0x0;
	s20 =	sshll.u32 s5, $0x1;
	s5 =	sadd.s32 s21, s3  }
0x9d: {  	[timem:s7], [sflag:s22] =	dma.local [hbm:s5], s20  }
0x9e: {  	_ =	swait.ge [sflag:s22], s20  }
0x9f: {  	s4 =	ssub.s32 $0x0, s20;
	[sflag:s22] =	ssyncset.done $0x0  }
0xa0: {  	[sflag:s22] =	ssyncadd.s32 s4;
	_ =	sdelay $0x1  }
0xa1: {  	s23 =	simm.s32 $0x1B8B  }
0xa2: {  	_ =	swait.ge [sflag:s23], $0x1  }
0xa3: {  	[sflag:s23] =	ssyncset.done $0x0  }
0xa4: {  	s25 =	simm.s32 $0x1B8E;
	s24 =	sld [smem:$0x3FFE];
	[sflag:s23] =	ssyncadd.s32 $0xFFFFFFFF  }
0xa5: {  	s26 =	simm.s32 $execute0_lowered;
	[smem:$0x3FD2] =	sst s25  }
0xa6: {  	s5 =	sshll.u32 s26, $0x1;
	_ =	strace $0x80000046;
	[dreg:$0x1] =	wrdreg $0xFFFFFFFF  }
0xa7: {  	s28 =	simm.s32 $_size_execute0_lowered;
	s3 =	sadd.s32 s3, s5;
	[dreg:$0x0] =	wrdreg $0x0  }
0xa8: {  	s5 =	sshll.u32 s28, $0x1;
	[dreg:$0x2] =	wrdreg s3  }
0xa9: {  	[dreg:$0x3] =	wrdreg s5  }
0xaa: {  	[dreg:$0x4] =	wrdreg $0xC0  }
0xab: {  	_ =	task [dreg:s7], $0x5FFFF  }
0xac: {  	[dreg:$0x1] =	wrdreg $0xFFFFFFFF  }
0xad: {  	[dreg:$0x0] =	wrdreg $0x60  }
0xae: {  	[dreg:$0x2] =	wrdreg s24  }
0xaf: {  	[dreg:$0x3] =	wrdreg s2  }
0xb0: {  	[dreg:$0x4] =	wrdreg $0x101800  }
0xb1: {  	[dreg:$0x5] =	wrdreg $0x9  }
0xb2: {  	_ =	task.clear_ibuf [dreg:s7], $0x6FFFF;
	_ =	strace $0x90000046  }
0xb3: {  	s29 =	simm.s32 $0x9;
	_ =	strace $0x80000048  }
0xb4: {  	_ =	swait.ge [sflag:s29], $0x1  }
0xb5: {  	[sflag:s29] =	ssyncadd.s32 $0xFFFFFFFF  }
0xb6: {  	_ =	strace $0x90000048  }
0xb7: {  	_ =	sfence  }
0xb8: {  	s30 =	sld [smem:$0x0];
	_ =	sdelay $0x2  }
0xb9: {  	s31 =	sshll.u32 s1, $0xD;
	s1 =	sshrl.u32 s1, $0x2  }
0xba: {  	s3 =	sand.u32 $0x4000, s31;
	s1 =	sadd.s32 s1, s30  }
0xbb: {  	s0 =	sor.u32 s3, s0;
	s1 =	sshll.u32 s1, $0x11  }
0xbc: {  	s0 =	sor.u32 s1, s0  }
0xbd: {  	s0 =	sadd.s32 $0x8F2B, s0  }
0xbe: {  	[sflag:s0] =	ssyncadd.remote.s32 $0x1  }
0xbf: {  	_ =	sfence.sel $0xFFFF  }
0xc0: {  	[dreg:$0x0] =	wrdreg $0xFFFFFFFF;
	(pc) =	sbr.abs _section_cstart, $3  }
0xc1: {  	[dreg:$0x1] =	wrdreg $0xFFFFFFFF  }
0xc2: {  	_ =	task.clear_ibuf [dreg:s7], $0x2FFFF;
	_ =	strace $0x9FFFFFFF  }
0xc3: {  	(tm) =	ssettm $0x7FFFFFFF  }
tec
execute0_lowered:
.L_overlay_start_1:
0x0: {  	(tag) =	ssettag $0x1  }
0x1: {  	s0 =	rddreg [dreg:$0x0]  }
0x2: {  	s3 =	rddreg [dreg:$0x1]  }
0x3: {  	s1 =	rddreg [dreg:$0x2];
	s2 =	simm.s32 $0x0  }
0x4: {  	s26 =	stileid.u32;
	s7 =	srdreg.scid;
	s28 =	simm.s32 $0x10000  }
0x5: {  	s29 =	simm.s32 $0x3;
	s30 =	simm.s32 $0x10100;
	s31 =	simm.s32 $0x1  }
0x6: {  	[smem:$0x7FF] =	sst s2;
	s5 =	sadd.s32 $0x46400, s0;
	s6 =	sadd.s32 $0x6400, s0  }
0x7: {  	s20 =	sadd.s32 $0x86600, s0;
	s4 =	sadd.s32 $0x86400, s0;
	s9 =	sshll.u32 s26, $0xB  }
0x8: {  	s23 =	sand.u32 $0x1, s7;
	s16 =	sadd.s32 $0x9E600, s0;
	s8 =	sshll.u32 s26, $0x1  }
0x9: {  	s19 =	sshll.u32 s26, $0xE;
	s14 =	sshll.u32 s26, $0x7;
	s22 =	sshll.u32 s26, $0x4  }
0xa: {  	p1 =	sgt.u32 s26, $0x7;
	p2 =	slt.u32 s26, $0x8;
	_ =	strace $0x80000047  }
0xb: {  	[dreg:$0x4] =	wrdreg s16;
	s24 =	sadd.s32 s9, s0;
	s17 =	ssub.s32 $0x2, s23  }
0xc: {  	s0 =	sadd.s32 $0x9E800, s0;
	s13 =	sor.u32 s23, s8;
	s7 =	sadd.s32 s19, s1  }
0xd: {  	s8 =	sshll.u32 s26, $0x6;
	s9 =	sadd.s32 s20, s9;
	s21 =	sadd.s32 s14, s1  }
0xe: {  	[dreg:$0x6] =	wrdreg s22;
	s22 =	sadd.s32 s20, s22;
	p0 =	seq.s32 s23, $0x1  }
0xf: {  	s26 =	simm.s32 $0x8000;
	[dreg:$0x5] =	wrdreg s0;
	s18 =	sshrl.u32 s17, $0x1  }
0x10: {  	s10 =	sor.u32 $0x1C01, s8;
	s21 =	sadd.s32 $0x40000, s21;
	s23 =	sadd.s32 $0x8E600, s24  }
0x11: {  	s25 =	sadd.s32 $0x96600, s24;
	s0 =	ssub.s32 s17, s18;
	[dreg:$0x7] =	wrdreg s23  }
0x12: {  	s18 =	sshll.u32 s13, $0xD;
	s13 =	sshll.u32 s13, $0x5;
	[dreg:$0x8] =	wrdreg s25  }
0x13: {  	s11 =	sadd.s32 s5, s18;
	s12 =	sadd.s32 s6, s18;
	s13 =	sadd.s32 s3, s13  }
.Ltmp0:
0x14: {  	s15 =	sor.u32 $0x800, s18;
	s17 =	sor.u32 $0x1000, s18;
	(pc) =	sbr.rel .LBB2_1-.Ltmp0, $4  }
0x15: {  	s19 =	sor.u32 $0x1800, s18;
	s25 =	smax.u32 s0, $0x1;
	s0 =	simm.s32 $0x4000  }
0x16: {  	s3 =	simm.s32 $0x80;
	s14 =	sadd.s32 s5, s15;
	s15 =	sadd.s32 s6, s15  }
0x17: {  	s16 =	sadd.s32 s5, s17;
	s17 =	sadd.s32 s6, s17;
	s18 =	sadd.s32 s5, s19  }
0x18: {  	s19 =	sadd.s32 s6, s19;
	s5 =	simm.s32 $0xC000;
	s6 =	simm.s32 $0x2  }
.LBB2_4:
0x19: {  	s23 =	rddreg [dreg:$0x6]  }
0x1a: {  	s23 =	sadd.s32 s24, s23;
	s24 =	sshrl.u32 s21, $0x3  }
0x1b: {  	[hbm:s23], [sflag:s20] =	dma.local [spmem:s24], $0x10  }
0x1c: {  	_ =	swait.ge [sflag:s29], $0x10  }
0x1d: {  	[sflag:s29] =	ssyncset.done $0x0  }
0x1e: {  	[sflag:s29] =	ssyncadd.s32 $0xFFFFFFF0  }
.LBB2_5:
0x1f: {  	s25 =	sadd.s32 $0xFFFFFFFF, s25  }
0x20: {  	p3 =	sne.s32 s25, $0x0  }
.Ltmp1:
0x21: {  	_ = 	snop;
	(pc) =	sbr.rel @!p3 .LBB2_6-.Ltmp1, $1  }
0x22: {  	_ =	sdelay $0x3  }
.LBB2_1:
0x23: {  	s24 =	sshrl.u32 s7, $0x3  }
0x24: {  	[spmem:s24], [sflag:s10] =	dma.local [hbm:s9], $0x800  }
0x25: {  	[tilespmem:s2], [sflag:$0x1] =	stream.linear.gather [hbm4b:s11+s2], $0x4000, $0x38;
	[tilespmem:$0x141C0] =	vst v63  }
0x26: {  	_ = 	snop  }
0x27: {  	[tilespmem:s26], [sflag:$0x1] =	stream.linear.gather [hbm4b:s12+s2], $0x4000, $0x38;
	[tilespmem:$0x141C0] =	vst v63  }
0x28: {  	_ = 	snop  }
0x29: {  	[tilespmem:s28], [sflag:$0x3] =	stream.linear.gather [hbm4b:s13+s2], $0x100, $0x38;
	[tilespmem:$0x141C0] =	vst v63  }
0x2a: {  	_ =	swait.ge [sflag:s29], $0x100  }
0x2b: {  	[sflag:s29] =	ssyncset.done $0x0  }
0x2c: {  	[sflag:s29] =	ssyncadd.s32 $0xFFFFFF00  }
0x2d: {  	[tilespmem:s30], [sflag:$0x3] =	stream.linear.gather [hbm4b:s4+s2], $0x80, $0x38;
	[tilespmem:$0x141C0] =	vst v63  }
0x2e: {  	s20 =	stileid.u32;
	_ =	swait.ge [sflag:s29], $0x80  }
0x2f: {  	s20 =	sshll.u32 @!p1 s20, $0x6;
	[sflag:s29] =	ssyncset.done $0x0  }
0x30: {  	s23 =	sshrl.u32 @!p1 s21, $0x3;
	s20 =	sor.u32 @!p1 $0x1C03, s20;
	[sflag:s29] =	ssyncadd.s32 $0xFFFFFF80  }
0x31: {  	[spmem:s23], [sflag:s20] =	dma.local @!p1 [hbm:s22], $0x10  }
0x32: {  	s20 =	simm.s32 @!p1 $0x3  }
0x33: {  	_ =	swait.ge @!p1 [sflag:s20], $0x10  }
0x34: {  	[sflag:s20] =	ssyncset.done @!p1 $0x0  }
0x35: {  	[sflag:s20] =	ssyncadd.s32 @!p1 $0xFFFFFFF0  }
0x36: {  	_ =	swait.ge [sflag:s31], $0x800  }
0x37: {  	[sflag:s31] =	ssyncset.done $0x0  }
0x38: {  	[sflag:s31] =	ssyncadd.s32 $0xFFFFF800  }
0x39: {  	_ =	swait.ge [sflag:s31], $0x4000  }
0x3a: {  	[sflag:s31] =	ssyncset.done $0x0  }
0x3b: {  	[sflag:s31] =	ssyncadd.s32 $0xFFFFC000  }
0x3c: {  	_ =	swait.ge [sflag:s31], $0x4000  }
0x3d: {  	[sflag:s31] =	ssyncset.done $0x0  }
0x3e: {  	[sflag:s31] =	ssyncadd.s32 $0xFFFFC000  }
0x3f: {  	[bflag:$0x0] =	sbarrier.arrive $0xFFFF  }
0x40: {  	[tilespmem:s0], [sflag:$0x1] =	stream.linear.gather [hbm4b:s14+s2], $0x4000, $0x38;
	[tilespmem:$0x141C0] =	vst v63  }
0x41: {  	_ = 	snop  }
0x42: {  	[tilespmem:s5], [sflag:$0x1] =	stream.linear.gather [hbm4b:s15+s2], $0x4000, $0x38;
	[tilespmem:$0x141C0] =	vst v63  }
0x43: {  	_ = 	snop  }
0x44: {  	[spmem:s1] =	stream.indirect.scatter.add.f32 [tilespmem:s2], [sflag:$0x2], $0x1, s26, s0, $0xb8;
	[tilespmem:$0x141C0] =	vst v63  }
0x45: {  	_ =	swait.ge [sflag:s6], $0x4000  }
0x46: {  	[sflag:s6] =	ssyncset.done $0x0  }
0x47: {  	[sflag:s6] =	ssyncadd.s32 $0xFFFFC000  }
0x48: {  	_ =	swait.ge [sflag:s31], $0x4000  }
0x49: {  	[sflag:s31] =	ssyncset.done $0x0  }
0x4a: {  	[sflag:s31] =	ssyncadd.s32 $0xFFFFC000  }
0x4b: {  	_ =	swait.ge [sflag:s31], $0x4000  }
0x4c: {  	[sflag:s31] =	ssyncset.done $0x0  }
0x4d: {  	[sflag:s31] =	ssyncadd.s32 $0xFFFFC000  }
0x4e: {  	[tilespmem:s2], [sflag:$0x1] =	stream.linear.gather [hbm4b:s16+s2], $0x4000, $0x38;
	[tilespmem:$0x141C0] =	vst v63  }
0x4f: {  	_ = 	snop  }
0x50: {  	[tilespmem:s26], [sflag:$0x1] =	stream.linear.gather [hbm4b:s17+s2], $0x4000, $0x38;
	[tilespmem:$0x141C0] =	vst v63  }
0x51: {  	_ = 	snop  }
0x52: {  	[spmem:s1] =	stream.indirect.scatter.add.f32 [tilespmem:s0], [sflag:$0x2], $0x1, s5, s0, $0xb8;
	[tilespmem:$0x141C0] =	vst v63  }
0x53: {  	_ =	swait.ge [sflag:s6], $0x4000  }
0x54: {  	[sflag:s6] =	ssyncset.done $0x0  }
0x55: {  	[sflag:s6] =	ssyncadd.s32 $0xFFFFC000  }
0x56: {  	_ =	swait.ge [sflag:s31], $0x4000  }
0x57: {  	[sflag:s31] =	ssyncset.done $0x0  }
0x58: {  	[sflag:s31] =	ssyncadd.s32 $0xFFFFC000  }
0x59: {  	_ =	swait.ge [sflag:s31], $0x4000  }
0x5a: {  	[sflag:s31] =	ssyncset.done $0x0  }
0x5b: {  	[sflag:s31] =	ssyncadd.s32 $0xFFFFC000  }
0x5c: {  	[tilespmem:s0], [sflag:$0x1] =	stream.linear.gather [hbm4b:s18+s2], $0x4000, $0x38;
	[tilespmem:$0x141C0] =	vst v63  }
0x5d: {  	_ = 	snop  }
0x5e: {  	[tilespmem:s5], [sflag:$0x1] =	stream.linear.gather [hbm4b:s19+s2], $0x4000, $0x38;
	[tilespmem:$0x141C0] =	vst v63  }
0x5f: {  	_ = 	snop  }
0x60: {  	[spmem:s1] =	stream.indirect.scatter.add.f32 [tilespmem:s2], [sflag:$0x2], $0x1, s26, s0, $0xb8;
	[tilespmem:$0x141C0] =	vst v63  }
0x61: {  	_ =	swait.ge [sflag:s6], $0x4000  }
0x62: {  	[sflag:s6] =	ssyncset.done $0x0  }
0x63: {  	[sflag:s6] =	ssyncadd.s32 $0xFFFFC000  }
0x64: {  	_ =	swait.ge [sflag:s31], $0x4000  }
0x65: {  	[sflag:s31] =	ssyncset.done $0x0  }
0x66: {  	[sflag:s31] =	ssyncadd.s32 $0xFFFFC000  }
0x67: {  	_ =	swait.ge [sflag:s31], $0x4000  }
0x68: {  	[sflag:s31] =	ssyncset.done $0x0  }
0x69: {  	[sflag:s31] =	ssyncadd.s32 $0xFFFFC000  }
0x6a: {  	[spmem:s1] =	stream.indirect.scatter.add.f32 [tilespmem:s0], [sflag:$0x2], $0x1, s5, s0, $0xb8;
	[tilespmem:$0x141C0] =	vst v63  }
0x6b: {  	_ =	swait.ge [sflag:s6], $0x4000  }
0x6c: {  	[sflag:s6] =	ssyncset.done $0x0  }
0x6d: {  	[sflag:s6] =	ssyncadd.s32 $0xFFFFC000  }
0x6e: {  	[spmem:s1] =	stream.indirect.scatter.add.f32 [tilespmem:s30], [sflag:$0x2], $0x1, s28, s3, $0xb8;
	[tilespmem:$0x141C0] =	vst v63  }
0x6f: {  	s23 =	simm.s32 $0x10080  }
0x70: {  	[spmem:s1] =	stream.indirect.scatter.add.f32 [tilespmem:s30], [sflag:$0x2], $0x1, s23, s3, $0xb8;
	[tilespmem:$0x141C0] =	vst v63  }
0x71: {  	_ =	swait.ge [sflag:s6], $0x80  }
0x72: {  	[sflag:s6] =	ssyncset.done $0x0  }
0x73: {  	[sflag:s6] =	ssyncadd.s32 $0xFFFFFF80  }
.Ltmp2:
0x74: {  	_ =	swait.ge [sflag:s6], $0x80;
	(pc) =	sbr.rel @!p0 .LBB2_2-.Ltmp2, $4  }
0x75: {  	[sflag:s6] =	ssyncset.done $0x0  }
0x76: {  	[sflag:s6] =	ssyncadd.s32 $0xFFFFFF80  }
0x77: {  	[bflag:$0x0] =	sbarrier.arrive $0xFFFF  }
0x78: {  	s20 =	sor.u32 $0x1C03, s8  }
0x79: {  	s20 =	sor.u32 $0x1C03, s8;
	s23 =	rddreg [dreg:$0x8]  }
0x7a: {  	[hbm:s23], [sflag:s20] =	dma.local [spmem:s24], $0x800  }
.Ltmp3:
0x7b: {  	_ = 	snop;
	(pc) =	sbr.rel @p1 .LBB2_5-.Ltmp3, $4  }
.Ltmp4:
0x7c: {  	_ = 	snop;
	(pc) =	sbr.rel @!p1 .LBB2_4-.Ltmp4, $4  }
0x7d: {  	_ =	swait.ge [sflag:s29], $0x800  }
0x7e: {  	[sflag:s29] =	ssyncset.done $0x0  }
0x7f: {  	s24 =	rddreg [dreg:$0x5];
	[sflag:s29] =	ssyncadd.s32 $0xFFFFF800  }
0x80: {  	_ = 	snop  }
.LBB2_2:
0x81: {  	s23 =	rddreg [dreg:$0x7]  }
0x82: {  	[hbm:s23], [sflag:s20] =	dma.local [spmem:s24], $0x800  }
.Ltmp5:
0x83: {  	_ = 	snop;
	(pc) =	sbr.rel @p2 .LBB2_4-.Ltmp5, $4  }
.Ltmp6:
0x84: {  	_ = 	snop;
	(pc) =	sbr.rel @!p2 .LBB2_5-.Ltmp6, $4  }
0x85: {  	_ =	swait.ge [sflag:s29], $0x800  }
0x86: {  	[sflag:s29] =	ssyncset.done $0x0  }
0x87: {  	s24 =	rddreg [dreg:$0x4];
	[sflag:s29] =	ssyncadd.s32 $0xFFFFF800  }
0x88: {  	_ = 	snop  }
.LBB2_6:
0x89: {  	_ =	sfence.sel $0x180000  }
0x8a: {  	[bflag:$0x0] =	sbarrier.arrive $0xFFFF  }
0x8b: {  	_ =	strace $0x90000047  }
0x8c: {  	s0 =	stileid.u32;
	[bflag:$0x2] =	sbarrier.arrive $0xFFFF  }
0x8d: {  	p0 =	sne.s32 s0, $0x0;
	s0 =	rddreg [dreg:$0x3]  }
0x8e: {  	s0 =	sadd.s32 @!p0 $0x100000, s0  }
0x8f: {  	[sflag:s0] =	ssyncadd.tile.s32 @!p0 $0x1;
	_ =	shalt  }
.Lfunc_end2:
_tile_overlayer_lowered:
.L_overlay_start_2:
0x90: {  	(tag) =	ssettag $0x2  }
0x91: {  	s0 =	rddreg [dreg:$0x0];
	s2 =	stileid.u32  }
0x92: {  	s1 =	rddreg [dreg:$0x1];
	p0 =	sne.s32 s2, $0x0  }
0x93: {  	s3 =	rddreg [dreg:$0x2];
	[bflag:$0x3] =	sbarrier.arrive $0xFFFF;
	s2 =	simm.s32 @!p0 $0x1C03  }
0x94: {  	[timem:s3], [sflag:s2] =	dma.local @!p0 [hbm:s0], s1  }
0x95: {  	s0 =	simm.s32 @!p0 $0x3  }
0x96: {  	_ =	swait.ge @!p0 [sflag:s0], s1  }
0x97: {  	s1 =	ssub.s32 @!p0 $0x0, s1;
	[sflag:s0] =	ssyncset.done @!p0 $0x0  }
0x98: {  	[sflag:s0] =	ssyncadd.s32 @!p0 s1  }
0x99: {  	[bflag:$0x3] =	sbarrier.arrive $0xFFFF  }
0x9a: {  	_ =	shalt  }

// kernel: kernel.17.cloned.1.call-start
scs
__scs_entry_jumppad:
0x0: {  	(pc) =	sbr.rel $0x88, $3  }
0x1: {  	(tag) =	ssettag $0x0;
	lr =	simm.s32 $0x1  }
0x2: {  	[smem:$0x3FA0] =	sst lr;
	_ =	strace $0xD0000000  }
0x3: {  	_ = 	snop  }
0x4: {  	_ = 	snop  }
0x5: {  	_ = 	snop  }
0x6: {  	_ = 	snop  }
0x7: {  	_ = 	snop  }
__scs_overlays_trampoline_lowered:
0x8: {  	[smem:$0x3FAF] =	sst s0  }
0x9: {  	[smem:$0x3FB0] =	sst s1  }
0xa: {  	[smem:$0x3FB1] =	sst s2  }
0xb: {  	[smem:$0x3FB2] =	sst s3  }
0xc: {  	[smem:$0x3FB3] =	sst s4  }
0xd: {  	[smem:$0x3FB4] =	sst s5  }
0xe: {  	[smem:$0x3FB5] =	sst s6  }
0xf: {  	[smem:$0x3FB6] =	sst s7  }
0x10: {  	[smem:$0x3FB7] =	sst s8  }
0x11: {  	[smem:$0x3FB8] =	sst s9;
	s0 =	simm.s32 @!p0 $0x0  }
0x12: {  	s1 =	sld [smem:$0x3F9E];
	s0 =	simm.s32 @p0 $0x1  }
0x13: {  	[smem:$0x3FB9] =	sst s0;
	s0 =	simm.s32 @!p1 $0x0  }
0x14: {  	s2 =	sld [smem:$0x3F9D];
	s0 =	simm.s32 @p1 $0x1  }
0x15: {  	[smem:$0x3FBA] =	sst s0;
	s0 =	simm.s32 @!p2 $0x0  }
0x16: {  	s3 =	sld [smem:$0x3FDB];
	s0 =	simm.s32 @p2 $0x1  }
0x17: {  	s4 =	simm.s32 $0x1BF5;
	[smem:$0x3FBC] =	sst s0  }
0x18: {  	s0 =	sld [smem:$0x3F9F];
	_ =	swait.ge [sflag:s4], $0x0  }
0x19: {  	s7 =	sld [smem:$0x3FA0]  }
0x1a: {  	s8 =	sadd.s32 $0xFFFFE003, lr  }
0x1b: {  	s9 =	sadd.s32 $0xFFFFFEF7, lr;
	s5 =	simm.s32 $0xFFFFFFFF;
	p2 =	slt.u32 s8, $0xFFFFF086  }
0x1c: {  	p1 =	slt.u32 s9, $0xF7A;
	s5 =	simm.s32 @!p2 $0x0  }
0x1d: {  	s5 =	simm.s32 @p1 $0x1;
	p0 =	seq.s32 s7, s2  }
0x1e: {  	s7 =	smul.u32 @!p0 $0xF7A, s2;
	p2 =	seq.s32 @!p0 s5, $0x0  }
0x1f: {  	s9 =	smul.u32 $0xF7A, s1;
	s8 =	simm.s32 @!p0 $0x1BF5;
	p2 =	por !p2, p0  }
0x20: {  	[sflag:s8] =	ssyncset.s32 @!p0 $0xFFFFF086;
	s6 =	sadd.s32 @!p0 s3, s7;
	s7 =	simm.s32 @!p0 $0x108  }
0x21: {  	s3 =	sadd.s32 s3, s9;
	s6 =	sadd.s32 @!p0 $0x88, s6;
	s7 =	simm.s32 @p2 $0x1082  }
0x22: {  	[simem:s7], [sflag:s8] =	dma.local @!p0 [hbm:s6], $0xF7A  }
0x23: {  	s9 =	sor.u32 $0xD0000000, s2;
	s6 =	simm.s32 $0x108;
	_ =	swait.ge @!p0 [sflag:s8], $0x0  }
0x24: {  	s3 =	sadd.s32 $0x88, s3;
	s6 =	simm.s32 @!p1 $0x1082;
	[sflag:s4] =	ssyncset.s32 $0xFFFFF086  }
0x25: {  	[simem:s6], [sflag:s4] =	dma.local [hbm:s3], $0xF7A  }
0x26: {  	[smem:$0x3FA0] =	sst s1;
	(tag) =	ssettag s2;
	_ =	strace s9  }
0x27: {  	s1 =	sld [smem:$0x3FB0]  }
0x28: {  	s2 =	sld [smem:$0x3FB1]  }
0x29: {  	s4 =	sld [smem:$0x3FB3]  }
0x2a: {  	p0 =	seq.s32 s5, $0x0;
	s5 =	sld [smem:$0x3FB4]  }
0x2b: {  	s6 =	sld [smem:$0x3FB5]  }
0x2c: {  	s7 =	sld [smem:$0x3FB6]  }
0x2d: {  	s3 =	simm.s32 $0x108;
	s8 =	sld [smem:$0x3FB7]  }
0x2e: {  	s3 =	simm.s32 @!p0 $0x1082;
	s9 =	sld [smem:$0x3FB8]  }
0x2f: {  	lr =	sadd.s32 s0, s3;
	s0 =	sld [smem:$0x3FAF]  }
0x30: {  	s3 =	sld [smem:$0x3FB2]  }
0x31: {  	[smem:$0x3FBB] =	sst s10  }
0x32: {  	s10 =	sld [smem:$0x3FB9];
	_ =	sdelay $0x3  }
0x33: {  	p0 =	seq.s32 s10, $0x1;
	s10 =	sld [smem:$0x3FBB];
	_ =	sdelay $0x3  }
0x34: {  	[smem:$0x3FBB] =	sst s10  }
0x35: {  	s10 =	sld [smem:$0x3FBA];
	_ =	sdelay $0x3  }
0x36: {  	p1 =	seq.s32 s10, $0x1;
	s10 =	sld [smem:$0x3FBB];
	_ =	sdelay $0x3  }
0x37: {  	[smem:$0x3FBB] =	sst s10  }
0x38: {  	s10 =	sld [smem:$0x3FBC]  }
0x39: {  	_ = 	snop;
	(pc) =	sbr.ind lr, $3  }
0x3a: {  	_ = 	snop  }
0x3b: {  	_ = 	snop  }
0x3c: {  	p2 =	seq.s32 s10, $0x1;
	s10 =	sld [smem:$0x3FBB]  }
0x3d: {  	_ =	shalt  }
0x3e: {  	_ =	shalt  }
0x3f: {  	_ =	shalt  }
0x40: {  	_ =	shalt  }
0x41: {  	_ =	shalt  }
0x42: {  	_ =	shalt  }
0x43: {  	_ =	shalt  }
0x44: {  	_ =	shalt  }
0x45: {  	_ =	shalt  }
0x46: {  	_ =	shalt  }
0x47: {  	_ =	shalt  }
0x48: {  	_ =	shalt  }
0x49: {  	_ =	shalt  }
0x4a: {  	_ =	shalt  }
0x4b: {  	_ =	shalt  }
0x4c: {  	_ =	shalt  }
0x4d: {  	_ =	shalt  }
0x4e: {  	_ =	shalt  }
0x4f: {  	_ =	shalt  }
0x50: {  	_ =	shalt  }
0x51: {  	_ =	shalt  }
0x52: {  	_ =	shalt  }
0x53: {  	_ =	shalt  }
0x54: {  	_ =	shalt  }
0x55: {  	_ =	shalt  }
0x56: {  	_ =	shalt  }
0x57: {  	_ =	shalt  }
0x58: {  	_ =	shalt  }
0x59: {  	_ =	shalt  }
0x5a: {  	_ =	shalt  }
0x5b: {  	_ =	shalt  }
0x5c: {  	_ =	shalt  }
0x5d: {  	_ =	shalt  }
0x5e: {  	_ =	shalt  }
0x5f: {  	_ =	shalt  }
0x60: {  	_ =	shalt  }
0x61: {  	_ =	shalt  }
0x62: {  	_ =	shalt  }
0x63: {  	_ =	shalt  }
0x64: {  	_ =	shalt  }
0x65: {  	_ =	shalt  }
0x66: {  	_ =	shalt  }
0x67: {  	_ =	shalt  }
0x68: {  	_ =	shalt  }
0x69: {  	_ =	shalt  }
0x6a: {  	_ =	shalt  }
0x6b: {  	_ =	shalt  }
0x6c: {  	_ =	shalt  }
0x6d: {  	_ =	shalt  }
0x6e: {  	_ =	shalt  }
0x6f: {  	_ =	shalt  }
0x70: {  	_ =	shalt  }
0x71: {  	_ =	shalt  }
0x72: {  	_ =	shalt  }
0x73: {  	_ =	shalt  }
0x74: {  	_ =	shalt  }
0x75: {  	_ =	shalt  }
0x76: {  	_ =	shalt  }
0x77: {  	_ =	shalt  }
0x78: {  	_ =	shalt  }
0x79: {  	_ =	shalt  }
0x7a: {  	_ =	shalt  }
0x7b: {  	_ =	shalt  }
0x7c: {  	_ =	shalt  }
0x7d: {  	_ =	shalt  }
0x7e: {  	_ =	shalt  }
0x7f: {  	_ =	shalt  }
0x80: {  	_ =	shalt  }
0x81: {  	_ =	shalt  }
0x82: {  	_ =	shalt  }
0x83: {  	_ =	shalt  }
0x84: {  	_ =	shalt  }
0x85: {  	_ =	shalt  }
0x86: {  	_ =	shalt  }
0x87: {  	_ =	shalt  }
.Lfunc_end0:
.L_simem_size_0:
called_computation.1_lowered:
.L_overlay_start_0:
0x88: {  	s2 =	sld [smem:$0x3FD9]  }
0x89: {  	s3 =	sld [smem:$0x3FFE];
	_ =	sdelay $0x1  }
0x8a: {  	s1 =	srdreg.scid  }
0x8b: {  	s0 =	sand.u32 $0x1, s1  }
0x8c: {  	s17 =	sshll.u32 s0, $0xA;
	s2 =	sadd.s32 s3, s2  }
0x8d: {  	s2 =	sadd.s32 s2, s17  }
0x8e: {  	[smem:$0x3FC7] =	sst s2  }
0x8f: {  	_ = 	snop  }
0x90: {  	s2 =	sld [smem:$0x3FD0];
	(tm) =	ssettm $0x1  }
0x91: {  	s18 =	sld [smem:$0x3FFB];
	_ =	sdelay $0x3  }
0x92: {  	_ =	strace s18  }
0x93: {  	s3 =	sld [smem:$0x3FFC];
	_ =	sdelay $0x3  }
0x94: {  	_ =	strace s3  }
0x95: {  	s3 =	sld [smem:$0x3FFD];
	_ =	sdelay $0x3  }
0x96: {  	_ =	strace s3  }
0x97: {  	_ =	strace $0x8FFFFFFF  }
0x98: {  	s19 =	sld [smem:$0x3FDB];
	_ =	sdelay $0x1  }
0x99: {  	s4 =	simm.s32 $_scs_section_size  }
0x9a: {  	s5 =	simm.s32 $_size__tile_overlayer_lowered;
	s6 =	simm.s32 $_tile_overlayer_lowered  }
0x9b: {  	s22 =	simm.s32 $0x1BFF;
	s21 =	sshll.u32 s6, $0x1;
	s3 =	sadd.s32 s4, s19  }
0x9c: {  	s7 =	simm.s32 $0x0;
	s20 =	sshll.u32 s5, $0x1;
	s5 =	sadd.s32 s21, s3  }
0x9d: {  	[timem:s7], [sflag:s22] =	dma.local [hbm:s5], s20  }
0x9e: {  	_ =	swait.ge [sflag:s22], s20  }
0x9f: {  	s4 =	ssub.s32 $0x0, s20;
	[sflag:s22] =	ssyncset.done $0x0  }
0xa0: {  	[sflag:s22] =	ssyncadd.s32 s4;
	_ =	sdelay $0x1  }
0xa1: {  	s23 =	simm.s32 $0x1B8B  }
0xa2: {  	_ =	swait.ge [sflag:s23], $0x1  }
0xa3: {  	[sflag:s23] =	ssyncset.done $0x0  }
0xa4: {  	s25 =	simm.s32 $0x1B8E;
	s24 =	sld [smem:$0x3FFE];
	[sflag:s23] =	ssyncadd.s32 $0xFFFFFFFF  }
0xa5: {  	s26 =	simm.s32 $execute0_lowered;
	[smem:$0x3FD2] =	sst s25  }
0xa6: {  	s5 =	sshll.u32 s26, $0x1;
	_ =	strace $0x80000049;
	[dreg:$0x1] =	wrdreg $0xFFFFFFFF  }
0xa7: {  	s28 =	simm.s32 $_size_execute0_lowered;
	s3 =	sadd.s32 s3, s5;
	[dreg:$0x0] =	wrdreg $0x0  }
0xa8: {  	s5 =	sshll.u32 s28, $0x1;
	[dreg:$0x2] =	wrdreg s3  }
0xa9: {  	[dreg:$0x3] =	wrdreg s5  }
0xaa: {  	[dreg:$0x4] =	wrdreg $0xC0  }
0xab: {  	_ =	task [dreg:s7], $0x5FFFF  }
0xac: {  	[dreg:$0x1] =	wrdreg $0xFFFFFFFF  }
0xad: {  	[dreg:$0x0] =	wrdreg $0x60  }
0xae: {  	[dreg:$0x2] =	wrdreg s24  }
0xaf: {  	[dreg:$0x3] =	wrdreg s2  }
0xb0: {  	[dreg:$0x4] =	wrdreg $0x101800  }
0xb1: {  	[dreg:$0x5] =	wrdreg $0x9  }
0xb2: {  	_ =	task.clear_ibuf [dreg:s7], $0x6FFFF;
	_ =	strace $0x90000049  }
0xb3: {  	s29 =	simm.s32 $0x9;
	_ =	strace $0x8000004B  }
0xb4: {  	_ =	swait.ge [sflag:s29], $0x1  }
0xb5: {  	[sflag:s29] =	ssyncadd.s32 $0xFFFFFFFF  }
0xb6: {  	_ =	strace $0x9000004B  }
0xb7: {  	_ =	sfence  }
0xb8: {  	s30 =	sld [smem:$0x0];
	_ =	sdelay $0x2  }
0xb9: {  	s31 =	sshll.u32 s1, $0xD;
	s1 =	sshrl.u32 s1, $0x2  }
0xba: {  	s3 =	sand.u32 $0x4000, s31;
	s1 =	sadd.s32 s1, s30  }
0xbb: {  	s0 =	sor.u32 s3, s0;
	s1 =	sshll.u32 s1, $0x11  }
0xbc: {  	s0 =	sor.u32 s1, s0  }
0xbd: {  	s0 =	sadd.s32 $0x8F2B, s0  }
0xbe: {  	[sflag:s0] =	ssyncadd.remote.s32 $0x1  }
0xbf: {  	_ =	sfence.sel $0xFFFF  }
0xc0: {  	[dreg:$0x0] =	wrdreg $0xFFFFFFFF;
	(pc) =	sbr.abs _section_cstart, $3  }
0xc1: {  	[dreg:$0x1] =	wrdreg $0xFFFFFFFF  }
0xc2: {  	_ =	task.clear_ibuf [dreg:s7], $0x2FFFF;
	_ =	strace $0x9FFFFFFF  }
0xc3: {  	(tm) =	ssettm $0x7FFFFFFF  }
tec
execute0_lowered:
.L_overlay_start_1:
0x0: {  	(tag) =	ssettag $0x1  }
0x1: {  	s0 =	rddreg [dreg:$0x0]  }
0x2: {  	s3 =	rddreg [dreg:$0x1]  }
0x3: {  	s1 =	rddreg [dreg:$0x2];
	s2 =	simm.s32 $0x0  }
0x4: {  	s26 =	stileid.u32;
	s7 =	srdreg.scid;
	s28 =	simm.s32 $0x10000  }
0x5: {  	s29 =	simm.s32 $0x3;
	s30 =	simm.s32 $0x10100;
	s31 =	simm.s32 $0x1  }
0x6: {  	[smem:$0x7FF] =	sst s2;
	s5 =	sadd.s32 $0x46400, s0;
	s6 =	sadd.s32 $0x6400, s0  }
0x7: {  	s20 =	sadd.s32 $0x86600, s0;
	s4 =	sadd.s32 $0x86400, s0;
	s9 =	sshll.u32 s26, $0xB  }
0x8: {  	s23 =	sand.u32 $0x1, s7;
	s16 =	sadd.s32 $0x9E600, s0;
	s8 =	sshll.u32 s26, $0x1  }
0x9: {  	s19 =	sshll.u32 s26, $0xE;
	s14 =	sshll.u32 s26, $0x7;
	s22 =	sshll.u32 s26, $0x4  }
0xa: {  	p1 =	sgt.u32 s26, $0x7;
	p2 =	slt.u32 s26, $0x8;
	_ =	strace $0x8000004A  }
0xb: {  	[dreg:$0x4] =	wrdreg s16;
	s24 =	sadd.s32 s9, s0;
	s17 =	ssub.s32 $0x2, s23  }
0xc: {  	s0 =	sadd.s32 $0x9E800, s0;
	s13 =	sor.u32 s23, s8;
	s7 =	sadd.s32 s19, s1  }
0xd: {  	s8 =	sshll.u32 s26, $0x6;
	s9 =	sadd.s32 s20, s9;
	s21 =	sadd.s32 s14, s1  }
0xe: {  	[dreg:$0x6] =	wrdreg s22;
	s22 =	sadd.s32 s20, s22;
	p0 =	seq.s32 s23, $0x1  }
0xf: {  	s26 =	simm.s32 $0x8000;
	[dreg:$0x5] =	wrdreg s0;
	s18 =	sshrl.u32 s17, $0x1  }
0x10: {  	s10 =	sor.u32 $0x1C01, s8;
	s21 =	sadd.s32 $0x40000, s21;
	s23 =	sadd.s32 $0x8E600, s24  }
0x11: {  	s25 =	sadd.s32 $0x96600, s24;
	s0 =	ssub.s32 s17, s18;
	[dreg:$0x7] =	wrdreg s23  }
0x12: {  	s18 =	sshll.u32 s13, $0xD;
	s13 =	sshll.u32 s13, $0x5;
	[dreg:$0x8] =	wrdreg s25  }
0x13: {  	s11 =	sadd.s32 s5, s18;
	s12 =	sadd.s32 s6, s18;
	s13 =	sadd.s32 s3, s13  }
.Ltmp0:
0x14: {  	s15 =	sor.u32 $0x800, s18;
	s17 =	sor.u32 $0x1000, s18;
	(pc) =	sbr.rel .LBB2_1-.Ltmp0, $4  }
0x15: {  	s19 =	sor.u32 $0x1800, s18;
	s25 =	smax.u32 s0, $0x1;
	s0 =	simm.s32 $0x4000  }
0x16: {  	s3 =	simm.s32 $0x80;
	s14 =	sadd.s32 s5, s15;
	s15 =	sadd.s32 s6, s15  }
0x17: {  	s16 =	sadd.s32 s5, s17;
	s17 =	sadd.s32 s6, s17;
	s18 =	sadd.s32 s5, s19  }
0x18: {  	s19 =	sadd.s32 s6, s19;
	s5 =	simm.s32 $0xC000;
	s6 =	simm.s32 $0x2  }
.LBB2_4:
0x19: {  	s23 =	rddreg [dreg:$0x6]  }
0x1a: {  	s23 =	sadd.s32 s24, s23;
	s24 =	sshrl.u32 s21, $0x3  }
0x1b: {  	[hbm:s23], [sflag:s20] =	dma.local [spmem:s24], $0x10  }
0x1c: {  	_ =	swait.ge [sflag:s29], $0x10  }
0x1d: {  	[sflag:s29] =	ssyncset.done $0x0  }
0x1e: {  	[sflag:s29] =	ssyncadd.s32 $0xFFFFFFF0  }
.LBB2_5:
0x1f: {  	s25 =	sadd.s32 $0xFFFFFFFF, s25  }
0x20: {  	p3 =	sne.s32 s25, $0x0  }
.Ltmp1:
0x21: {  	_ = 	snop;
	(pc) =	sbr.rel @!p3 .LBB2_6-.Ltmp1, $1  }
0x22: {  	_ =	sdelay $0x3  }
.LBB2_1:
0x23: {  	s24 =	sshrl.u32 s7, $0x3  }
0x24: {  	[spmem:s24], [sflag:s10] =	dma.local [hbm:s9], $0x800  }
0x25: {  	[tilespmem:s2], [sflag:$0x1] =	stream.linear.gather [hbm4b:s11+s2], $0x4000, $0x38;
	[tilespmem:$0x141C0] =	vst v63  }
0x26: {  	_ = 	snop  }
0x27: {  	[tilespmem:s26], [sflag:$0x1] =	stream.linear.gather [hbm4b:s12+s2], $0x4000, $0x38;
	[tilespmem:$0x141C0] =	vst v63  }
0x28: {  	_ = 	snop  }
0x29: {  	[tilespmem:s28], [sflag:$0x3] =	stream.linear.gather [hbm4b:s13+s2], $0x100, $0x38;
	[tilespmem:$0x141C0] =	vst v63  }
0x2a: {  	_ =	swait.ge [sflag:s29], $0x100  }
0x2b: {  	[sflag:s29] =	ssyncset.done $0x0  }
0x2c: {  	[sflag:s29] =	ssyncadd.s32 $0xFFFFFF00  }
0x2d: {  	[tilespmem:s30], [sflag:$0x3] =	stream.linear.gather [hbm4b:s4+s2], $0x80, $0x38;
	[tilespmem:$0x141C0] =	vst v63  }
0x2e: {  	s20 =	stileid.u32;
	_ =	swait.ge [sflag:s29], $0x80  }
0x2f: {  	s20 =	sshll.u32 @!p1 s20, $0x6;
	[sflag:s29] =	ssyncset.done $0x0  }
0x30: {  	s23 =	sshrl.u32 @!p1 s21, $0x3;
	s20 =	sor.u32 @!p1 $0x1C03, s20;
	[sflag:s29] =	ssyncadd.s32 $0xFFFFFF80  }
0x31: {  	[spmem:s23], [sflag:s20] =	dma.local @!p1 [hbm:s22], $0x10  }
0x32: {  	s20 =	simm.s32 @!p1 $0x3  }
0x33: {  	_ =	swait.ge @!p1 [sflag:s20], $0x10  }
0x34: {  	[sflag:s20] =	ssyncset.done @!p1 $0x0  }
0x35: {  	[sflag:s20] =	ssyncadd.s32 @!p1 $0xFFFFFFF0  }
0x36: {  	_ =	swait.ge [sflag:s31], $0x800  }
0x37: {  	[sflag:s31] =	ssyncset.done $0x0  }
0x38: {  	[sflag:s31] =	ssyncadd.s32 $0xFFFFF800  }
0x39: {  	_ =	swait.ge [sflag:s31], $0x4000  }
0x3a: {  	[sflag:s31] =	ssyncset.done $0x0  }
0x3b: {  	[sflag:s31] =	ssyncadd.s32 $0xFFFFC000  }
0x3c: {  	_ =	swait.ge [sflag:s31], $0x4000  }
0x3d: {  	[sflag:s31] =	ssyncset.done $0x0  }
0x3e: {  	[sflag:s31] =	ssyncadd.s32 $0xFFFFC000  }
0x3f: {  	[bflag:$0x0] =	sbarrier.arrive $0xFFFF  }
0x40: {  	[tilespmem:s0], [sflag:$0x1] =	stream.linear.gather [hbm4b:s14+s2], $0x4000, $0x38;
	[tilespmem:$0x141C0] =	vst v63  }
0x41: {  	_ = 	snop  }
0x42: {  	[tilespmem:s5], [sflag:$0x1] =	stream.linear.gather [hbm4b:s15+s2], $0x4000, $0x38;
	[tilespmem:$0x141C0] =	vst v63  }
0x43: {  	_ = 	snop  }
0x44: {  	[spmem:s1] =	stream.indirect.scatter.add.f32 [tilespmem:s2], [sflag:$0x2], $0x1, s26, s0, $0xb8;
	[tilespmem:$0x141C0] =	vst v63  }
0x45: {  	_ =	swait.ge [sflag:s6], $0x4000  }
0x46: {  	[sflag:s6] =	ssyncset.done $0x0  }
0x47: {  	[sflag:s6] =	ssyncadd.s32 $0xFFFFC000  }
0x48: {  	_ =	swait.ge [sflag:s31], $0x4000  }
0x49: {  	[sflag:s31] =	ssyncset.done $0x0  }
0x4a: {  	[sflag:s31] =	ssyncadd.s32 $0xFFFFC000  }
0x4b: {  	_ =	swait.ge [sflag:s31], $0x4000  }
0x4c: {  	[sflag:s31] =	ssyncset.done $0x0  }
0x4d: {  	[sflag:s31] =	ssyncadd.s32 $0xFFFFC000  }
0x4e: {  	[tilespmem:s2], [sflag:$0x1] =	stream.linear.gather [hbm4b:s16+s2], $0x4000, $0x38;
	[tilespmem:$0x141C0] =	vst v63  }
0x4f: {  	_ = 	snop  }
0x50: {  	[tilespmem:s26], [sflag:$0x1] =	stream.linear.gather [hbm4b:s17+s2], $0x4000, $0x38;
	[tilespmem:$0x141C0] =	vst v63  }
0x51: {  	_ = 	snop  }
0x52: {  	[spmem:s1] =	stream.indirect.scatter.add.f32 [tilespmem:s0], [sflag:$0x2], $0x1, s5, s0, $0xb8;
	[tilespmem:$0x141C0] =	vst v63  }
0x53: {  	_ =	swait.ge [sflag:s6], $0x4000  }
0x54: {  	[sflag:s6] =	ssyncset.done $0x0  }
0x55: {  	[sflag:s6] =	ssyncadd.s32 $0xFFFFC000  }
0x56: {  	_ =	swait.ge [sflag:s31], $0x4000  }
0x57: {  	[sflag:s31] =	ssyncset.done $0x0  }
0x58: {  	[sflag:s31] =	ssyncadd.s32 $0xFFFFC000  }
0x59: {  	_ =	swait.ge [sflag:s31], $0x4000  }
0x5a: {  	[sflag:s31] =	ssyncset.done $0x0  }
0x5b: {  	[sflag:s31] =	ssyncadd.s32 $0xFFFFC000  }
0x5c: {  	[tilespmem:s0], [sflag:$0x1] =	stream.linear.gather [hbm4b:s18+s2], $0x4000, $0x38;
	[tilespmem:$0x141C0] =	vst v63  }
0x5d: {  	_ = 	snop  }
0x5e: {  	[tilespmem:s5], [sflag:$0x1] =	stream.linear.gather [hbm4b:s19+s2], $0x4000, $0x38;
	[tilespmem:$0x141C0] =	vst v63  }
0x5f: {  	_ = 	snop  }
0x60: {  	[spmem:s1] =	stream.indirect.scatter.add.f32 [tilespmem:s2], [sflag:$0x2], $0x1, s26, s0, $0xb8;
	[tilespmem:$0x141C0] =	vst v63  }
0x61: {  	_ =	swait.ge [sflag:s6], $0x4000  }
0x62: {  	[sflag:s6] =	ssyncset.done $0x0  }
0x63: {  	[sflag:s6] =	ssyncadd.s32 $0xFFFFC000  }
0x64: {  	_ =	swait.ge [sflag:s31], $0x4000  }
0x65: {  	[sflag:s31] =	ssyncset.done $0x0  }
0x66: {  	[sflag:s31] =	ssyncadd.s32 $0xFFFFC000  }
0x67: {  	_ =	swait.ge [sflag:s31], $0x4000  }
0x68: {  	[sflag:s31] =	ssyncset.done $0x0  }
0x69: {  	[sflag:s31] =	ssyncadd.s32 $0xFFFFC000  }
0x6a: {  	[spmem:s1] =	stream.indirect.scatter.add.f32 [tilespmem:s0], [sflag:$0x2], $0x1, s5, s0, $0xb8;
	[tilespmem:$0x141C0] =	vst v63  }
0x6b: {  	_ =	swait.ge [sflag:s6], $0x4000  }
0x6c: {  	[sflag:s6] =	ssyncset.done $0x0  }
0x6d: {  	[sflag:s6] =	ssyncadd.s32 $0xFFFFC000  }
0x6e: {  	[spmem:s1] =	stream.indirect.scatter.add.f32 [tilespmem:s30], [sflag:$0x2], $0x1, s28, s3, $0xb8;
	[tilespmem:$0x141C0] =	vst v63  }
0x6f: {  	s23 =	simm.s32 $0x10080  }
0x70: {  	[spmem:s1] =	stream.indirect.scatter.add.f32 [tilespmem:s30], [sflag:$0x2], $0x1, s23, s3, $0xb8;
	[tilespmem:$0x141C0] =	vst v63  }
0x71: {  	_ =	swait.ge [sflag:s6], $0x80  }
0x72: {  	[sflag:s6] =	ssyncset.done $0x0  }
0x73: {  	[sflag:s6] =	ssyncadd.s32 $0xFFFFFF80  }
.Ltmp2:
0x74: {  	_ =	swait.ge [sflag:s6], $0x80;
	(pc) =	sbr.rel @!p0 .LBB2_2-.Ltmp2, $4  }
0x75: {  	[sflag:s6] =	ssyncset.done $0x0  }
0x76: {  	[sflag:s6] =	ssyncadd.s32 $0xFFFFFF80  }
0x77: {  	[bflag:$0x0] =	sbarrier.arrive $0xFFFF  }
0x78: {  	s20 =	sor.u32 $0x1C03, s8  }
0x79: {  	s20 =	sor.u32 $0x1C03, s8;
	s23 =	rddreg [dreg:$0x8]  }
0x7a: {  	[hbm:s23], [sflag:s20] =	dma.local [spmem:s24], $0x800  }
.Ltmp3:
0x7b: {  	_ = 	snop;
	(pc) =	sbr.rel @p1 .LBB2_5-.Ltmp3, $4  }
.Ltmp4:
0x7c: {  	_ = 	snop;
	(pc) =	sbr.rel @!p1 .LBB2_4-.Ltmp4, $4  }
0x7d: {  	_ =	swait.ge [sflag:s29], $0x800  }
0x7e: {  	[sflag:s29] =	ssyncset.done $0x0  }
0x7f: {  	s24 =	rddreg [dreg:$0x5];
	[sflag:s29] =	ssyncadd.s32 $0xFFFFF800  }
0x80: {  	_ = 	snop  }
.LBB2_2:
0x81: {  	s23 =	rddreg [dreg:$0x7]  }
0x82: {  	[hbm:s23], [sflag:s20] =	dma.local [spmem:s24], $0x800  }
.Ltmp5:
0x83: {  	_ = 	snop;
	(pc) =	sbr.rel @p2 .LBB2_4-.Ltmp5, $4  }
.Ltmp6:
0x84: {  	_ = 	snop;
	(pc) =	sbr.rel @!p2 .LBB2_5-.Ltmp6, $4  }
0x85: {  	_ =	swait.ge [sflag:s29], $0x800  }
0x86: {  	[sflag:s29] =	ssyncset.done $0x0  }
0x87: {  	s24 =	rddreg [dreg:$0x4];
	[sflag:s29] =	ssyncadd.s32 $0xFFFFF800  }
0x88: {  	_ = 	snop  }
.LBB2_6:
0x89: {  	_ =	sfence.sel $0x180000  }
0x8a: {  	[bflag:$0x0] =	sbarrier.arrive $0xFFFF  }
0x8b: {  	_ =	strace $0x9000004A  }
0x8c: {  	s0 =	stileid.u32;
	[bflag:$0x2] =	sbarrier.arrive $0xFFFF  }
0x8d: {  	p0 =	sne.s32 s0, $0x0;
	s0 =	rddreg [dreg:$0x3]  }
0x8e: {  	s0 =	sadd.s32 @!p0 $0x100000, s0  }
0x8f: {  	[sflag:s0] =	ssyncadd.tile.s32 @!p0 $0x1;
	_ =	shalt  }
.Lfunc_end2:
_tile_overlayer_lowered:
.L_overlay_start_2:
0x90: {  	(tag) =	ssettag $0x2  }
0x91: {  	s0 =	rddreg [dreg:$0x0];
	s2 =	stileid.u32  }
0x92: {  	s1 =	rddreg [dreg:$0x1];
	p0 =	sne.s32 s2, $0x0  }
0x93: {  	s3 =	rddreg [dreg:$0x2];
	[bflag:$0x3] =	sbarrier.arrive $0xFFFF;
	s2 =	simm.s32 @!p0 $0x1C03  }
0x94: {  	[timem:s3], [sflag:s2] =	dma.local @!p0 [hbm:s0], s1  }
0x95: {  	s0 =	simm.s32 @!p0 $0x3  }
0x96: {  	_ =	swait.ge @!p0 [sflag:s0], s1  }
0x97: {  	s1 =	ssub.s32 @!p0 $0x0, s1;
	[sflag:s0] =	ssyncset.done @!p0 $0x0  }
0x98: {  	[sflag:s0] =	ssyncadd.s32 @!p0 s1  }
0x99: {  	[bflag:$0x3] =	sbarrier.arrive $0xFFFF  }
0x9a: {  	_ =	shalt  }

// kernel: kernel.20.cloned.1.call-start
scs
__scs_entry_jumppad:
0x0: {  	(pc) =	sbr.rel $0x88, $3  }
0x1: {  	(tag) =	ssettag $0x0;
	lr =	simm.s32 $0x1  }
0x2: {  	[smem:$0x3FA0] =	sst lr;
	_ =	strace $0xD0000000  }
0x3: {  	_ = 	snop  }
0x4: {  	_ = 	snop  }
0x5: {  	_ = 	snop  }
0x6: {  	_ = 	snop  }
0x7: {  	_ = 	snop  }
__scs_overlays_trampoline_lowered:
0x8: {  	[smem:$0x3FAF] =	sst s0  }
0x9: {  	[smem:$0x3FB0] =	sst s1  }
0xa: {  	[smem:$0x3FB1] =	sst s2  }
0xb: {  	[smem:$0x3FB2] =	sst s3  }
0xc: {  	[smem:$0x3FB3] =	sst s4  }
0xd: {  	[smem:$0x3FB4] =	sst s5  }
0xe: {  	[smem:$0x3FB5] =	sst s6  }
0xf: {  	[smem:$0x3FB6] =	sst s7  }
0x10: {  	[smem:$0x3FB7] =	sst s8  }
0x11: {  	[smem:$0x3FB8] =	sst s9;
	s0 =	simm.s32 @!p0 $0x0  }
0x12: {  	s1 =	sld [smem:$0x3F9E];
	s0 =	simm.s32 @p0 $0x1  }
0x13: {  	[smem:$0x3FB9] =	sst s0;
	s0 =	simm.s32 @!p1 $0x0  }
0x14: {  	s2 =	sld [smem:$0x3F9D];
	s0 =	simm.s32 @p1 $0x1  }
0x15: {  	[smem:$0x3FBA] =	sst s0;
	s0 =	simm.s32 @!p2 $0x0  }
0x16: {  	s3 =	sld [smem:$0x3FDB];
	s0 =	simm.s32 @p2 $0x1  }
0x17: {  	s4 =	simm.s32 $0x1BF5;
	[smem:$0x3FBC] =	sst s0  }
0x18: {  	s0 =	sld [smem:$0x3F9F];
	_ =	swait.ge [sflag:s4], $0x0  }
0x19: {  	s7 =	sld [smem:$0x3FA0]  }
0x1a: {  	s8 =	sadd.s32 $0xFFFFE003, lr  }
0x1b: {  	s9 =	sadd.s32 $0xFFFFFEF7, lr;
	s5 =	simm.s32 $0xFFFFFFFF;
	p2 =	slt.u32 s8, $0xFFFFF086  }
0x1c: {  	p1 =	slt.u32 s9, $0xF7A;
	s5 =	simm.s32 @!p2 $0x0  }
0x1d: {  	s5 =	simm.s32 @p1 $0x1;
	p0 =	seq.s32 s7, s2  }
0x1e: {  	s7 =	smul.u32 @!p0 $0xF7A, s2;
	p2 =	seq.s32 @!p0 s5, $0x0  }
0x1f: {  	s9 =	smul.u32 $0xF7A, s1;
	s8 =	simm.s32 @!p0 $0x1BF5;
	p2 =	por !p2, p0  }
0x20: {  	[sflag:s8] =	ssyncset.s32 @!p0 $0xFFFFF086;
	s6 =	sadd.s32 @!p0 s3, s7;
	s7 =	simm.s32 @!p0 $0x108  }
0x21: {  	s3 =	sadd.s32 s3, s9;
	s6 =	sadd.s32 @!p0 $0x88, s6;
	s7 =	simm.s32 @p2 $0x1082  }
0x22: {  	[simem:s7], [sflag:s8] =	dma.local @!p0 [hbm:s6], $0xF7A  }
0x23: {  	s9 =	sor.u32 $0xD0000000, s2;
	s6 =	simm.s32 $0x108;
	_ =	swait.ge @!p0 [sflag:s8], $0x0  }
0x24: {  	s3 =	sadd.s32 $0x88, s3;
	s6 =	simm.s32 @!p1 $0x1082;
	[sflag:s4] =	ssyncset.s32 $0xFFFFF086  }
0x25: {  	[simem:s6], [sflag:s4] =	dma.local [hbm:s3], $0xF7A  }
0x26: {  	[smem:$0x3FA0] =	sst s1;
	(tag) =	ssettag s2;
	_ =	strace s9  }
0x27: {  	s1 =	sld [smem:$0x3FB0]  }
0x28: {  	s2 =	sld [smem:$0x3FB1]  }
0x29: {  	s4 =	sld [smem:$0x3FB3]  }
0x2a: {  	p0 =	seq.s32 s5, $0x0;
	s5 =	sld [smem:$0x3FB4]  }
0x2b: {  	s6 =	sld [smem:$0x3FB5]  }
0x2c: {  	s7 =	sld [smem:$0x3FB6]  }
0x2d: {  	s3 =	simm.s32 $0x108;
	s8 =	sld [smem:$0x3FB7]  }
0x2e: {  	s3 =	simm.s32 @!p0 $0x1082;
	s9 =	sld [smem:$0x3FB8]  }
0x2f: {  	lr =	sadd.s32 s0, s3;
	s0 =	sld [smem:$0x3FAF]  }
0x30: {  	s3 =	sld [smem:$0x3FB2]  }
0x31: {  	[smem:$0x3FBB] =	sst s10  }
0x32: {  	s10 =	sld [smem:$0x3FB9];
	_ =	sdelay $0x3  }
0x33: {  	p0 =	seq.s32 s10, $0x1;
	s10 =	sld [smem:$0x3FBB];
	_ =	sdelay $0x3  }
0x34: {  	[smem:$0x3FBB] =	sst s10  }
0x35: {  	s10 =	sld [smem:$0x3FBA];
	_ =	sdelay $0x3  }
0x36: {  	p1 =	seq.s32 s10, $0x1;
	s10 =	sld [smem:$0x3FBB];
	_ =	sdelay $0x3  }
0x37: {  	[smem:$0x3FBB] =	sst s10  }
0x38: {  	s10 =	sld [smem:$0x3FBC]  }
0x39: {  	_ = 	snop;
	(pc) =	sbr.ind lr, $3  }
0x3a: {  	_ = 	snop  }
0x3b: {  	_ = 	snop  }
0x3c: {  	p2 =	seq.s32 s10, $0x1;
	s10 =	sld [smem:$0x3FBB]  }
0x3d: {  	_ =	shalt  }
0x3e: {  	_ =	shalt  }
0x3f: {  	_ =	shalt  }
0x40: {  	_ =	shalt  }
0x41: {  	_ =	shalt  }
0x42: {  	_ =	shalt  }
0x43: {  	_ =	shalt  }
0x44: {  	_ =	shalt  }
0x45: {  	_ =	shalt  }
0x46: {  	_ =	shalt  }
0x47: {  	_ =	shalt  }
0x48: {  	_ =	shalt  }
0x49: {  	_ =	shalt  }
0x4a: {  	_ =	shalt  }
0x4b: {  	_ =	shalt  }
0x4c: {  	_ =	shalt  }
0x4d: {  	_ =	shalt  }
0x4e: {  	_ =	shalt  }
0x4f: {  	_ =	shalt  }
0x50: {  	_ =	shalt  }
0x51: {  	_ =	shalt  }
0x52: {  	_ =	shalt  }
0x53: {  	_ =	shalt  }
0x54: {  	_ =	shalt  }
0x55: {  	_ =	shalt  }
0x56: {  	_ =	shalt  }
0x57: {  	_ =	shalt  }
0x58: {  	_ =	shalt  }
0x59: {  	_ =	shalt  }
0x5a: {  	_ =	shalt  }
0x5b: {  	_ =	shalt  }
0x5c: {  	_ =	shalt  }
0x5d: {  	_ =	shalt  }
0x5e: {  	_ =	shalt  }
0x5f: {  	_ =	shalt  }
0x60: {  	_ =	shalt  }
0x61: {  	_ =	shalt  }
0x62: {  	_ =	shalt  }
0x63: {  	_ =	shalt  }
0x64: {  	_ =	shalt  }
0x65: {  	_ =	shalt  }
0x66: {  	_ =	shalt  }
0x67: {  	_ =	shalt  }
0x68: {  	_ =	shalt  }
0x69: {  	_ =	shalt  }
0x6a: {  	_ =	shalt  }
0x6b: {  	_ =	shalt  }
0x6c: {  	_ =	shalt  }
0x6d: {  	_ =	shalt  }
0x6e: {  	_ =	shalt  }
0x6f: {  	_ =	shalt  }
0x70: {  	_ =	shalt  }
0x71: {  	_ =	shalt  }
0x72: {  	_ =	shalt  }
0x73: {  	_ =	shalt  }
0x74: {  	_ =	shalt  }
0x75: {  	_ =	shalt  }
0x76: {  	_ =	shalt  }
0x77: {  	_ =	shalt  }
0x78: {  	_ =	shalt  }
0x79: {  	_ =	shalt  }
0x7a: {  	_ =	shalt  }
0x7b: {  	_ =	shalt  }
0x7c: {  	_ =	shalt  }
0x7d: {  	_ =	shalt  }
0x7e: {  	_ =	shalt  }
0x7f: {  	_ =	shalt  }
0x80: {  	_ =	shalt  }
0x81: {  	_ =	shalt  }
0x82: {  	_ =	shalt  }
0x83: {  	_ =	shalt  }
0x84: {  	_ =	shalt  }
0x85: {  	_ =	shalt  }
0x86: {  	_ =	shalt  }
0x87: {  	_ =	shalt  }
.Lfunc_end0:
.L_simem_size_0:
called_computation.2_lowered:
.L_overlay_start_0:
0x88: {  	s2 =	sld [smem:$0x3FD9]  }
0x89: {  	s3 =	sld [smem:$0x3FFE];
	_ =	sdelay $0x1  }
0x8a: {  	s1 =	srdreg.scid  }
0x8b: {  	s0 =	sand.u32 $0x1, s1  }
0x8c: {  	s17 =	sshll.u32 s0, $0xA;
	s2 =	sadd.s32 s3, s2  }
0x8d: {  	s2 =	sadd.s32 s2, s17  }
0x8e: {  	[smem:$0x3FC7] =	sst s2  }
0x8f: {  	_ = 	snop  }
0x90: {  	s2 =	sld [smem:$0x3FD0];
	(tm) =	ssettm $0x1  }
0x91: {  	s18 =	sld [smem:$0x3FFB];
	_ =	sdelay $0x3  }
0x92: {  	_ =	strace s18  }
0x93: {  	s3 =	sld [smem:$0x3FFC];
	_ =	sdelay $0x3  }
0x94: {  	_ =	strace s3  }
0x95: {  	s3 =	sld [smem:$0x3FFD];
	_ =	sdelay $0x3  }
0x96: {  	_ =	strace s3  }
0x97: {  	_ =	strace $0x8FFFFFFF  }
0x98: {  	s19 =	sld [smem:$0x3FDB];
	_ =	sdelay $0x1  }
0x99: {  	s4 =	simm.s32 $_scs_section_size  }
0x9a: {  	s5 =	simm.s32 $_size__tile_overlayer_lowered;
	s6 =	simm.s32 $_tile_overlayer_lowered  }
0x9b: {  	s22 =	simm.s32 $0x1BFF;
	s21 =	sshll.u32 s6, $0x1;
	s3 =	sadd.s32 s4, s19  }
0x9c: {  	s7 =	simm.s32 $0x0;
	s20 =	sshll.u32 s5, $0x1;
	s5 =	sadd.s32 s21, s3  }
0x9d: {  	[timem:s7], [sflag:s22] =	dma.local [hbm:s5], s20  }
0x9e: {  	_ =	swait.ge [sflag:s22], s20  }
0x9f: {  	s4 =	ssub.s32 $0x0, s20;
	[sflag:s22] =	ssyncset.done $0x0  }
0xa0: {  	[sflag:s22] =	ssyncadd.s32 s4;
	_ =	sdelay $0x1  }
0xa1: {  	s23 =	simm.s32 $0x1B8B  }
0xa2: {  	_ =	swait.ge [sflag:s23], $0x1  }
0xa3: {  	[sflag:s23] =	ssyncset.done $0x0  }
0xa4: {  	s25 =	simm.s32 $0x1B8E;
	s24 =	sld [smem:$0x3FFE];
	[sflag:s23] =	ssyncadd.s32 $0xFFFFFFFF  }
0xa5: {  	s26 =	simm.s32 $execute0_lowered;
	[smem:$0x3FD2] =	sst s25  }
0xa6: {  	s5 =	sshll.u32 s26, $0x1;
	_ =	strace $0x8000004C;
	[dreg:$0x1] =	wrdreg $0xFFFFFFFF  }
0xa7: {  	s28 =	simm.s32 $_size_execute0_lowered;
	s3 =	sadd.s32 s3, s5;
	[dreg:$0x0] =	wrdreg $0x0  }
0xa8: {  	s5 =	sshll.u32 s28, $0x1;
	[dreg:$0x2] =	wrdreg s3  }
0xa9: {  	[dreg:$0x3] =	wrdreg s5  }
0xaa: {  	[dreg:$0x4] =	wrdreg $0xC0  }
0xab: {  	_ =	task [dreg:s7], $0x5FFFF  }
0xac: {  	[dreg:$0x1] =	wrdreg $0xFFFFFFFF  }
0xad: {  	[dreg:$0x0] =	wrdreg $0x60  }
0xae: {  	[dreg:$0x2] =	wrdreg s24  }
0xaf: {  	[dreg:$0x3] =	wrdreg s2  }
0xb0: {  	[dreg:$0x4] =	wrdreg $0x101800  }
0xb1: {  	[dreg:$0x5] =	wrdreg $0x9  }
0xb2: {  	_ =	task.clear_ibuf [dreg:s7], $0x6FFFF;
	_ =	strace $0x9000004C  }
0xb3: {  	s29 =	simm.s32 $0x9;
	_ =	strace $0x8000004E  }
0xb4: {  	_ =	swait.ge [sflag:s29], $0x1  }
0xb5: {  	[sflag:s29] =	ssyncadd.s32 $0xFFFFFFFF  }
0xb6: {  	_ =	strace $0x9000004E  }
0xb7: {  	_ =	sfence  }
0xb8: {  	s30 =	sld [smem:$0x0];
	_ =	sdelay $0x2  }
0xb9: {  	s31 =	sshll.u32 s1, $0xD;
	s1 =	sshrl.u32 s1, $0x2  }
0xba: {  	s3 =	sand.u32 $0x4000, s31;
	s1 =	sadd.s32 s1, s30  }
0xbb: {  	s0 =	sor.u32 s3, s0;
	s1 =	sshll.u32 s1, $0x11  }
0xbc: {  	s0 =	sor.u32 s1, s0  }
0xbd: {  	s0 =	sadd.s32 $0x8F2B, s0  }
0xbe: {  	[sflag:s0] =	ssyncadd.remote.s32 $0x1  }
0xbf: {  	_ =	sfence.sel $0xFFFF  }
0xc0: {  	[dreg:$0x0] =	wrdreg $0xFFFFFFFF;
	(pc) =	sbr.abs _section_cstart, $3  }
0xc1: {  	[dreg:$0x1] =	wrdreg $0xFFFFFFFF  }
0xc2: {  	_ =	task.clear_ibuf [dreg:s7], $0x2FFFF;
	_ =	strace $0x9FFFFFFF  }
0xc3: {  	(tm) =	ssettm $0x7FFFFFFF  }
tec
execute0_lowered:
.L_overlay_start_1:
0x0: {  	(tag) =	ssettag $0x1  }
0x1: {  	s0 =	rddreg [dreg:$0x0]  }
0x2: {  	s3 =	rddreg [dreg:$0x1]  }
0x3: {  	s1 =	rddreg [dreg:$0x2];
	s2 =	simm.s32 $0x0  }
0x4: {  	s26 =	stileid.u32;
	s7 =	srdreg.scid;
	s28 =	simm.s32 $0x10000  }
0x5: {  	s29 =	simm.s32 $0x3;
	s30 =	simm.s32 $0x10100;
	s31 =	simm.s32 $0x1  }
0x6: {  	[smem:$0x7FF] =	sst s2;
	s5 =	sadd.s32 $0x46400, s0;
	s6 =	sadd.s32 $0x6400, s0  }
0x7: {  	s20 =	sadd.s32 $0x86600, s0;
	s4 =	sadd.s32 $0x86400, s0;
	s9 =	sshll.u32 s26, $0xB  }
0x8: {  	s23 =	sand.u32 $0x1, s7;
	s16 =	sadd.s32 $0x9E600, s0;
	s8 =	sshll.u32 s26, $0x1  }
0x9: {  	s19 =	sshll.u32 s26, $0xE;
	s14 =	sshll.u32 s26, $0x7;
	s22 =	sshll.u32 s26, $0x4  }
0xa: {  	p1 =	sgt.u32 s26, $0x7;
	p2 =	slt.u32 s26, $0x8;
	_ =	strace $0x8000004D  }
0xb: {  	[dreg:$0x4] =	wrdreg s16;
	s24 =	sadd.s32 s9, s0;
	s17 =	ssub.s32 $0x2, s23  }
0xc: {  	s0 =	sadd.s32 $0x9E800, s0;
	s13 =	sor.u32 s23, s8;
	s7 =	sadd.s32 s19, s1  }
0xd: {  	s8 =	sshll.u32 s26, $0x6;
	s9 =	sadd.s32 s20, s9;
	s21 =	sadd.s32 s14, s1  }
0xe: {  	[dreg:$0x6] =	wrdreg s22;
	s22 =	sadd.s32 s20, s22;
	p0 =	seq.s32 s23, $0x1  }
0xf: {  	s26 =	simm.s32 $0x8000;
	[dreg:$0x5] =	wrdreg s0;
	s18 =	sshrl.u32 s17, $0x1  }
0x10: {  	s10 =	sor.u32 $0x1C01, s8;
	s21 =	sadd.s32 $0x40000, s21;
	s23 =	sadd.s32 $0x8E600, s24  }
0x11: {  	s25 =	sadd.s32 $0x96600, s24;
	s0 =	ssub.s32 s17, s18;
	[dreg:$0x7] =	wrdreg s23  }
0x12: {  	s18 =	sshll.u32 s13, $0xD;
	s13 =	sshll.u32 s13, $0x5;
	[dreg:$0x8] =	wrdreg s25  }
0x13: {  	s11 =	sadd.s32 s5, s18;
	s12 =	sadd.s32 s6, s18;
	s13 =	sadd.s32 s3, s13  }
.Ltmp0:
0x14: {  	s15 =	sor.u32 $0x800, s18;
	s17 =	sor.u32 $0x1000, s18;
	(pc) =	sbr.rel .LBB2_1-.Ltmp0, $4  }
0x15: {  	s19 =	sor.u32 $0x1800, s18;
	s25 =	smax.u32 s0, $0x1;
	s0 =	simm.s32 $0x4000  }
0x16: {  	s3 =	simm.s32 $0x80;
	s14 =	sadd.s32 s5, s15;
	s15 =	sadd.s32 s6, s15  }
0x17: {  	s16 =	sadd.s32 s5, s17;
	s17 =	sadd.s32 s6, s17;
	s18 =	sadd.s32 s5, s19  }
0x18: {  	s19 =	sadd.s32 s6, s19;
	s5 =	simm.s32 $0xC000;
	s6 =	simm.s32 $0x2  }
.LBB2_4:
0x19: {  	s23 =	rddreg [dreg:$0x6]  }
0x1a: {  	s23 =	sadd.s32 s24, s23;
	s24 =	sshrl.u32 s21, $0x3  }
0x1b: {  	[hbm:s23], [sflag:s20] =	dma.local [spmem:s24], $0x10  }
0x1c: {  	_ =	swait.ge [sflag:s29], $0x10  }
0x1d: {  	[sflag:s29] =	ssyncset.done $0x0  }
0x1e: {  	[sflag:s29] =	ssyncadd.s32 $0xFFFFFFF0  }
.LBB2_5:
0x1f: {  	s25 =	sadd.s32 $0xFFFFFFFF, s25  }
0x20: {  	p3 =	sne.s32 s25, $0x0  }
.Ltmp1:
0x21: {  	_ = 	snop;
	(pc) =	sbr.rel @!p3 .LBB2_6-.Ltmp1, $1  }
0x22: {  	_ =	sdelay $0x3  }
.LBB2_1:
0x23: {  	s24 =	sshrl.u32 s7, $0x3  }
0x24: {  	[spmem:s24], [sflag:s10] =	dma.local [hbm:s9], $0x800  }
0x25: {  	[tilespmem:s2], [sflag:$0x1] =	stream.linear.gather [hbm4b:s11+s2], $0x4000, $0x38;
	[tilespmem:$0x141C0] =	vst v63  }
0x26: {  	_ = 	snop  }
0x27: {  	[tilespmem:s26], [sflag:$0x1] =	stream.linear.gather [hbm4b:s12+s2], $0x4000, $0x38;
	[tilespmem:$0x141C0] =	vst v63  }
0x28: {  	_ = 	snop  }
0x29: {  	[tilespmem:s28], [sflag:$0x3] =	stream.linear.gather [hbm4b:s13+s2], $0x100, $0x38;
	[tilespmem:$0x141C0] =	vst v63  }
0x2a: {  	_ =	swait.ge [sflag:s29], $0x100  }
0x2b: {  	[sflag:s29] =	ssyncset.done $0x0  }
0x2c: {  	[sflag:s29] =	ssyncadd.s32 $0xFFFFFF00  }
0x2d: {  	[tilespmem:s30], [sflag:$0x3] =	stream.linear.gather [hbm4b:s4+s2], $0x80, $0x38;
	[tilespmem:$0x141C0] =	vst v63  }
0x2e: {  	s20 =	stileid.u32;
	_ =	swait.ge [sflag:s29], $0x80  }
0x2f: {  	s20 =	sshll.u32 @!p1 s20, $0x6;
	[sflag:s29] =	ssyncset.done $0x0  }
0x30: {  	s23 =	sshrl.u32 @!p1 s21, $0x3;
	s20 =	sor.u32 @!p1 $0x1C03, s20;
	[sflag:s29] =	ssyncadd.s32 $0xFFFFFF80  }
0x31: {  	[spmem:s23], [sflag:s20] =	dma.local @!p1 [hbm:s22], $0x10  }
0x32: {  	s20 =	simm.s32 @!p1 $0x3  }
0x33: {  	_ =	swait.ge @!p1 [sflag:s20], $0x10  }
0x34: {  	[sflag:s20] =	ssyncset.done @!p1 $0x0  }
0x35: {  	[sflag:s20] =	ssyncadd.s32 @!p1 $0xFFFFFFF0  }
0x36: {  	_ =	swait.ge [sflag:s31], $0x800  }
0x37: {  	[sflag:s31] =	ssyncset.done $0x0  }
0x38: {  	[sflag:s31] =	ssyncadd.s32 $0xFFFFF800  }
0x39: {  	_ =	swait.ge [sflag:s31], $0x4000  }
0x3a: {  	[sflag:s31] =	ssyncset.done $0x0  }
0x3b: {  	[sflag:s31] =	ssyncadd.s32 $0xFFFFC000  }
0x3c: {  	_ =	swait.ge [sflag:s31], $0x4000  }
0x3d: {  	[sflag:s31] =	ssyncset.done $0x0  }
0x3e: {  	[sflag:s31] =	ssyncadd.s32 $0xFFFFC000  }
0x3f: {  	[bflag:$0x0] =	sbarrier.arrive $0xFFFF  }
0x40: {  	[tilespmem:s0], [sflag:$0x1] =	stream.linear.gather [hbm4b:s14+s2], $0x4000, $0x38;
	[tilespmem:$0x141C0] =	vst v63  }
0x41: {  	_ = 	snop  }
0x42: {  	[tilespmem:s5], [sflag:$0x1] =	stream.linear.gather [hbm4b:s15+s2], $0x4000, $0x38;
	[tilespmem:$0x141C0] =	vst v63  }
0x43: {  	_ = 	snop  }
0x44: {  	[spmem:s1] =	stream.indirect.scatter.add.f32 [tilespmem:s2], [sflag:$0x2], $0x1, s26, s0, $0xb8;
	[tilespmem:$0x141C0] =	vst v63  }
0x45: {  	_ =	swait.ge [sflag:s6], $0x4000  }
0x46: {  	[sflag:s6] =	ssyncset.done $0x0  }
0x47: {  	[sflag:s6] =	ssyncadd.s32 $0xFFFFC000  }
0x48: {  	_ =	swait.ge [sflag:s31], $0x4000  }
0x49: {  	[sflag:s31] =	ssyncset.done $0x0  }
0x4a: {  	[sflag:s31] =	ssyncadd.s32 $0xFFFFC000  }
0x4b: {  	_ =	swait.ge [sflag:s31], $0x4000  }
0x4c: {  	[sflag:s31] =	ssyncset.done $0x0  }
0x4d: {  	[sflag:s31] =	ssyncadd.s32 $0xFFFFC000  }
0x4e: {  	[tilespmem:s2], [sflag:$0x1] =	stream.linear.gather [hbm4b:s16+s2], $0x4000, $0x38;
	[tilespmem:$0x141C0] =	vst v63  }
0x4f: {  	_ = 	snop  }
0x50: {  	[tilespmem:s26], [sflag:$0x1] =	stream.linear.gather [hbm4b:s17+s2], $0x4000, $0x38;
	[tilespmem:$0x141C0] =	vst v63  }
0x51: {  	_ = 	snop  }
0x52: {  	[spmem:s1] =	stream.indirect.scatter.add.f32 [tilespmem:s0], [sflag:$0x2], $0x1, s5, s0, $0xb8;
	[tilespmem:$0x141C0] =	vst v63  }
0x53: {  	_ =	swait.ge [sflag:s6], $0x4000  }
0x54: {  	[sflag:s6] =	ssyncset.done $0x0  }
0x55: {  	[sflag:s6] =	ssyncadd.s32 $0xFFFFC000  }
0x56: {  	_ =	swait.ge [sflag:s31], $0x4000  }
0x57: {  	[sflag:s31] =	ssyncset.done $0x0  }
0x58: {  	[sflag:s31] =	ssyncadd.s32 $0xFFFFC000  }
0x59: {  	_ =	swait.ge [sflag:s31], $0x4000  }
0x5a: {  	[sflag:s31] =	ssyncset.done $0x0  }
0x5b: {  	[sflag:s31] =	ssyncadd.s32 $0xFFFFC000  }
0x5c: {  	[tilespmem:s0], [sflag:$0x1] =	stream.linear.gather [hbm4b:s18+s2], $0x4000, $0x38;
	[tilespmem:$0x141C0] =	vst v63  }
0x5d: {  	_ = 	snop  }
0x5e: {  	[tilespmem:s5], [sflag:$0x1] =	stream.linear.gather [hbm4b:s19+s2], $0x4000, $0x38;
	[tilespmem:$0x141C0] =	vst v63  }
0x5f: {  	_ = 	snop  }
0x60: {  	[spmem:s1] =	stream.indirect.scatter.add.f32 [tilespmem:s2], [sflag:$0x2], $0x1, s26, s0, $0xb8;
	[tilespmem:$0x141C0] =	vst v63  }
0x61: {  	_ =	swait.ge [sflag:s6], $0x4000  }
0x62: {  	[sflag:s6] =	ssyncset.done $0x0  }
0x63: {  	[sflag:s6] =	ssyncadd.s32 $0xFFFFC000  }
0x64: {  	_ =	swait.ge [sflag:s31], $0x4000  }
0x65: {  	[sflag:s31] =	ssyncset.done $0x0  }
0x66: {  	[sflag:s31] =	ssyncadd.s32 $0xFFFFC000  }
0x67: {  	_ =	swait.ge [sflag:s31], $0x4000  }
0x68: {  	[sflag:s31] =	ssyncset.done $0x0  }
0x69: {  	[sflag:s31] =	ssyncadd.s32 $0xFFFFC000  }
0x6a: {  	[spmem:s1] =	stream.indirect.scatter.add.f32 [tilespmem:s0], [sflag:$0x2], $0x1, s5, s0, $0xb8;
	[tilespmem:$0x141C0] =	vst v63  }
0x6b: {  	_ =	swait.ge [sflag:s6], $0x4000  }
0x6c: {  	[sflag:s6] =	ssyncset.done $0x0  }
0x6d: {  	[sflag:s6] =	ssyncadd.s32 $0xFFFFC000  }
0x6e: {  	[spmem:s1] =	stream.indirect.scatter.add.f32 [tilespmem:s30], [sflag:$0x2], $0x1, s28, s3, $0xb8;
	[tilespmem:$0x141C0] =	vst v63  }
0x6f: {  	s23 =	simm.s32 $0x10080  }
0x70: {  	[spmem:s1] =	stream.indirect.scatter.add.f32 [tilespmem:s30], [sflag:$0x2], $0x1, s23, s3, $0xb8;
	[tilespmem:$0x141C0] =	vst v63  }
0x71: {  	_ =	swait.ge [sflag:s6], $0x80  }
0x72: {  	[sflag:s6] =	ssyncset.done $0x0  }
0x73: {  	[sflag:s6] =	ssyncadd.s32 $0xFFFFFF80  }
.Ltmp2:
0x74: {  	_ =	swait.ge [sflag:s6], $0x80;
	(pc) =	sbr.rel @!p0 .LBB2_2-.Ltmp2, $4  }
0x75: {  	[sflag:s6] =	ssyncset.done $0x0  }
0x76: {  	[sflag:s6] =	ssyncadd.s32 $0xFFFFFF80  }
0x77: {  	[bflag:$0x0] =	sbarrier.arrive $0xFFFF  }
0x78: {  	s20 =	sor.u32 $0x1C03, s8  }
0x79: {  	s20 =	sor.u32 $0x1C03, s8;
	s23 =	rddreg [dreg:$0x8]  }
0x7a: {  	[hbm:s23], [sflag:s20] =	dma.local [spmem:s24], $0x800  }
.Ltmp3:
0x7b: {  	_ = 	snop;
	(pc) =	sbr.rel @p1 .LBB2_5-.Ltmp3, $4  }
.Ltmp4:
0x7c: {  	_ = 	snop;
	(pc) =	sbr.rel @!p1 .LBB2_4-.Ltmp4, $4  }
0x7d: {  	_ =	swait.ge [sflag:s29], $0x800  }
0x7e: {  	[sflag:s29] =	ssyncset.done $0x0  }
0x7f: {  	s24 =	rddreg [dreg:$0x5];
	[sflag:s29] =	ssyncadd.s32 $0xFFFFF800  }
0x80: {  	_ = 	snop  }
.LBB2_2:
0x81: {  	s23 =	rddreg [dreg:$0x7]  }
0x82: {  	[hbm:s23], [sflag:s20] =	dma.local [spmem:s24], $0x800  }
.Ltmp5:
0x83: {  	_ = 	snop;
	(pc) =	sbr.rel @p2 .LBB2_4-.Ltmp5, $4  }
.Ltmp6:
0x84: {  	_ = 	snop;
	(pc) =	sbr.rel @!p2 .LBB2_5-.Ltmp6, $4  }
0x85: {  	_ =	swait.ge [sflag:s29], $0x800  }
0x86: {  	[sflag:s29] =	ssyncset.done $0x0  }
0x87: {  	s24 =	rddreg [dreg:$0x4];
	[sflag:s29] =	ssyncadd.s32 $0xFFFFF800  }
0x88: {  	_ = 	snop  }
.LBB2_6:
0x89: {  	_ =	sfence.sel $0x180000  }
0x8a: {  	[bflag:$0x0] =	sbarrier.arrive $0xFFFF  }
0x8b: {  	_ =	strace $0x9000004D  }
0x8c: {  	s0 =	stileid.u32;
	[bflag:$0x2] =	sbarrier.arrive $0xFFFF  }
0x8d: {  	p0 =	sne.s32 s0, $0x0;
	s0 =	rddreg [dreg:$0x3]  }
0x8e: {  	s0 =	sadd.s32 @!p0 $0x100000, s0  }
0x8f: {  	[sflag:s0] =	ssyncadd.tile.s32 @!p0 $0x1;
	_ =	shalt  }
.Lfunc_end2:
_tile_overlayer_lowered:
.L_overlay_start_2:
0x90: {  	(tag) =	ssettag $0x2  }
0x91: {  	s0 =	rddreg [dreg:$0x0];
	s2 =	stileid.u32  }
0x92: {  	s1 =	rddreg [dreg:$0x1];
	p0 =	sne.s32 s2, $0x0  }
0x93: {  	s3 =	rddreg [dreg:$0x2];
	[bflag:$0x3] =	sbarrier.arrive $0xFFFF;
	s2 =	simm.s32 @!p0 $0x1C03  }
0x94: {  	[timem:s3], [sflag:s2] =	dma.local @!p0 [hbm:s0], s1  }
0x95: {  	s0 =	simm.s32 @!p0 $0x3  }
0x96: {  	_ =	swait.ge @!p0 [sflag:s0], s1  }
0x97: {  	s1 =	ssub.s32 @!p0 $0x0, s1;
	[sflag:s0] =	ssyncset.done @!p0 $0x0  }
0x98: {  	[sflag:s0] =	ssyncadd.s32 @!p0 s1  }
0x99: {  	[bflag:$0x3] =	sbarrier.arrive $0xFFFF  }
0x9a: {  	_ =	shalt  }

// kernel: kernel.23.cloned.1.call-start
scs
__scs_entry_jumppad:
0x0: {  	(pc) =	sbr.rel $0x88, $3  }
0x1: {  	(tag) =	ssettag $0x0;
	lr =	simm.s32 $0x1  }
0x2: {  	[smem:$0x3FA0] =	sst lr;
	_ =	strace $0xD0000000  }
0x3: {  	_ = 	snop  }
0x4: {  	_ = 	snop  }
0x5: {  	_ = 	snop  }
0x6: {  	_ = 	snop  }
0x7: {  	_ = 	snop  }
__scs_overlays_trampoline_lowered:
0x8: {  	[smem:$0x3FAF] =	sst s0  }
0x9: {  	[smem:$0x3FB0] =	sst s1  }
0xa: {  	[smem:$0x3FB1] =	sst s2  }
0xb: {  	[smem:$0x3FB2] =	sst s3  }
0xc: {  	[smem:$0x3FB3] =	sst s4  }
0xd: {  	[smem:$0x3FB4] =	sst s5  }
0xe: {  	[smem:$0x3FB5] =	sst s6  }
0xf: {  	[smem:$0x3FB6] =	sst s7  }
0x10: {  	[smem:$0x3FB7] =	sst s8  }
0x11: {  	[smem:$0x3FB8] =	sst s9;
	s0 =	simm.s32 @!p0 $0x0  }
0x12: {  	s1 =	sld [smem:$0x3F9E];
	s0 =	simm.s32 @p0 $0x1  }
0x13: {  	[smem:$0x3FB9] =	sst s0;
	s0 =	simm.s32 @!p1 $0x0  }
0x14: {  	s2 =	sld [smem:$0x3F9D];
	s0 =	simm.s32 @p1 $0x1  }
0x15: {  	[smem:$0x3FBA] =	sst s0;
	s0 =	simm.s32 @!p2 $0x0  }
0x16: {  	s3 =	sld [smem:$0x3FDB];
	s0 =	simm.s32 @p2 $0x1  }
0x17: {  	s4 =	simm.s32 $0x1BF5;
	[smem:$0x3FBC] =	sst s0  }
0x18: {  	s0 =	sld [smem:$0x3F9F];
	_ =	swait.ge [sflag:s4], $0x0  }
0x19: {  	s7 =	sld [smem:$0x3FA0]  }
0x1a: {  	s8 =	sadd.s32 $0xFFFFE003, lr  }
0x1b: {  	s9 =	sadd.s32 $0xFFFFFEF7, lr;
	s5 =	simm.s32 $0xFFFFFFFF;
	p2 =	slt.u32 s8, $0xFFFFF086  }
0x1c: {  	p1 =	slt.u32 s9, $0xF7A;
	s5 =	simm.s32 @!p2 $0x0  }
0x1d: {  	s5 =	simm.s32 @p1 $0x1;
	p0 =	seq.s32 s7, s2  }
0x1e: {  	s7 =	smul.u32 @!p0 $0xF7A, s2;
	p2 =	seq.s32 @!p0 s5, $0x0  }
0x1f: {  	s9 =	smul.u32 $0xF7A, s1;
	s8 =	simm.s32 @!p0 $0x1BF5;
	p2 =	por !p2, p0  }
0x20: {  	[sflag:s8] =	ssyncset.s32 @!p0 $0xFFFFF086;
	s6 =	sadd.s32 @!p0 s3, s7;
	s7 =	simm.s32 @!p0 $0x108  }
0x21: {  	s3 =	sadd.s32 s3, s9;
	s6 =	sadd.s32 @!p0 $0x88, s6;
	s7 =	simm.s32 @p2 $0x1082  }
0x22: {  	[simem:s7], [sflag:s8] =	dma.local @!p0 [hbm:s6], $0xF7A  }
0x23: {  	s9 =	sor.u32 $0xD0000000, s2;
	s6 =	simm.s32 $0x108;
	_ =	swait.ge @!p0 [sflag:s8], $0x0  }
0x24: {  	s3 =	sadd.s32 $0x88, s3;
	s6 =	simm.s32 @!p1 $0x1082;
	[sflag:s4] =	ssyncset.s32 $0xFFFFF086  }
0x25: {  	[simem:s6], [sflag:s4] =	dma.local [hbm:s3], $0xF7A  }
0x26: {  	[smem:$0x3FA0] =	sst s1;
	(tag) =	ssettag s2;
	_ =	strace s9  }
0x27: {  	s1 =	sld [smem:$0x3FB0]  }
0x28: {  	s2 =	sld [smem:$0x3FB1]  }
0x29: {  	s4 =	sld [smem:$0x3FB3]  }
0x2a: {  	p0 =	seq.s32 s5, $0x0;
	s5 =	sld [smem:$0x3FB4]  }
0x2b: {  	s6 =	sld [smem:$0x3FB5]  }
0x2c: {  	s7 =	sld [smem:$0x3FB6]  }
0x2d: {  	s3 =	simm.s32 $0x108;
	s8 =	sld [smem:$0x3FB7]  }
0x2e: {  	s3 =	simm.s32 @!p0 $0x1082;
	s9 =	sld [smem:$0x3FB8]  }
0x2f: {  	lr =	sadd.s32 s0, s3;
	s0 =	sld [smem:$0x3FAF]  }
0x30: {  	s3 =	sld [smem:$0x3FB2]  }
0x31: {  	[smem:$0x3FBB] =	sst s10  }
0x32: {  	s10 =	sld [smem:$0x3FB9];
	_ =	sdelay $0x3  }
0x33: {  	p0 =	seq.s32 s10, $0x1;
	s10 =	sld [smem:$0x3FBB];
	_ =	sdelay $0x3  }
0x34: {  	[smem:$0x3FBB] =	sst s10  }
0x35: {  	s10 =	sld [smem:$0x3FBA];
	_ =	sdelay $0x3  }
0x36: {  	p1 =	seq.s32 s10, $0x1;
	s10 =	sld [smem:$0x3FBB];
	_ =	sdelay $0x3  }
0x37: {  	[smem:$0x3FBB] =	sst s10  }
0x38: {  	s10 =	sld [smem:$0x3FBC]  }
0x39: {  	_ = 	snop;
	(pc) =	sbr.ind lr, $3  }
0x3a: {  	_ = 	snop  }
0x3b: {  	_ = 	snop  }
0x3c: {  	p2 =	seq.s32 s10, $0x1;
	s10 =	sld [smem:$0x3FBB]  }
0x3d: {  	_ =	shalt  }
0x3e: {  	_ =	shalt  }
0x3f: {  	_ =	shalt  }
0x40: {  	_ =	shalt  }
0x41: {  	_ =	shalt  }
0x42: {  	_ =	shalt  }
0x43: {  	_ =	shalt  }
0x44: {  	_ =	shalt  }
0x45: {  	_ =	shalt  }
0x46: {  	_ =	shalt  }
0x47: {  	_ =	shalt  }
0x48: {  	_ =	shalt  }
0x49: {  	_ =	shalt  }
0x4a: {  	_ =	shalt  }
0x4b: {  	_ =	shalt  }
0x4c: {  	_ =	shalt  }
0x4d: {  	_ =	shalt  }
0x4e: {  	_ =	shalt  }
0x4f: {  	_ =	shalt  }
0x50: {  	_ =	shalt  }
0x51: {  	_ =	shalt  }
0x52: {  	_ =	shalt  }
0x53: {  	_ =	shalt  }
0x54: {  	_ =	shalt  }
0x55: {  	_ =	shalt  }
0x56: {  	_ =	shalt  }
0x57: {  	_ =	shalt  }
0x58: {  	_ =	shalt  }
0x59: {  	_ =	shalt  }
0x5a: {  	_ =	shalt  }
0x5b: {  	_ =	shalt  }
0x5c: {  	_ =	shalt  }
0x5d: {  	_ =	shalt  }
0x5e: {  	_ =	shalt  }
0x5f: {  	_ =	shalt  }
0x60: {  	_ =	shalt  }
0x61: {  	_ =	shalt  }
0x62: {  	_ =	shalt  }
0x63: {  	_ =	shalt  }
0x64: {  	_ =	shalt  }
0x65: {  	_ =	shalt  }
0x66: {  	_ =	shalt  }
0x67: {  	_ =	shalt  }
0x68: {  	_ =	shalt  }
0x69: {  	_ =	shalt  }
0x6a: {  	_ =	shalt  }
0x6b: {  	_ =	shalt  }
0x6c: {  	_ =	shalt  }
0x6d: {  	_ =	shalt  }
0x6e: {  	_ =	shalt  }
0x6f: {  	_ =	shalt  }
0x70: {  	_ =	shalt  }
0x71: {  	_ =	shalt  }
0x72: {  	_ =	shalt  }
0x73: {  	_ =	shalt  }
0x74: {  	_ =	shalt  }
0x75: {  	_ =	shalt  }
0x76: {  	_ =	shalt  }
0x77: {  	_ =	shalt  }
0x78: {  	_ =	shalt  }
0x79: {  	_ =	shalt  }
0x7a: {  	_ =	shalt  }
0x7b: {  	_ =	shalt  }
0x7c: {  	_ =	shalt  }
0x7d: {  	_ =	shalt  }
0x7e: {  	_ =	shalt  }
0x7f: {  	_ =	shalt  }
0x80: {  	_ =	shalt  }
0x81: {  	_ =	shalt  }
0x82: {  	_ =	shalt  }
0x83: {  	_ =	shalt  }
0x84: {  	_ =	shalt  }
0x85: {  	_ =	shalt  }
0x86: {  	_ =	shalt  }
0x87: {  	_ =	shalt  }
.Lfunc_end0:
.L_simem_size_0:
called_computation.3_lowered:
.L_overlay_start_0:
0x88: {  	s2 =	sld [smem:$0x3FD9]  }
0x89: {  	s3 =	sld [smem:$0x3FFE];
	_ =	sdelay $0x1  }
0x8a: {  	s1 =	srdreg.scid  }
0x8b: {  	s0 =	sand.u32 $0x1, s1  }
0x8c: {  	s17 =	sshll.u32 s0, $0xA;
	s2 =	sadd.s32 s3, s2  }
0x8d: {  	s2 =	sadd.s32 s2, s17  }
0x8e: {  	[smem:$0x3FC7] =	sst s2  }
0x8f: {  	_ = 	snop  }
0x90: {  	s2 =	sld [smem:$0x3FD0];
	(tm) =	ssettm $0x1  }
0x91: {  	s18 =	sld [smem:$0x3FFB];
	_ =	sdelay $0x3  }
0x92: {  	_ =	strace s18  }
0x93: {  	s3 =	sld [smem:$0x3FFC];
	_ =	sdelay $0x3  }
0x94: {  	_ =	strace s3  }
0x95: {  	s3 =	sld [smem:$0x3FFD];
	_ =	sdelay $0x3  }
0x96: {  	_ =	strace s3  }
0x97: {  	_ =	strace $0x8FFFFFFF  }
0x98: {  	s19 =	sld [smem:$0x3FDB];
	_ =	sdelay $0x1  }
0x99: {  	s4 =	simm.s32 $_scs_section_size  }
0x9a: {  	s5 =	simm.s32 $_size__tile_overlayer_lowered;
	s6 =	simm.s32 $_tile_overlayer_lowered  }
0x9b: {  	s22 =	simm.s32 $0x1BFF;
	s21 =	sshll.u32 s6, $0x1;
	s3 =	sadd.s32 s4, s19  }
0x9c: {  	s7 =	simm.s32 $0x0;
	s20 =	sshll.u32 s5, $0x1;
	s5 =	sadd.s32 s21, s3  }
0x9d: {  	[timem:s7], [sflag:s22] =	dma.local [hbm:s5], s20  }
0x9e: {  	_ =	swait.ge [sflag:s22], s20  }
0x9f: {  	s4 =	ssub.s32 $0x0, s20;
	[sflag:s22] =	ssyncset.done $0x0  }
0xa0: {  	[sflag:s22] =	ssyncadd.s32 s4;
	_ =	sdelay $0x1  }
0xa1: {  	s23 =	simm.s32 $0x1B8B  }
0xa2: {  	_ =	swait.ge [sflag:s23], $0x1  }
0xa3: {  	[sflag:s23] =	ssyncset.done $0x0  }
0xa4: {  	s25 =	simm.s32 $0x1B8E;
	s24 =	sld [smem:$0x3FFE];
	[sflag:s23] =	ssyncadd.s32 $0xFFFFFFFF  }
0xa5: {  	s26 =	simm.s32 $execute0_lowered;
	[smem:$0x3FD2] =	sst s25  }
0xa6: {  	s5 =	sshll.u32 s26, $0x1;
	_ =	strace $0x8000004F;
	[dreg:$0x1] =	wrdreg $0xFFFFFFFF  }
0xa7: {  	s28 =	simm.s32 $_size_execute0_lowered;
	s3 =	sadd.s32 s3, s5;
	[dreg:$0x0] =	wrdreg $0x0  }
0xa8: {  	s5 =	sshll.u32 s28, $0x1;
	[dreg:$0x2] =	wrdreg s3  }
0xa9: {  	[dreg:$0x3] =	wrdreg s5  }
0xaa: {  	[dreg:$0x4] =	wrdreg $0xC0  }
0xab: {  	_ =	task [dreg:s7], $0x5FFFF  }
0xac: {  	[dreg:$0x1] =	wrdreg $0xFFFFFFFF  }
0xad: {  	[dreg:$0x0] =	wrdreg $0x60  }
0xae: {  	[dreg:$0x2] =	wrdreg s24  }
0xaf: {  	[dreg:$0x3] =	wrdreg s2  }
0xb0: {  	[dreg:$0x4] =	wrdreg $0x101800  }
0xb1: {  	[dreg:$0x5] =	wrdreg $0x9  }
0xb2: {  	_ =	task.clear_ibuf [dreg:s7], $0x6FFFF;
	_ =	strace $0x9000004F  }
0xb3: {  	s29 =	simm.s32 $0x9;
	_ =	strace $0x80000051  }
0xb4: {  	_ =	swait.ge [sflag:s29], $0x1  }
0xb5: {  	[sflag:s29] =	ssyncadd.s32 $0xFFFFFFFF  }
0xb6: {  	_ =	strace $0x90000051  }
0xb7: {  	_ =	sfence  }
0xb8: {  	s30 =	sld [smem:$0x0];
	_ =	sdelay $0x2  }
0xb9: {  	s31 =	sshll.u32 s1, $0xD;
	s1 =	sshrl.u32 s1, $0x2  }
0xba: {  	s3 =	sand.u32 $0x4000, s31;
	s1 =	sadd.s32 s1, s30  }
0xbb: {  	s0 =	sor.u32 s3, s0;
	s1 =	sshll.u32 s1, $0x11  }
0xbc: {  	s0 =	sor.u32 s1, s0  }
0xbd: {  	s0 =	sadd.s32 $0x8F2B, s0  }
0xbe: {  	[sflag:s0] =	ssyncadd.remote.s32 $0x1  }
0xbf: {  	_ =	sfence.sel $0xFFFF  }
0xc0: {  	[dreg:$0x0] =	wrdreg $0xFFFFFFFF;
	(pc) =	sbr.abs _section_cstart, $3  }
0xc1: {  	[dreg:$0x1] =	wrdreg $0xFFFFFFFF  }
0xc2: {  	_ =	task.clear_ibuf [dreg:s7], $0x2FFFF;
	_ =	strace $0x9FFFFFFF  }
0xc3: {  	(tm) =	ssettm $0x7FFFFFFF  }
tec
execute0_lowered:
.L_overlay_start_1:
0x0: {  	(tag) =	ssettag $0x1  }
0x1: {  	s0 =	rddreg [dreg:$0x0]  }
0x2: {  	s3 =	rddreg [dreg:$0x1]  }
0x3: {  	s1 =	rddreg [dreg:$0x2];
	s2 =	simm.s32 $0x0  }
0x4: {  	s26 =	stileid.u32;
	s7 =	srdreg.scid;
	s28 =	simm.s32 $0x10000  }
0x5: {  	s29 =	simm.s32 $0x3;
	s30 =	simm.s32 $0x10100;
	s31 =	simm.s32 $0x1  }
0x6: {  	[smem:$0x7FF] =	sst s2;
	s5 =	sadd.s32 $0x46400, s0;
	s6 =	sadd.s32 $0x6400, s0  }
0x7: {  	s20 =	sadd.s32 $0x86600, s0;
	s4 =	sadd.s32 $0x86400, s0;
	s9 =	sshll.u32 s26, $0xB  }
0x8: {  	s23 =	sand.u32 $0x1, s7;
	s16 =	sadd.s32 $0x9E600, s0;
	s8 =	sshll.u32 s26, $0x1  }
0x9: {  	s19 =	sshll.u32 s26, $0xE;
	s14 =	sshll.u32 s26, $0x7;
	s22 =	sshll.u32 s26, $0x4  }
0xa: {  	p1 =	sgt.u32 s26, $0x7;
	p2 =	slt.u32 s26, $0x8;
	_ =	strace $0x80000050  }
0xb: {  	[dreg:$0x4] =	wrdreg s16;
	s24 =	sadd.s32 s9, s0;
	s17 =	ssub.s32 $0x2, s23  }
0xc: {  	s0 =	sadd.s32 $0x9E800, s0;
	s13 =	sor.u32 s23, s8;
	s7 =	sadd.s32 s19, s1  }
0xd: {  	s8 =	sshll.u32 s26, $0x6;
	s9 =	sadd.s32 s20, s9;
	s21 =	sadd.s32 s14, s1  }
0xe: {  	[dreg:$0x6] =	wrdreg s22;
	s22 =	sadd.s32 s20, s22;
	p0 =	seq.s32 s23, $0x1  }
0xf: {  	s26 =	simm.s32 $0x8000;
	[dreg:$0x5] =	wrdreg s0;
	s18 =	sshrl.u32 s17, $0x1  }
0x10: {  	s10 =	sor.u32 $0x1C01, s8;
	s21 =	sadd.s32 $0x40000, s21;
	s23 =	sadd.s32 $0x8E600, s24  }
0x11: {  	s25 =	sadd.s32 $0x96600, s24;
	s0 =	ssub.s32 s17, s18;
	[dreg:$0x7] =	wrdreg s23  }
0x12: {  	s18 =	sshll.u32 s13, $0xD;
	s13 =	sshll.u32 s13, $0x5;
	[dreg:$0x8] =	wrdreg s25  }
0x13: {  	s11 =	sadd.s32 s5, s18;
	s12 =	sadd.s32 s6, s18;
	s13 =	sadd.s32 s3, s13  }
.Ltmp0:
0x14: {  	s15 =	sor.u32 $0x800, s18;
	s17 =	sor.u32 $0x1000, s18;
	(pc) =	sbr.rel .LBB2_1-.Ltmp0, $4  }
0x15: {  	s19 =	sor.u32 $0x1800, s18;
	s25 =	smax.u32 s0, $0x1;
	s0 =	simm.s32 $0x4000  }
0x16: {  	s3 =	simm.s32 $0x80;
	s14 =	sadd.s32 s5, s15;
	s15 =	sadd.s32 s6, s15  }
0x17: {  	s16 =	sadd.s32 s5, s17;
	s17 =	sadd.s32 s6, s17;
	s18 =	sadd.s32 s5, s19  }
0x18: {  	s19 =	sadd.s32 s6, s19;
	s5 =	simm.s32 $0xC000;
	s6 =	simm.s32 $0x2  }
.LBB2_4:
0x19: {  	s23 =	rddreg [dreg:$0x6]  }
0x1a: {  	s23 =	sadd.s32 s24, s23;
	s24 =	sshrl.u32 s21, $0x3  }
0x1b: {  	[hbm:s23], [sflag:s20] =	dma.local [spmem:s24], $0x10  }
0x1c: {  	_ =	swait.ge [sflag:s29], $0x10  }
0x1d: {  	[sflag:s29] =	ssyncset.done $0x0  }
0x1e: {  	[sflag:s29] =	ssyncadd.s32 $0xFFFFFFF0  }
.LBB2_5:
0x1f: {  	s25 =	sadd.s32 $0xFFFFFFFF, s25  }
0x20: {  	p3 =	sne.s32 s25, $0x0  }
.Ltmp1:
0x21: {  	_ = 	snop;
	(pc) =	sbr.rel @!p3 .LBB2_6-.Ltmp1, $1  }
0x22: {  	_ =	sdelay $0x3  }
.LBB2_1:
0x23: {  	s24 =	sshrl.u32 s7, $0x3  }
0x24: {  	[spmem:s24], [sflag:s10] =	dma.local [hbm:s9], $0x800  }
0x25: {  	[tilespmem:s2], [sflag:$0x1] =	stream.linear.gather [hbm4b:s11+s2], $0x4000, $0x38;
	[tilespmem:$0x141C0] =	vst v63  }
0x26: {  	_ = 	snop  }
0x27: {  	[tilespmem:s26], [sflag:$0x1] =	stream.linear.gather [hbm4b:s12+s2], $0x4000, $0x38;
	[tilespmem:$0x141C0] =	vst v63  }
0x28: {  	_ = 	snop  }
0x29: {  	[tilespmem:s28], [sflag:$0x3] =	stream.linear.gather [hbm4b:s13+s2], $0x100, $0x38;
	[tilespmem:$0x141C0] =	vst v63  }
0x2a: {  	_ =	swait.ge [sflag:s29], $0x100  }
0x2b: {  	[sflag:s29] =	ssyncset.done $0x0  }
0x2c: {  	[sflag:s29] =	ssyncadd.s32 $0xFFFFFF00  }
0x2d: {  	[tilespmem:s30], [sflag:$0x3] =	stream.linear.gather [hbm4b:s4+s2], $0x80, $0x38;
	[tilespmem:$0x141C0] =	vst v63  }
0x2e: {  	s20 =	stileid.u32;
	_ =	swait.ge [sflag:s29], $0x80  }
0x2f: {  	s20 =	sshll.u32 @!p1 s20, $0x6;
	[sflag:s29] =	ssyncset.done $0x0  }
0x30: {  	s23 =	sshrl.u32 @!p1 s21, $0x3;
	s20 =	sor.u32 @!p1 $0x1C03, s20;
	[sflag:s29] =	ssyncadd.s32 $0xFFFFFF80  }
0x31: {  	[spmem:s23], [sflag:s20] =	dma.local @!p1 [hbm:s22], $0x10  }
0x32: {  	s20 =	simm.s32 @!p1 $0x3  }
0x33: {  	_ =	swait.ge @!p1 [sflag:s20], $0x10  }
0x34: {  	[sflag:s20] =	ssyncset.done @!p1 $0x0  }
0x35: {  	[sflag:s20] =	ssyncadd.s32 @!p1 $0xFFFFFFF0  }
0x36: {  	_ =	swait.ge [sflag:s31], $0x800  }
0x37: {  	[sflag:s31] =	ssyncset.done $0x0  }
0x38: {  	[sflag:s31] =	ssyncadd.s32 $0xFFFFF800  }
0x39: {  	_ =	swait.ge [sflag:s31], $0x4000  }
0x3a: {  	[sflag:s31] =	ssyncset.done $0x0  }
0x3b: {  	[sflag:s31] =	ssyncadd.s32 $0xFFFFC000  }
0x3c: {  	_ =	swait.ge [sflag:s31], $0x4000  }
0x3d: {  	[sflag:s31] =	ssyncset.done $0x0  }
0x3e: {  	[sflag:s31] =	ssyncadd.s32 $0xFFFFC000  }
0x3f: {  	[bflag:$0x0] =	sbarrier.arrive $0xFFFF  }
0x40: {  	[tilespmem:s0], [sflag:$0x1] =	stream.linear.gather [hbm4b:s14+s2], $0x4000, $0x38;
	[tilespmem:$0x141C0] =	vst v63  }
0x41: {  	_ = 	snop  }
0x42: {  	[tilespmem:s5], [sflag:$0x1] =	stream.linear.gather [hbm4b:s15+s2], $0x4000, $0x38;
	[tilespmem:$0x141C0] =	vst v63  }
0x43: {  	_ = 	snop  }
0x44: {  	[spmem:s1] =	stream.indirect.scatter.add.f32 [tilespmem:s2], [sflag:$0x2], $0x1, s26, s0, $0xb8;
	[tilespmem:$0x141C0] =	vst v63  }
0x45: {  	_ =	swait.ge [sflag:s6], $0x4000  }
0x46: {  	[sflag:s6] =	ssyncset.done $0x0  }
0x47: {  	[sflag:s6] =	ssyncadd.s32 $0xFFFFC000  }
0x48: {  	_ =	swait.ge [sflag:s31], $0x4000  }
0x49: {  	[sflag:s31] =	ssyncset.done $0x0  }
0x4a: {  	[sflag:s31] =	ssyncadd.s32 $0xFFFFC000  }
0x4b: {  	_ =	swait.ge [sflag:s31], $0x4000  }
0x4c: {  	[sflag:s31] =	ssyncset.done $0x0  }
0x4d: {  	[sflag:s31] =	ssyncadd.s32 $0xFFFFC000  }
0x4e: {  	[tilespmem:s2], [sflag:$0x1] =	stream.linear.gather [hbm4b:s16+s2], $0x4000, $0x38;
	[tilespmem:$0x141C0] =	vst v63  }
0x4f: {  	_ = 	snop  }
0x50: {  	[tilespmem:s26], [sflag:$0x1] =	stream.linear.gather [hbm4b:s17+s2], $0x4000, $0x38;
	[tilespmem:$0x141C0] =	vst v63  }
0x51: {  	_ = 	snop  }
0x52: {  	[spmem:s1] =	stream.indirect.scatter.add.f32 [tilespmem:s0], [sflag:$0x2], $0x1, s5, s0, $0xb8;
	[tilespmem:$0x141C0] =	vst v63  }
0x53: {  	_ =	swait.ge [sflag:s6], $0x4000  }
0x54: {  	[sflag:s6] =	ssyncset.done $0x0  }
0x55: {  	[sflag:s6] =	ssyncadd.s32 $0xFFFFC000  }
0x56: {  	_ =	swait.ge [sflag:s31], $0x4000  }
0x57: {  	[sflag:s31] =	ssyncset.done $0x0  }
0x58: {  	[sflag:s31] =	ssyncadd.s32 $0xFFFFC000  }
0x59: {  	_ =	swait.ge [sflag:s31], $0x4000  }
0x5a: {  	[sflag:s31] =	ssyncset.done $0x0  }
0x5b: {  	[sflag:s31] =	ssyncadd.s32 $0xFFFFC000  }
0x5c: {  	[tilespmem:s0], [sflag:$0x1] =	stream.linear.gather [hbm4b:s18+s2], $0x4000, $0x38;
	[tilespmem:$0x141C0] =	vst v63  }
0x5d: {  	_ = 	snop  }
0x5e: {  	[tilespmem:s5], [sflag:$0x1] =	stream.linear.gather [hbm4b:s19+s2], $0x4000, $0x38;
	[tilespmem:$0x141C0] =	vst v63  }
0x5f: {  	_ = 	snop  }
0x60: {  	[spmem:s1] =	stream.indirect.scatter.add.f32 [tilespmem:s2], [sflag:$0x2], $0x1, s26, s0, $0xb8;
	[tilespmem:$0x141C0] =	vst v63  }
0x61: {  	_ =	swait.ge [sflag:s6], $0x4000  }
0x62: {  	[sflag:s6] =	ssyncset.done $0x0  }
0x63: {  	[sflag:s6] =	ssyncadd.s32 $0xFFFFC000  }
0x64: {  	_ =	swait.ge [sflag:s31], $0x4000  }
0x65: {  	[sflag:s31] =	ssyncset.done $0x0  }
0x66: {  	[sflag:s31] =	ssyncadd.s32 $0xFFFFC000  }
0x67: {  	_ =	swait.ge [sflag:s31], $0x4000  }
0x68: {  	[sflag:s31] =	ssyncset.done $0x0  }
0x69: {  	[sflag:s31] =	ssyncadd.s32 $0xFFFFC000  }
0x6a: {  	[spmem:s1] =	stream.indirect.scatter.add.f32 [tilespmem:s0], [sflag:$0x2], $0x1, s5, s0, $0xb8;
	[tilespmem:$0x141C0] =	vst v63  }
0x6b: {  	_ =	swait.ge [sflag:s6], $0x4000  }
0x6c: {  	[sflag:s6] =	ssyncset.done $0x0  }
0x6d: {  	[sflag:s6] =	ssyncadd.s32 $0xFFFFC000  }
0x6e: {  	[spmem:s1] =	stream.indirect.scatter.add.f32 [tilespmem:s30], [sflag:$0x2], $0x1, s28, s3, $0xb8;
	[tilespmem:$0x141C0] =	vst v63  }
0x6f: {  	s23 =	simm.s32 $0x10080  }
0x70: {  	[spmem:s1] =	stream.indirect.scatter.add.f32 [tilespmem:s30], [sflag:$0x2], $0x1, s23, s3, $0xb8;
	[tilespmem:$0x141C0] =	vst v63  }
0x71: {  	_ =	swait.ge [sflag:s6], $0x80  }
0x72: {  	[sflag:s6] =	ssyncset.done $0x0  }
0x73: {  	[sflag:s6] =	ssyncadd.s32 $0xFFFFFF80  }
.Ltmp2:
0x74: {  	_ =	swait.ge [sflag:s6], $0x80;
	(pc) =	sbr.rel @!p0 .LBB2_2-.Ltmp2, $4  }
0x75: {  	[sflag:s6] =	ssyncset.done $0x0  }
0x76: {  	[sflag:s6] =	ssyncadd.s32 $0xFFFFFF80  }
0x77: {  	[bflag:$0x0] =	sbarrier.arrive $0xFFFF  }
0x78: {  	s20 =	sor.u32 $0x1C03, s8  }
0x79: {  	s20 =	sor.u32 $0x1C03, s8;
	s23 =	rddreg [dreg:$0x8]  }
0x7a: {  	[hbm:s23], [sflag:s20] =	dma.local [spmem:s24], $0x800  }
.Ltmp3:
0x7b: {  	_ = 	snop;
	(pc) =	sbr.rel @p1 .LBB2_5-.Ltmp3, $4  }
.Ltmp4:
0x7c: {  	_ = 	snop;
	(pc) =	sbr.rel @!p1 .LBB2_4-.Ltmp4, $4  }
0x7d: {  	_ =	swait.ge [sflag:s29], $0x800  }
0x7e: {  	[sflag:s29] =	ssyncset.done $0x0  }
0x7f: {  	s24 =	rddreg [dreg:$0x5];
	[sflag:s29] =	ssyncadd.s32 $0xFFFFF800  }
0x80: {  	_ = 	snop  }
.LBB2_2:
0x81: {  	s23 =	rddreg [dreg:$0x7]  }
0x82: {  	[hbm:s23], [sflag:s20] =	dma.local [spmem:s24], $0x800  }
.Ltmp5:
0x83: {  	_ = 	snop;
	(pc) =	sbr.rel @p2 .LBB2_4-.Ltmp5, $4  }
.Ltmp6:
0x84: {  	_ = 	snop;
	(pc) =	sbr.rel @!p2 .LBB2_5-.Ltmp6, $4  }
0x85: {  	_ =	swait.ge [sflag:s29], $0x800  }
0x86: {  	[sflag:s29] =	ssyncset.done $0x0  }
0x87: {  	s24 =	rddreg [dreg:$0x4];
	[sflag:s29] =	ssyncadd.s32 $0xFFFFF800  }
0x88: {  	_ = 	snop  }
.LBB2_6:
0x89: {  	_ =	sfence.sel $0x180000  }
0x8a: {  	[bflag:$0x0] =	sbarrier.arrive $0xFFFF  }
0x8b: {  	_ =	strace $0x90000050  }
0x8c: {  	s0 =	stileid.u32;
	[bflag:$0x2] =	sbarrier.arrive $0xFFFF  }
0x8d: {  	p0 =	sne.s32 s0, $0x0;
	s0 =	rddreg [dreg:$0x3]  }
0x8e: {  	s0 =	sadd.s32 @!p0 $0x100000, s0  }
0x8f: {  	[sflag:s0] =	ssyncadd.tile.s32 @!p0 $0x1;
	_ =	shalt  }
.Lfunc_end2:
_tile_overlayer_lowered:
.L_overlay_start_2:
0x90: {  	(tag) =	ssettag $0x2  }
0x91: {  	s0 =	rddreg [dreg:$0x0];
	s2 =	stileid.u32  }
0x92: {  	s1 =	rddreg [dreg:$0x1];
	p0 =	sne.s32 s2, $0x0  }
0x93: {  	s3 =	rddreg [dreg:$0x2];
	[bflag:$0x3] =	sbarrier.arrive $0xFFFF;
	s2 =	simm.s32 @!p0 $0x1C03  }
0x94: {  	[timem:s3], [sflag:s2] =	dma.local @!p0 [hbm:s0], s1  }
0x95: {  	s0 =	simm.s32 @!p0 $0x3  }
0x96: {  	_ =	swait.ge @!p0 [sflag:s0], s1  }
0x97: {  	s1 =	ssub.s32 @!p0 $0x0, s1;
	[sflag:s0] =	ssyncset.done @!p0 $0x0  }
0x98: {  	[sflag:s0] =	ssyncadd.s32 @!p0 s1  }
0x99: {  	[bflag:$0x3] =	sbarrier.arrive $0xFFFF  }
0x9a: {  	_ =	shalt  }

// kernel: kernel.26.cloned.1.call-start
scs
__scs_entry_jumppad:
0x0: {  	(pc) =	sbr.rel $0x88, $3  }
0x1: {  	(tag) =	ssettag $0x0;
	lr =	simm.s32 $0x1  }
0x2: {  	[smem:$0x3FA0] =	sst lr;
	_ =	strace $0xD0000000  }
0x3: {  	_ = 	snop  }
0x4: {  	_ = 	snop  }
0x5: {  	_ = 	snop  }
0x6: {  	_ = 	snop  }
0x7: {  	_ = 	snop  }
__scs_overlays_trampoline_lowered:
0x8: {  	[smem:$0x3FAF] =	sst s0  }
0x9: {  	[smem:$0x3FB0] =	sst s1  }
0xa: {  	[smem:$0x3FB1] =	sst s2  }
0xb: {  	[smem:$0x3FB2] =	sst s3  }
0xc: {  	[smem:$0x3FB3] =	sst s4  }
0xd: {  	[smem:$0x3FB4] =	sst s5  }
0xe: {  	[smem:$0x3FB5] =	sst s6  }
0xf: {  	[smem:$0x3FB6] =	sst s7  }
0x10: {  	[smem:$0x3FB7] =	sst s8  }
0x11: {  	[smem:$0x3FB8] =	sst s9;
	s0 =	simm.s32 @!p0 $0x0  }
0x12: {  	s1 =	sld [smem:$0x3F9E];
	s0 =	simm.s32 @p0 $0x1  }
0x13: {  	[smem:$0x3FB9] =	sst s0;
	s0 =	simm.s32 @!p1 $0x0  }
0x14: {  	s2 =	sld [smem:$0x3F9D];
	s0 =	simm.s32 @p1 $0x1  }
0x15: {  	[smem:$0x3FBA] =	sst s0;
	s0 =	simm.s32 @!p2 $0x0  }
0x16: {  	s3 =	sld [smem:$0x3FDB];
	s0 =	simm.s32 @p2 $0x1  }
0x17: {  	s4 =	simm.s32 $0x1BF5;
	[smem:$0x3FBC] =	sst s0  }
0x18: {  	s0 =	sld [smem:$0x3F9F];
	_ =	swait.ge [sflag:s4], $0x0  }
0x19: {  	s7 =	sld [smem:$0x3FA0]  }
0x1a: {  	s8 =	sadd.s32 $0xFFFFE003, lr  }
0x1b: {  	s9 =	sadd.s32 $0xFFFFFEF7, lr;
	s5 =	simm.s32 $0xFFFFFFFF;
	p2 =	slt.u32 s8, $0xFFFFF086  }
0x1c: {  	p1 =	slt.u32 s9, $0xF7A;
	s5 =	simm.s32 @!p2 $0x0  }
0x1d: {  	s5 =	simm.s32 @p1 $0x1;
	p0 =	seq.s32 s7, s2  }
0x1e: {  	s7 =	smul.u32 @!p0 $0xF7A, s2;
	p2 =	seq.s32 @!p0 s5, $0x0  }
0x1f: {  	s9 =	smul.u32 $0xF7A, s1;
	s8 =	simm.s32 @!p0 $0x1BF5;
	p2 =	por !p2, p0  }
0x20: {  	[sflag:s8] =	ssyncset.s32 @!p0 $0xFFFFF086;
	s6 =	sadd.s32 @!p0 s3, s7;
	s7 =	simm.s32 @!p0 $0x108  }
0x21: {  	s3 =	sadd.s32 s3, s9;
	s6 =	sadd.s32 @!p0 $0x88, s6;
	s7 =	simm.s32 @p2 $0x1082  }
0x22: {  	[simem:s7], [sflag:s8] =	dma.local @!p0 [hbm:s6], $0xF7A  }
0x23: {  	s9 =	sor.u32 $0xD0000000, s2;
	s6 =	simm.s32 $0x108;
	_ =	swait.ge @!p0 [sflag:s8], $0x0  }
0x24: {  	s3 =	sadd.s32 $0x88, s3;
	s6 =	simm.s32 @!p1 $0x1082;
	[sflag:s4] =	ssyncset.s32 $0xFFFFF086  }
0x25: {  	[simem:s6], [sflag:s4] =	dma.local [hbm:s3], $0xF7A  }
0x26: {  	[smem:$0x3FA0] =	sst s1;
	(tag) =	ssettag s2;
	_ =	strace s9  }
0x27: {  	s1 =	sld [smem:$0x3FB0]  }
0x28: {  	s2 =	sld [smem:$0x3FB1]  }
0x29: {  	s4 =	sld [smem:$0x3FB3]  }
0x2a: {  	p0 =	seq.s32 s5, $0x0;
	s5 =	sld [smem:$0x3FB4]  }
0x2b: {  	s6 =	sld [smem:$0x3FB5]  }
0x2c: {  	s7 =	sld [smem:$0x3FB6]  }
0x2d: {  	s3 =	simm.s32 $0x108;
	s8 =	sld [smem:$0x3FB7]  }
0x2e: {  	s3 =	simm.s32 @!p0 $0x1082;
	s9 =	sld [smem:$0x3FB8]  }
0x2f: {  	lr =	sadd.s32 s0, s3;
	s0 =	sld [smem:$0x3FAF]  }
0x30: {  	s3 =	sld [smem:$0x3FB2]  }
0x31: {  	[smem:$0x3FBB] =	sst s10  }
0x32: {  	s10 =	sld [smem:$0x3FB9];
	_ =	sdelay $0x3  }
0x33: {  	p0 =	seq.s32 s10, $0x1;
	s10 =	sld [smem:$0x3FBB];
	_ =	sdelay $0x3  }
0x34: {  	[smem:$0x3FBB] =	sst s10  }
0x35: {  	s10 =	sld [smem:$0x3FBA];
	_ =	sdelay $0x3  }
0x36: {  	p1 =	seq.s32 s10, $0x1;
	s10 =	sld [smem:$0x3FBB];
	_ =	sdelay $0x3  }
0x37: {  	[smem:$0x3FBB] =	sst s10  }
0x38: {  	s10 =	sld [smem:$0x3FBC]  }
0x39: {  	_ = 	snop;
	(pc) =	sbr.ind lr, $3  }
0x3a: {  	_ = 	snop  }
0x3b: {  	_ = 	snop  }
0x3c: {  	p2 =	seq.s32 s10, $0x1;
	s10 =	sld [smem:$0x3FBB]  }
0x3d: {  	_ =	shalt  }
0x3e: {  	_ =	shalt  }
0x3f: {  	_ =	shalt  }
0x40: {  	_ =	shalt  }
0x41: {  	_ =	shalt  }
0x42: {  	_ =	shalt  }
0x43: {  	_ =	shalt  }
0x44: {  	_ =	shalt  }
0x45: {  	_ =	shalt  }
0x46: {  	_ =	shalt  }
0x47: {  	_ =	shalt  }
0x48: {  	_ =	shalt  }
0x49: {  	_ =	shalt  }
0x4a: {  	_ =	shalt  }
0x4b: {  	_ =	shalt  }
0x4c: {  	_ =	shalt  }
0x4d: {  	_ =	shalt  }
0x4e: {  	_ =	shalt  }
0x4f: {  	_ =	shalt  }
0x50: {  	_ =	shalt  }
0x51: {  	_ =	shalt  }
0x52: {  	_ =	shalt  }
0x53: {  	_ =	shalt  }
0x54: {  	_ =	shalt  }
0x55: {  	_ =	shalt  }
0x56: {  	_ =	shalt  }
0x57: {  	_ =	shalt  }
0x58: {  	_ =	shalt  }
0x59: {  	_ =	shalt  }
0x5a: {  	_ =	shalt  }
0x5b: {  	_ =	shalt  }
0x5c: {  	_ =	shalt  }
0x5d: {  	_ =	shalt  }
0x5e: {  	_ =	shalt  }
0x5f: {  	_ =	shalt  }
0x60: {  	_ =	shalt  }
0x61: {  	_ =	shalt  }
0x62: {  	_ =	shalt  }
0x63: {  	_ =	shalt  }
0x64: {  	_ =	shalt  }
0x65: {  	_ =	shalt  }
0x66: {  	_ =	shalt  }
0x67: {  	_ =	shalt  }
0x68: {  	_ =	shalt  }
0x69: {  	_ =	shalt  }
0x6a: {  	_ =	shalt  }
0x6b: {  	_ =	shalt  }
0x6c: {  	_ =	shalt  }
0x6d: {  	_ =	shalt  }
0x6e: {  	_ =	shalt  }
0x6f: {  	_ =	shalt  }
0x70: {  	_ =	shalt  }
0x71: {  	_ =	shalt  }
0x72: {  	_ =	shalt  }
0x73: {  	_ =	shalt  }
0x74: {  	_ =	shalt  }
0x75: {  	_ =	shalt  }
0x76: {  	_ =	shalt  }
0x77: {  	_ =	shalt  }
0x78: {  	_ =	shalt  }
0x79: {  	_ =	shalt  }
0x7a: {  	_ =	shalt  }
0x7b: {  	_ =	shalt  }
0x7c: {  	_ =	shalt  }
0x7d: {  	_ =	shalt  }
0x7e: {  	_ =	shalt  }
0x7f: {  	_ =	shalt  }
0x80: {  	_ =	shalt  }
0x81: {  	_ =	shalt  }
0x82: {  	_ =	shalt  }
0x83: {  	_ =	shalt  }
0x84: {  	_ =	shalt  }
0x85: {  	_ =	shalt  }
0x86: {  	_ =	shalt  }
0x87: {  	_ =	shalt  }
.Lfunc_end0:
.L_simem_size_0:
called_computation.4_lowered:
.L_overlay_start_0:
0x88: {  	s2 =	sld [smem:$0x3FD9]  }
0x89: {  	s3 =	sld [smem:$0x3FFE];
	_ =	sdelay $0x1  }
0x8a: {  	s1 =	srdreg.scid  }
0x8b: {  	s0 =	sand.u32 $0x1, s1  }
0x8c: {  	s17 =	sshll.u32 s0, $0xA;
	s2 =	sadd.s32 s3, s2  }
0x8d: {  	s2 =	sadd.s32 s2, s17  }
0x8e: {  	[smem:$0x3FC7] =	sst s2  }
0x8f: {  	_ = 	snop  }
0x90: {  	s2 =	sld [smem:$0x3FD0];
	(tm) =	ssettm $0x1  }
0x91: {  	s18 =	sld [smem:$0x3FFB];
	_ =	sdelay $0x3  }
0x92: {  	_ =	strace s18  }
0x93: {  	s3 =	sld [smem:$0x3FFC];
	_ =	sdelay $0x3  }
0x94: {  	_ =	strace s3  }
0x95: {  	s3 =	sld [smem:$0x3FFD];
	_ =	sdelay $0x3  }
0x96: {  	_ =	strace s3  }
0x97: {  	_ =	strace $0x8FFFFFFF  }
0x98: {  	s19 =	sld [smem:$0x3FDB];
	_ =	sdelay $0x1  }
0x99: {  	s4 =	simm.s32 $_scs_section_size  }
0x9a: {  	s5 =	simm.s32 $_size__tile_overlayer_lowered;
	s6 =	simm.s32 $_tile_overlayer_lowered  }
0x9b: {  	s22 =	simm.s32 $0x1BFF;
	s21 =	sshll.u32 s6, $0x1;
	s3 =	sadd.s32 s4, s19  }
0x9c: {  	s7 =	simm.s32 $0x0;
	s20 =	sshll.u32 s5, $0x1;
	s5 =	sadd.s32 s21, s3  }
0x9d: {  	[timem:s7], [sflag:s22] =	dma.local [hbm:s5], s20  }
0x9e: {  	_ =	swait.ge [sflag:s22], s20  }
0x9f: {  	s4 =	ssub.s32 $0x0, s20;
	[sflag:s22] =	ssyncset.done $0x0  }
0xa0: {  	[sflag:s22] =	ssyncadd.s32 s4;
	_ =	sdelay $0x1  }
0xa1: {  	s23 =	simm.s32 $0x1B8B  }
0xa2: {  	_ =	swait.ge [sflag:s23], $0x1  }
0xa3: {  	[sflag:s23] =	ssyncset.done $0x0  }
0xa4: {  	s25 =	simm.s32 $0x1B8E;
	s24 =	sld [smem:$0x3FFE];
	[sflag:s23] =	ssyncadd.s32 $0xFFFFFFFF  }
0xa5: {  	s26 =	simm.s32 $execute0_lowered;
	[smem:$0x3FD2] =	sst s25  }
0xa6: {  	s5 =	sshll.u32 s26, $0x1;
	_ =	strace $0x80000052;
	[dreg:$0x1] =	wrdreg $0xFFFFFFFF  }
0xa7: {  	s28 =	simm.s32 $_size_execute0_lowered;
	s3 =	sadd.s32 s3, s5;
	[dreg:$0x0] =	wrdreg $0x0  }
0xa8: {  	s5 =	sshll.u32 s28, $0x1;
	[dreg:$0x2] =	wrdreg s3  }
0xa9: {  	[dreg:$0x3] =	wrdreg s5  }
0xaa: {  	[dreg:$0x4] =	wrdreg $0xC0  }
0xab: {  	_ =	task [dreg:s7], $0x5FFFF  }
0xac: {  	[dreg:$0x1] =	wrdreg $0xFFFFFFFF  }
0xad: {  	[dreg:$0x0] =	wrdreg $0x60  }
0xae: {  	[dreg:$0x2] =	wrdreg s24  }
0xaf: {  	[dreg:$0x3] =	wrdreg s2  }
0xb0: {  	[dreg:$0x4] =	wrdreg $0x101800  }
0xb1: {  	[dreg:$0x5] =	wrdreg $0x9  }
0xb2: {  	_ =	task.clear_ibuf [dreg:s7], $0x6FFFF;
	_ =	strace $0x90000052  }
0xb3: {  	s29 =	simm.s32 $0x9;
	_ =	strace $0x80000054  }
0xb4: {  	_ =	swait.ge [sflag:s29], $0x1  }
0xb5: {  	[sflag:s29] =	ssyncadd.s32 $0xFFFFFFFF  }
0xb6: {  	_ =	strace $0x90000054  }
0xb7: {  	_ =	sfence  }
0xb8: {  	s30 =	sld [smem:$0x0];
	_ =	sdelay $0x2  }
0xb9: {  	s31 =	sshll.u32 s1, $0xD;
	s1 =	sshrl.u32 s1, $0x2  }
0xba: {  	s3 =	sand.u32 $0x4000, s31;
	s1 =	sadd.s32 s1, s30  }
0xbb: {  	s0 =	sor.u32 s3, s0;
	s1 =	sshll.u32 s1, $0x11  }
0xbc: {  	s0 =	sor.u32 s1, s0  }
0xbd: {  	s0 =	sadd.s32 $0x8F2B, s0  }
0xbe: {  	[sflag:s0] =	ssyncadd.remote.s32 $0x1  }
0xbf: {  	_ =	sfence.sel $0xFFFF  }
0xc0: {  	[dreg:$0x0] =	wrdreg $0xFFFFFFFF;
	(pc) =	sbr.abs _section_cstart, $3  }
0xc1: {  	[dreg:$0x1] =	wrdreg $0xFFFFFFFF  }
0xc2: {  	_ =	task.clear_ibuf [dreg:s7], $0x2FFFF;
	_ =	strace $0x9FFFFFFF  }
0xc3: {  	(tm) =	ssettm $0x7FFFFFFF  }
tec
execute0_lowered:
.L_overlay_start_1:
0x0: {  	(tag) =	ssettag $0x1  }
0x1: {  	s0 =	rddreg [dreg:$0x0]  }
0x2: {  	s3 =	rddreg [dreg:$0x1]  }
0x3: {  	s1 =	rddreg [dreg:$0x2];
	s2 =	simm.s32 $0x0  }
0x4: {  	s26 =	stileid.u32;
	s7 =	srdreg.scid;
	s28 =	simm.s32 $0x10000  }
0x5: {  	s29 =	simm.s32 $0x3;
	s30 =	simm.s32 $0x10100;
	s31 =	simm.s32 $0x1  }
0x6: {  	[smem:$0x7FF] =	sst s2;
	s5 =	sadd.s32 $0x46400, s0;
	s6 =	sadd.s32 $0x6400, s0  }
0x7: {  	s20 =	sadd.s32 $0x86600, s0;
	s4 =	sadd.s32 $0x86400, s0;
	s9 =	sshll.u32 s26, $0xB  }
0x8: {  	s23 =	sand.u32 $0x1, s7;
	s16 =	sadd.s32 $0x9E600, s0;
	s8 =	sshll.u32 s26, $0x1  }
0x9: {  	s19 =	sshll.u32 s26, $0xE;
	s14 =	sshll.u32 s26, $0x7;
	s22 =	sshll.u32 s26, $0x4  }
0xa: {  	p1 =	sgt.u32 s26, $0x7;
	p2 =	slt.u32 s26, $0x8;
	_ =	strace $0x80000053  }
0xb: {  	[dreg:$0x4] =	wrdreg s16;
	s24 =	sadd.s32 s9, s0;
	s17 =	ssub.s32 $0x2, s23  }
0xc: {  	s0 =	sadd.s32 $0x9E800, s0;
	s13 =	sor.u32 s23, s8;
	s7 =	sadd.s32 s19, s1  }
0xd: {  	s8 =	sshll.u32 s26, $0x6;
	s9 =	sadd.s32 s20, s9;
	s21 =	sadd.s32 s14, s1  }
0xe: {  	[dreg:$0x6] =	wrdreg s22;
	s22 =	sadd.s32 s20, s22;
	p0 =	seq.s32 s23, $0x1  }
0xf: {  	s26 =	simm.s32 $0x8000;
	[dreg:$0x5] =	wrdreg s0;
	s18 =	sshrl.u32 s17, $0x1  }
0x10: {  	s10 =	sor.u32 $0x1C01, s8;
	s21 =	sadd.s32 $0x40000, s21;
	s23 =	sadd.s32 $0x8E600, s24  }
0x11: {  	s25 =	sadd.s32 $0x96600, s24;
	s0 =	ssub.s32 s17, s18;
	[dreg:$0x7] =	wrdreg s23  }
0x12: {  	s18 =	sshll.u32 s13, $0xD;
	s13 =	sshll.u32 s13, $0x5;
	[dreg:$0x8] =	wrdreg s25  }
0x13: {  	s11 =	sadd.s32 s5, s18;
	s12 =	sadd.s32 s6, s18;
	s13 =	sadd.s32 s3, s13  }
.Ltmp0:
0x14: {  	s15 =	sor.u32 $0x800, s18;
	s17 =	sor.u32 $0x1000, s18;
	(pc) =	sbr.rel .LBB2_1-.Ltmp0, $4  }
0x15: {  	s19 =	sor.u32 $0x1800, s18;
	s25 =	smax.u32 s0, $0x1;
	s0 =	simm.s32 $0x4000  }
0x16: {  	s3 =	simm.s32 $0x80;
	s14 =	sadd.s32 s5, s15;
	s15 =	sadd.s32 s6, s15  }
0x17: {  	s16 =	sadd.s32 s5, s17;
	s17 =	sadd.s32 s6, s17;
	s18 =	sadd.s32 s5, s19  }
0x18: {  	s19 =	sadd.s32 s6, s19;
	s5 =	simm.s32 $0xC000;
	s6 =	simm.s32 $0x2  }
.LBB2_4:
0x19: {  	s23 =	rddreg [dreg:$0x6]  }
0x1a: {  	s23 =	sadd.s32 s24, s23;
	s24 =	sshrl.u32 s21, $0x3  }
0x1b: {  	[hbm:s23], [sflag:s20] =	dma.local [spmem:s24], $0x10  }
0x1c: {  	_ =	swait.ge [sflag:s29], $0x10  }
0x1d: {  	[sflag:s29] =	ssyncset.done $0x0  }
0x1e: {  	[sflag:s29] =	ssyncadd.s32 $0xFFFFFFF0  }
.LBB2_5:
0x1f: {  	s25 =	sadd.s32 $0xFFFFFFFF, s25  }
0x20: {  	p3 =	sne.s32 s25, $0x0  }
.Ltmp1:
0x21: {  	_ = 	snop;
	(pc) =	sbr.rel @!p3 .LBB2_6-.Ltmp1, $1  }
0x22: {  	_ =	sdelay $0x3  }
.LBB2_1:
0x23: {  	s24 =	sshrl.u32 s7, $0x3  }
0x24: {  	[spmem:s24], [sflag:s10] =	dma.local [hbm:s9], $0x800  }
0x25: {  	[tilespmem:s2], [sflag:$0x1] =	stream.linear.gather [hbm4b:s11+s2], $0x4000, $0x38;
	[tilespmem:$0x141C0] =	vst v63  }
0x26: {  	_ = 	snop  }
0x27: {  	[tilespmem:s26], [sflag:$0x1] =	stream.linear.gather [hbm4b:s12+s2], $0x4000, $0x38;
	[tilespmem:$0x141C0] =	vst v63  }
0x28: {  	_ = 	snop  }
0x29: {  	[tilespmem:s28], [sflag:$0x3] =	stream.linear.gather [hbm4b:s13+s2], $0x100, $0x38;
	[tilespmem:$0x141C0] =	vst v63  }
0x2a: {  	_ =	swait.ge [sflag:s29], $0x100  }
0x2b: {  	[sflag:s29] =	ssyncset.done $0x0  }
0x2c: {  	[sflag:s29] =	ssyncadd.s32 $0xFFFFFF00  }
0x2d: {  	[tilespmem:s30], [sflag:$0x3] =	stream.linear.gather [hbm4b:s4+s2], $0x80, $0x38;
	[tilespmem:$0x141C0] =	vst v63  }
0x2e: {  	s20 =	stileid.u32;
	_ =	swait.ge [sflag:s29], $0x80  }
0x2f: {  	s20 =	sshll.u32 @!p1 s20, $0x6;
	[sflag:s29] =	ssyncset.done $0x0  }
0x30: {  	s23 =	sshrl.u32 @!p1 s21, $0x3;
	s20 =	sor.u32 @!p1 $0x1C03, s20;
	[sflag:s29] =	ssyncadd.s32 $0xFFFFFF80  }
0x31: {  	[spmem:s23], [sflag:s20] =	dma.local @!p1 [hbm:s22], $0x10  }
0x32: {  	s20 =	simm.s32 @!p1 $0x3  }
0x33: {  	_ =	swait.ge @!p1 [sflag:s20], $0x10  }
0x34: {  	[sflag:s20] =	ssyncset.done @!p1 $0x0  }
0x35: {  	[sflag:s20] =	ssyncadd.s32 @!p1 $0xFFFFFFF0  }
0x36: {  	_ =	swait.ge [sflag:s31], $0x800  }
0x37: {  	[sflag:s31] =	ssyncset.done $0x0  }
0x38: {  	[sflag:s31] =	ssyncadd.s32 $0xFFFFF800  }
0x39: {  	_ =	swait.ge [sflag:s31], $0x4000  }
0x3a: {  	[sflag:s31] =	ssyncset.done $0x0  }
0x3b: {  	[sflag:s31] =	ssyncadd.s32 $0xFFFFC000  }
0x3c: {  	_ =	swait.ge [sflag:s31], $0x4000  }
0x3d: {  	[sflag:s31] =	ssyncset.done $0x0  }
0x3e: {  	[sflag:s31] =	ssyncadd.s32 $0xFFFFC000  }
0x3f: {  	[bflag:$0x0] =	sbarrier.arrive $0xFFFF  }
0x40: {  	[tilespmem:s0], [sflag:$0x1] =	stream.linear.gather [hbm4b:s14+s2], $0x4000, $0x38;
	[tilespmem:$0x141C0] =	vst v63  }
0x41: {  	_ = 	snop  }
0x42: {  	[tilespmem:s5], [sflag:$0x1] =	stream.linear.gather [hbm4b:s15+s2], $0x4000, $0x38;
	[tilespmem:$0x141C0] =	vst v63  }
0x43: {  	_ = 	snop  }
0x44: {  	[spmem:s1] =	stream.indirect.scatter.add.f32 [tilespmem:s2], [sflag:$0x2], $0x1, s26, s0, $0xb8;
	[tilespmem:$0x141C0] =	vst v63  }
0x45: {  	_ =	swait.ge [sflag:s6], $0x4000  }
0x46: {  	[sflag:s6] =	ssyncset.done $0x0  }
0x47: {  	[sflag:s6] =	ssyncadd.s32 $0xFFFFC000  }
0x48: {  	_ =	swait.ge [sflag:s31], $0x4000  }
0x49: {  	[sflag:s31] =	ssyncset.done $0x0  }
0x4a: {  	[sflag:s31] =	ssyncadd.s32 $0xFFFFC000  }
0x4b: {  	_ =	swait.ge [sflag:s31], $0x4000  }
0x4c: {  	[sflag:s31] =	ssyncset.done $0x0  }
0x4d: {  	[sflag:s31] =	ssyncadd.s32 $0xFFFFC000  }
0x4e: {  	[tilespmem:s2], [sflag:$0x1] =	stream.linear.gather [hbm4b:s16+s2], $0x4000, $0x38;
	[tilespmem:$0x141C0] =	vst v63  }
0x4f: {  	_ = 	snop  }
0x50: {  	[tilespmem:s26], [sflag:$0x1] =	stream.linear.gather [hbm4b:s17+s2], $0x4000, $0x38;
	[tilespmem:$0x141C0] =	vst v63  }
0x51: {  	_ = 	snop  }
0x52: {  	[spmem:s1] =	stream.indirect.scatter.add.f32 [tilespmem:s0], [sflag:$0x2], $0x1, s5, s0, $0xb8;
	[tilespmem:$0x141C0] =	vst v63  }
0x53: {  	_ =	swait.ge [sflag:s6], $0x4000  }
0x54: {  	[sflag:s6] =	ssyncset.done $0x0  }
0x55: {  	[sflag:s6] =	ssyncadd.s32 $0xFFFFC000  }
0x56: {  	_ =	swait.ge [sflag:s31], $0x4000  }
0x57: {  	[sflag:s31] =	ssyncset.done $0x0  }
0x58: {  	[sflag:s31] =	ssyncadd.s32 $0xFFFFC000  }
0x59: {  	_ =	swait.ge [sflag:s31], $0x4000  }
0x5a: {  	[sflag:s31] =	ssyncset.done $0x0  }
0x5b: {  	[sflag:s31] =	ssyncadd.s32 $0xFFFFC000  }
0x5c: {  	[tilespmem:s0], [sflag:$0x1] =	stream.linear.gather [hbm4b:s18+s2], $0x4000, $0x38;
	[tilespmem:$0x141C0] =	vst v63  }
0x5d: {  	_ = 	snop  }
0x5e: {  	[tilespmem:s5], [sflag:$0x1] =	stream.linear.gather [hbm4b:s19+s2], $0x4000, $0x38;
	[tilespmem:$0x141C0] =	vst v63  }
0x5f: {  	_ = 	snop  }
0x60: {  	[spmem:s1] =	stream.indirect.scatter.add.f32 [tilespmem:s2], [sflag:$0x2], $0x1, s26, s0, $0xb8;
	[tilespmem:$0x141C0] =	vst v63  }
0x61: {  	_ =	swait.ge [sflag:s6], $0x4000  }
0x62: {  	[sflag:s6] =	ssyncset.done $0x0  }
0x63: {  	[sflag:s6] =	ssyncadd.s32 $0xFFFFC000  }
0x64: {  	_ =	swait.ge [sflag:s31], $0x4000  }
0x65: {  	[sflag:s31] =	ssyncset.done $0x0  }
0x66: {  	[sflag:s31] =	ssyncadd.s32 $0xFFFFC000  }
0x67: {  	_ =	swait.ge [sflag:s31], $0x4000  }
0x68: {  	[sflag:s31] =	ssyncset.done $0x0  }
0x69: {  	[sflag:s31] =	ssyncadd.s32 $0xFFFFC000  }
0x6a: {  	[spmem:s1] =	stream.indirect.scatter.add.f32 [tilespmem:s0], [sflag:$0x2], $0x1, s5, s0, $0xb8;
	[tilespmem:$0x141C0] =	vst v63  }
0x6b: {  	_ =	swait.ge [sflag:s6], $0x4000  }
0x6c: {  	[sflag:s6] =	ssyncset.done $0x0  }
0x6d: {  	[sflag:s6] =	ssyncadd.s32 $0xFFFFC000  }
0x6e: {  	[spmem:s1] =	stream.indirect.scatter.add.f32 [tilespmem:s30], [sflag:$0x2], $0x1, s28, s3, $0xb8;
	[tilespmem:$0x141C0] =	vst v63  }
0x6f: {  	s23 =	simm.s32 $0x10080  }
0x70: {  	[spmem:s1] =	stream.indirect.scatter.add.f32 [tilespmem:s30], [sflag:$0x2], $0x1, s23, s3, $0xb8;
	[tilespmem:$0x141C0] =	vst v63  }
0x71: {  	_ =	swait.ge [sflag:s6], $0x80  }
0x72: {  	[sflag:s6] =	ssyncset.done $0x0  }
0x73: {  	[sflag:s6] =	ssyncadd.s32 $0xFFFFFF80  }
.Ltmp2:
0x74: {  	_ =	swait.ge [sflag:s6], $0x80;
	(pc) =	sbr.rel @!p0 .LBB2_2-.Ltmp2, $4  }
0x75: {  	[sflag:s6] =	ssyncset.done $0x0  }
0x76: {  	[sflag:s6] =	ssyncadd.s32 $0xFFFFFF80  }
0x77: {  	[bflag:$0x0] =	sbarrier.arrive $0xFFFF  }
0x78: {  	s20 =	sor.u32 $0x1C03, s8  }
0x79: {  	s20 =	sor.u32 $0x1C03, s8;
	s23 =	rddreg [dreg:$0x8]  }
0x7a: {  	[hbm:s23], [sflag:s20] =	dma.local [spmem:s24], $0x800  }
.Ltmp3:
0x7b: {  	_ = 	snop;
	(pc) =	sbr.rel @p1 .LBB2_5-.Ltmp3, $4  }
.Ltmp4:
0x7c: {  	_ = 	snop;
	(pc) =	sbr.rel @!p1 .LBB2_4-.Ltmp4, $4  }
0x7d: {  	_ =	swait.ge [sflag:s29], $0x800  }
0x7e: {  	[sflag:s29] =	ssyncset.done $0x0  }
0x7f: {  	s24 =	rddreg [dreg:$0x5];
	[sflag:s29] =	ssyncadd.s32 $0xFFFFF800  }
0x80: {  	_ = 	snop  }
.LBB2_2:
0x81: {  	s23 =	rddreg [dreg:$0x7]  }
0x82: {  	[hbm:s23], [sflag:s20] =	dma.local [spmem:s24], $0x800  }
.Ltmp5:
0x83: {  	_ = 	snop;
	(pc) =	sbr.rel @p2 .LBB2_4-.Ltmp5, $4  }
.Ltmp6:
0x84: {  	_ = 	snop;
	(pc) =	sbr.rel @!p2 .LBB2_5-.Ltmp6, $4  }
0x85: {  	_ =	swait.ge [sflag:s29], $0x800  }
0x86: {  	[sflag:s29] =	ssyncset.done $0x0  }
0x87: {  	s24 =	rddreg [dreg:$0x4];
	[sflag:s29] =	ssyncadd.s32 $0xFFFFF800  }
0x88: {  	_ = 	snop  }
.LBB2_6:
0x89: {  	_ =	sfence.sel $0x180000  }
0x8a: {  	[bflag:$0x0] =	sbarrier.arrive $0xFFFF  }
0x8b: {  	_ =	strace $0x90000053  }
0x8c: {  	s0 =	stileid.u32;
	[bflag:$0x2] =	sbarrier.arrive $0xFFFF  }
0x8d: {  	p0 =	sne.s32 s0, $0x0;
	s0 =	rddreg [dreg:$0x3]  }
0x8e: {  	s0 =	sadd.s32 @!p0 $0x100000, s0  }
0x8f: {  	[sflag:s0] =	ssyncadd.tile.s32 @!p0 $0x1;
	_ =	shalt  }
.Lfunc_end2:
_tile_overlayer_lowered:
.L_overlay_start_2:
0x90: {  	(tag) =	ssettag $0x2  }
0x91: {  	s0 =	rddreg [dreg:$0x0];
	s2 =	stileid.u32  }
0x92: {  	s1 =	rddreg [dreg:$0x1];
	p0 =	sne.s32 s2, $0x0  }
0x93: {  	s3 =	rddreg [dreg:$0x2];
	[bflag:$0x3] =	sbarrier.arrive $0xFFFF;
	s2 =	simm.s32 @!p0 $0x1C03  }
0x94: {  	[timem:s3], [sflag:s2] =	dma.local @!p0 [hbm:s0], s1  }
0x95: {  	s0 =	simm.s32 @!p0 $0x3  }
0x96: {  	_ =	swait.ge @!p0 [sflag:s0], s1  }
0x97: {  	s1 =	ssub.s32 @!p0 $0x0, s1;
	[sflag:s0] =	ssyncset.done @!p0 $0x0  }
0x98: {  	[sflag:s0] =	ssyncadd.s32 @!p0 s1  }
0x99: {  	[bflag:$0x3] =	sbarrier.arrive $0xFFFF  }
0x9a: {  	_ =	shalt  }

</sc_bundles>
